<compile_context>
chip_gen: v7x
topology: tpu7x:2x2x1
jax: 0.10.2.dev20260603
libtpu: 0.0.44.dev20260713+nightly
codegen_flags: <defaults>
</compile_context>

<pallas_src>
import functools

import jax
import jax.numpy as jnp
from jax import lax
from jax.experimental import pallas as pl
from jax.experimental.pallas import tpu as pltpu
from jax.experimental.pallas import tpu_sc as plsc

D = 768
E = 64
H = 1536
N = 16384
TB = 512
NB = N // TB
T = 256
NT = N // T + E - 1
NTP = NT + 1
NROWS = NT * T

SC_CORES = 2
SC_SUBCORES = 16
NW = SC_CORES * SC_SUBCORES
ROWS_PER_W = N // NW
CH = 64
NCH = ROWS_PER_W // CH


def _router_body(x_ref, wg_ref, bg_ref, gate_ref, e_ref, rank_ref,
                 counts_ref, run_ref):
    i = pl.program_id(0)

    @pl.when(i == 0)
    def _():
        run_ref[...] = jnp.zeros_like(run_ref)

    xb = x_ref[...]
    logits = jnp.dot(xb, wg_ref[...], preferred_element_type=jnp.float32)
    logits = logits + bg_ref[...]
    m = jnp.max(logits, axis=1, keepdims=True)
    lane = lax.broadcasted_iota(jnp.int32, (TB, E), 1)
    idx = jnp.min(jnp.where(logits == m, lane, E), axis=1, keepdims=True)
    oh = (lane == idx).astype(jnp.float32)
    gate_ref[...] = oh
    e_ref[...] = idx
    tri = (lax.broadcasted_iota(jnp.int32, (TB, TB), 0)
           > lax.broadcasted_iota(jnp.int32, (TB, TB), 1)).astype(jnp.float32)
    excl = jnp.dot(tri, oh, preferred_element_type=jnp.float32) + run_ref[...]
    rank_ref[...] = jnp.sum(excl * oh, axis=1, keepdims=True).astype(jnp.int32)
    run_ref[...] = run_ref[...] + jnp.sum(oh, axis=0, keepdims=True)
    counts_ref[...] = run_ref[...]


def _router(x_flat, Wg, bg):
    return pl.pallas_call(
        _router_body,
        grid=(NB,),
        in_specs=[
            pl.BlockSpec((TB, D), lambda i: (i, 0)),
            pl.BlockSpec((D, E), lambda i: (0, 0)),
            pl.BlockSpec((1, E), lambda i: (0, 0)),
        ],
        out_specs=[
            pl.BlockSpec((TB, E), lambda i: (i, 0)),
            pl.BlockSpec((TB, 1), lambda i: (i, 0)),
            pl.BlockSpec((TB, 1), lambda i: (i, 0)),
            pl.BlockSpec((1, E), lambda i: (0, 0)),
        ],
        out_shape=[
            jax.ShapeDtypeStruct((N, E), jnp.float32),
            jax.ShapeDtypeStruct((N, 1), jnp.int32),
            jax.ShapeDtypeStruct((N, 1), jnp.int32),
            jax.ShapeDtypeStruct((1, E), jnp.float32),
        ],
        scratch_shapes=[pltpu.VMEM((1, E), jnp.float32)],
    )(x_flat, Wg, bg.reshape(1, E))


def _plan_body(counts_ref, gate_ref, rank_ref, p_ref, te_ref, ntu_ref):
    tiles = (counts_ref[...].astype(jnp.int32) + (T - 1)) // T

    def shr(v, k):
        return jnp.concatenate([jnp.zeros((1, k), v.dtype), v[:, :E - k]],
                               axis=1)

    s = shr(tiles, 1)
    for k in (1, 2, 4, 8, 16, 32):
        s = s + shr(s, k)
    starts = s * T

    st = jnp.sum(gate_ref[...] * starts.astype(jnp.float32), axis=1,
                 keepdims=True)
    p_ref[...] = rank_ref[...] + st.astype(jnp.int32)

    slot = lax.broadcasted_iota(jnp.int32, (NTP, E), 0) * T
    te_ref[...] = jnp.sum((starts <= slot).astype(jnp.int32), axis=1,
                          keepdims=True) - 1
    ntu_ref[...] = jnp.sum(tiles, axis=1, keepdims=True)


def _plan(counts, gate, rank):
    return pl.pallas_call(
        _plan_body,
        grid=(NB,),
        in_specs=[
            pl.BlockSpec((1, E), lambda i: (0, 0)),
            pl.BlockSpec((TB, E), lambda i: (i, 0)),
            pl.BlockSpec((TB, 1), lambda i: (i, 0)),
        ],
        out_specs=[
            pl.BlockSpec((TB, 1), lambda i: (i, 0)),
            pl.BlockSpec((NTP, 1), lambda i: (0, 0)),
            pl.BlockSpec((1, 1), lambda i: (0, 0)),
        ],
        out_shape=[
            jax.ShapeDtypeStruct((N, 1), jnp.int32),
            jax.ShapeDtypeStruct((NTP, 1), jnp.int32),
            jax.ShapeDtypeStruct((1, 1), jnp.int32),
        ],
    )(counts, gate, rank)


@functools.cache
def _sc_kernels():
    mesh = plsc.VectorSubcoreMesh(core_axis_name="c", subcore_axis_name="s",
                                  num_cores=SC_CORES, num_subcores=SC_SUBCORES)
    scratch = [
        pltpu.VMEM((CH,), jnp.int32),
        pltpu.VMEM((CH,), jnp.int32),
        pltpu.VMEM((CH, D), jnp.float32),
        pltpu.VMEM((CH, D), jnp.float32),
        pltpu.SemaphoreType.DMA,
        pltpu.SemaphoreType.DMA,
        pltpu.SemaphoreType.DMA,
    ]

    @functools.partial(
        pl.kernel,
        out_type=jax.ShapeDtypeStruct((NROWS, D), jnp.float32),
        mesh=mesh,
        scratch_types=scratch,
    )
    def scatter(x_hbm, p_hbm, xs_hbm, idx0, idx1, rows0, rows1, sem0, sem1,
                sem_w):
        wid = lax.axis_index("s") * SC_CORES + lax.axis_index("c")
        base = wid * ROWS_PER_W
        idx = (idx0, idx1)
        rows = (rows0, rows1)
        sems = (sem0, sem1)
        pltpu.async_copy(p_hbm.at[pl.ds(base, CH)], idx0, sem0)
        pltpu.async_copy(x_hbm.at[pl.ds(base, CH), :], rows0, sem0)
        for c in range(NCH):
            b = c % 2
            nb = (c + 1) % 2
            if c + 1 < NCH:
                off = base + (c + 1) * CH
                pltpu.async_copy(p_hbm.at[pl.ds(off, CH)], idx[nb], sems[nb])
                pltpu.async_copy(x_hbm.at[pl.ds(off, CH), :], rows[nb],
                                 sems[nb])
            pltpu.make_async_copy(p_hbm.at[pl.ds(base, CH)], idx[b],
                                  sems[b]).wait()
            pltpu.make_async_copy(x_hbm.at[pl.ds(base, CH), :], rows[b],
                                  sems[b]).wait()
            pltpu.async_copy(rows[b], xs_hbm.at[idx[b]], sem_w).wait()

    @functools.partial(
        pl.kernel,
        out_type=jax.ShapeDtypeStruct((N, D), jnp.float32),
        mesh=mesh,
        scratch_types=scratch,
    )
    def gather(ys_hbm, p_hbm, out_hbm, idx0, idx1, rows0, rows1, sem0, sem1,
               sem_w):
        wid = lax.axis_index("s") * SC_CORES + lax.axis_index("c")
        base = wid * ROWS_PER_W
        idx = (idx0, idx1)
        rows = (rows0, rows1)
        sems = (sem0, sem1)
        pltpu.async_copy(p_hbm.at[pl.ds(base, CH)], idx0, sem0)
        for c in range(NCH):
            b = c % 2
            nb = (c + 1) % 2
            if c + 1 < NCH:
                off = base + (c + 1) * CH
                pltpu.async_copy(p_hbm.at[pl.ds(off, CH)], idx[nb], sems[nb])
            pltpu.make_async_copy(p_hbm.at[pl.ds(base, CH)], idx[b],
                                  sems[b]).wait()
            pltpu.async_copy(ys_hbm.at[idx[b]], rows[b], sem_w).wait()
            pltpu.sync_copy(rows[b], out_hbm.at[pl.ds(base + c * CH, CH), :])

    return scatter, gather


def _sc_scatter(x_flat, p_flat):
    return _sc_kernels()[0](x_flat, p_flat)


def _sc_gather(ys, p_flat):
    return _sc_kernels()[1](ys, p_flat)


def _ffn_body(te_ref, ntu_ref, xs_ref, w1_ref, b1_ref, w2_ref, b2_ref,
              ys_ref):
    @pl.when(pl.program_id(0) < ntu_ref[0])
    def _():
        xb = xs_ref[...]
        h = jnp.dot(xb, w1_ref[0], preferred_element_type=jnp.float32)
        h = jnp.maximum(h + b1_ref[0], 0.0)
        y = jnp.dot(h, w2_ref[0], preferred_element_type=jnp.float32)
        ys_ref[...] = y + b2_ref[0]


def _ffn(te, ntu, xs, W1, b1, W2, b2):
    def _clamp(i, ntu):
        return jnp.minimum(i, ntu[0] - 1)

    grid_spec = pltpu.PrefetchScalarGridSpec(
        num_scalar_prefetch=2,
        grid=(NT,),
        in_specs=[
            pl.BlockSpec((T, D), lambda i, te, ntu: (_clamp(i, ntu), 0)),
            pl.BlockSpec((1, D, H),
                         lambda i, te, ntu: (te[_clamp(i, ntu)], 0, 0)),
            pl.BlockSpec((1, 1, H),
                         lambda i, te, ntu: (te[_clamp(i, ntu)], 0, 0)),
            pl.BlockSpec((1, H, D),
                         lambda i, te, ntu: (te[_clamp(i, ntu)], 0, 0)),
            pl.BlockSpec((1, 1, D),
                         lambda i, te, ntu: (te[_clamp(i, ntu)], 0, 0)),
        ],
        out_specs=pl.BlockSpec((T, D), lambda i, te, ntu: (_clamp(i, ntu), 0)),
    )
    return pl.pallas_call(
        _ffn_body,
        grid_spec=grid_spec,
        out_shape=jax.ShapeDtypeStruct((NROWS, D), jnp.float32),
    )(te, ntu, xs, W1, b1.reshape(E, 1, H), W2, b2.reshape(E, 1, D))


def kernel(x, Wg, bg, W1, b1, W2, b2):
    Bb, Ss, _ = x.shape
    x_flat = x.reshape(-1, D)
    gate, ecol, rank, counts = _router(x_flat, Wg, bg)
    p, te, ntu = _plan(counts, gate, rank)
    p_flat = p.reshape(-1)
    xs = _sc_scatter(x_flat, p_flat)
    ys = _ffn(te.reshape(-1), ntu.reshape(-1), xs, W1, b1, W2, b2)
    out = _sc_gather(ys, p_flat)
    return out.reshape(Bb, Ss, D), gate

# --- scband reference (transcript-rebuilt; emitter-appended) ---
"""Pipeline reference for scband-mo-elayer-41592463294485 (READ-ONLY COPY).

The authoritative reference and input builder live on the scoring server;
editing this copy changes nothing except your own understanding.
"""

import jax, jax.numpy as jnp
import numpy as np

INPUT_DIM = 768
OUTPUT_DIM = 768
NUM_EXPERTS = 64
K = 1
HIDDEN = 1536
B, S = 2, 8192


def setup_inputs(seed: int = 0) -> dict:
    key = jax.random.key(seed)
    ks = jax.random.split(key, 6)
    x = jax.random.normal(ks[0], (B, S, INPUT_DIM), dtype=jnp.float32)
    Wg = jax.random.normal(ks[1], (INPUT_DIM, NUM_EXPERTS), dtype=jnp.float32) * 0.02
    bg = jnp.zeros((NUM_EXPERTS,), jnp.float32)
    W1 = jax.random.normal(ks[2], (NUM_EXPERTS, INPUT_DIM, HIDDEN), dtype=jnp.float32) * 0.02
    b1 = jnp.zeros((NUM_EXPERTS, HIDDEN), jnp.float32)
    W2 = jax.random.normal(ks[3], (NUM_EXPERTS, HIDDEN, OUTPUT_DIM), dtype=jnp.float32) * 0.02
    b2 = jnp.zeros((NUM_EXPERTS, OUTPUT_DIM), jnp.float32)
    return {"x": x, "Wg": Wg, "bg": bg, "W1": W1, "b1": b1, "W2": W2, "b2": b2}


def reference(x, Wg, bg, W1, b1, W2, b2):
    Bb, Ss, D = x.shape
    x_flat = x.reshape(-1, D)
    N = x_flat.shape[0]
    # TopKGate: linear -> top-k -> softmax over top-k, scattered into full gate vector
    logits = x_flat @ Wg + bg
    topv, topi = jax.lax.top_k(logits, K)
    probs = jax.nn.softmax(topv, axis=-1)
    rows = jnp.arange(N)[:, None]
    gate_weights = jnp.zeros((N, NUM_EXPERTS), x.dtype).at[rows, topi].set(probs)
    final_output = jnp.zeros((N, OUTPUT_DIM), x.dtype)
    for i in range(K):
        expert_indices = topi[:, i]
        expert_weights = jnp.take_along_axis(gate_weights, expert_indices[:, None], axis=1)[:, 0]

        def body(acc, params):
            W1e, b1e, W2e, b2e, e = params
            mask = (expert_indices == e).astype(x.dtype)
            h = jax.nn.relu(x_flat @ W1e + b1e)
            expert_output = h @ W2e + b2e
            w = (expert_weights * mask)[:, None]
            acc = acc + expert_output * w
            return acc, None

        final_output, _ = jax.lax.scan(
            body,
            final_output,
            (W1, b1, W2, b2, jnp.arange(NUM_EXPERTS, dtype=jnp.int32)),
        )
    return final_output.reshape(Bb, Ss, OUTPUT_DIM), gate_weights

if __name__ == "__main__":
    import jax
    _d = setup_inputs()
    print(jax.jit(kernel)(*tuple(_d.values())))

</pallas_src>

<mosaic_0001>
#map = affine_map<(d0, d1) -> (0, 0)>
#map1 = affine_map<(d0, d1) -> (0)>
module attributes {stable_mosaic.version = 14 : i64} {
  func.func @scatter(%arg0: i32, %arg1: i32, %arg2: memref<16384x768xf32, #tpu.memory_space<hbm>>, %arg3: memref<16384xi32, #tpu.memory_space<hbm>>, %arg4: memref<32512x768xf32, #tpu.memory_space<hbm>>, %arg5: memref<64xi32, #tpu.memory_space<vmem>>, %arg6: memref<64xi32, #tpu.memory_space<vmem>>, %arg7: memref<64x768xf32, #tpu.memory_space<vmem>>, %arg8: memref<64x768xf32, #tpu.memory_space<vmem>>, %arg9: memref<!tpu.dma_semaphore, #tpu.memory_space<semaphore_mem>>, %arg10: memref<!tpu.dma_semaphore, #tpu.memory_space<semaphore_mem>>, %arg11: memref<!tpu.dma_semaphore, #tpu.memory_space<semaphore_mem>>) attributes {dimension_semantics = [#tpu.dimension_semantics<core_parallel>, #tpu.dimension_semantics<subcore_parallel>], iteration_bounds = array<i64: 2, 16>, scalar_prefetch = 0 : i64, scratch_operands = 7 : i64, tpu.core_type = #tpu.core_type<sc_vector_subcore>, window_params = [{transform_indices = #map}, {transform_indices = #map1}, {transform_indices = #map}]} {
    %mul3A = arith.constant 2 : i32
    %mul3A_0 = arith.muli %arg1, %mul3A : i32
    %add3A = arith.addi %mul3A_0, %arg0 : i32
    %mul3A_1 = arith.constant 512 : i32
    %mul3A_2 = arith.muli %add3A, %mul3A_1 : i32
    %dma_start3A = tpu.memref_slice %arg3[%mul3A_2] : memref<16384xi32, #tpu.memory_space<hbm>> -> memref<64xi32, #tpu.memory_space<hbm>>
    %dma_start3A_3 = tpu.memref_slice %arg3[%mul3A_2] : memref<16384xi32, #tpu.memory_space<hbm>> -> memref<64xi32, #tpu.memory_space<hbm>>
    tpu.enqueue_dma source(%dma_start3A_3 : memref<64xi32, #tpu.memory_space<hbm>>) target(%arg5 : memref<64xi32, #tpu.memory_space<vmem>>) target_semaphore(%arg9 : memref<!tpu.dma_semaphore, #tpu.memory_space<semaphore_mem>>)
    %dma_start3A_4 = arith.constant 0 : i32
    %dma_start3A_5 = tpu.memref_slice %arg2[%mul3A_2, %dma_start3A_4] : memref<16384x768xf32, #tpu.memory_space<hbm>> -> memref<64x768xf32, #tpu.memory_space<hbm>>
    %dma_start3A_6 = arith.constant 0 : i32
    %dma_start3A_7 = tpu.memref_slice %arg2[%mul3A_2, %dma_start3A_6] : memref<16384x768xf32, #tpu.memory_space<hbm>> -> memref<64x768xf32, #tpu.memory_space<hbm>>
    tpu.enqueue_dma source(%dma_start3A_7 : memref<64x768xf32, #tpu.memory_space<hbm>>) target(%arg7 : memref<64x768xf32, #tpu.memory_space<vmem>>) target_semaphore(%arg9 : memref<!tpu.dma_semaphore, #tpu.memory_space<semaphore_mem>>)
    %add3A_8 = arith.constant 64 : i32
    %add3A_9 = arith.addi %mul3A_2, %add3A_8 : i32
    %dma_start3A_10 = tpu.memref_slice %arg3[%add3A_9] : memref<16384xi32, #tpu.memory_space<hbm>> -> memref<64xi32, #tpu.memory_space<hbm>>
    %dma_start3A_11 = tpu.memref_slice %arg3[%add3A_9] : memref<16384xi32, #tpu.memory_space<hbm>> -> memref<64xi32, #tpu.memory_space<hbm>>
    tpu.enqueue_dma source(%dma_start3A_11 : memref<64xi32, #tpu.memory_space<hbm>>) target(%arg6 : memref<64xi32, #tpu.memory_space<vmem>>) target_semaphore(%arg10 : memref<!tpu.dma_semaphore, #tpu.memory_space<semaphore_mem>>)
    %dma_start3A_12 = arith.constant 0 : i32
    %dma_start3A_13 = tpu.memref_slice %arg2[%add3A_9, %dma_start3A_12] : memref<16384x768xf32, #tpu.memory_space<hbm>> -> memref<64x768xf32, #tpu.memory_space<hbm>>
    %dma_start3A_14 = arith.constant 0 : i32
    %dma_start3A_15 = tpu.memref_slice %arg2[%add3A_9, %dma_start3A_14] : memref<16384x768xf32, #tpu.memory_space<hbm>> -> memref<64x768xf32, #tpu.memory_space<hbm>>
    tpu.enqueue_dma source(%dma_start3A_15 : memref<64x768xf32, #tpu.memory_space<hbm>>) target(%arg8 : memref<64x768xf32, #tpu.memory_space<vmem>>) target_semaphore(%arg10 : memref<!tpu.dma_semaphore, #tpu.memory_space<semaphore_mem>>)
    %dma_wait3A = tpu.memref_slice %arg3[%mul3A_2] : memref<16384xi32, #tpu.memory_space<hbm>> -> memref<64xi32, #tpu.memory_space<hbm>>
    %dma_wait3A_16 = tpu.memref_slice %arg3[%mul3A_2] : memref<16384xi32, #tpu.memory_space<hbm>> -> memref<64xi32, #tpu.memory_space<hbm>>
    tpu.wait_dma2 semaphore(%arg9 : memref<!tpu.dma_semaphore, #tpu.memory_space<semaphore_mem>>) src(%dma_wait3A_16 : memref<64xi32, #tpu.memory_space<hbm>>) dst(%arg5 : memref<64xi32, #tpu.memory_space<vmem>>)
    %dma_wait3A_17 = arith.constant 0 : i32
    %dma_wait3A_18 = tpu.memref_slice %arg2[%mul3A_2, %dma_wait3A_17] : memref<16384x768xf32, #tpu.memory_space<hbm>> -> memref<64x768xf32, #tpu.memory_space<hbm>>
    %dma_wait3A_19 = arith.constant 0 : i32
    %dma_wait3A_20 = tpu.memref_slice %arg2[%mul3A_2, %dma_wait3A_19] : memref<16384x768xf32, #tpu.memory_space<hbm>> -> memref<64x768xf32, #tpu.memory_space<hbm>>
    tpu.wait_dma2 semaphore(%arg9 : memref<!tpu.dma_semaphore, #tpu.memory_space<semaphore_mem>>) src(%dma_wait3A_20 : memref<64x768xf32, #tpu.memory_space<hbm>>) dst(%arg7 : memref<64x768xf32, #tpu.memory_space<vmem>>)
    %dma_start3A_21 = arith.constant 0 : i32
    %dma_start3A_22 = arith.constant 0 : i32
    %dma_start3A_23 = tpu.memref_slice %arg4[%dma_start3A_21, %dma_start3A_22] : memref<32512x768xf32, #tpu.memory_space<hbm>> -> memref<32512x768xf32, #tpu.memory_space<hbm>>
    tpu.enqueue_indirect_dma source(%arg7 : memref<64x768xf32, #tpu.memory_space<vmem>>) target(%dma_start3A_23 : memref<32512x768xf32, #tpu.memory_space<hbm>>) offsets(%arg5 : memref<64xi32, #tpu.memory_space<vmem>>) semaphore(%arg11 : memref<!tpu.dma_semaphore, #tpu.memory_space<semaphore_mem>>)
    %dma_wait3A_24 = arith.constant 0 : i32
    %dma_wait3A_25 = arith.constant 0 : i32
    %dma_wait3A_26 = tpu.memref_slice %arg4[%dma_wait3A_24, %dma_wait3A_25] : memref<32512x768xf32, #tpu.memory_space<hbm>> -> memref<32512x768xf32, #tpu.memory_space<hbm>>
    tpu.wait_indirect_dma semaphore(%arg11 : memref<!tpu.dma_semaphore, #tpu.memory_space<semaphore_mem>>) src(%arg7 : memref<64x768xf32, #tpu.memory_space<vmem>>) dst(%dma_wait3A_26 : memref<32512x768xf32, #tpu.memory_space<hbm>>)
    %add3A_27 = arith.constant 128 : i32
    %add3A_28 = arith.addi %mul3A_2, %add3A_27 : i32
    %dma_start3A_29 = tpu.memref_slice %arg3[%add3A_28] : memref<16384xi32, #tpu.memory_space<hbm>> -> memref<64xi32, #tpu.memory_space<hbm>>
    %dma_start3A_30 = tpu.memref_slice %arg3[%add3A_28] : memref<16384xi32, #tpu.memory_space<hbm>> -> memref<64xi32, #tpu.memory_space<hbm>>
    tpu.enqueue_dma source(%dma_start3A_30 : memref<64xi32, #tpu.memory_space<hbm>>) target(%arg5 : memref<64xi32, #tpu.memory_space<vmem>>) target_semaphore(%arg9 : memref<!tpu.dma_semaphore, #tpu.memory_space<semaphore_mem>>)
    %dma_start3A_31 = arith.constant 0 : i32
    %dma_start3A_32 = tpu.memref_slice %arg2[%add3A_28, %dma_start3A_31] : memref<16384x768xf32, #tpu.memory_space<hbm>> -> memref<64x768xf32, #tpu.memory_space<hbm>>
    %dma_start3A_33 = arith.constant 0 : i32
    %dma_start3A_34 = tpu.memref_slice %arg2[%add3A_28, %dma_start3A_33] : memref<16384x768xf32, #tpu.memory_space<hbm>> -> memref<64x768xf32, #tpu.memory_space<hbm>>
    tpu.enqueue_dma source(%dma_start3A_34 : memref<64x768xf32, #tpu.memory_space<hbm>>) target(%arg7 : memref<64x768xf32, #tpu.memory_space<vmem>>) target_semaphore(%arg9 : memref<!tpu.dma_semaphore, #tpu.memory_space<semaphore_mem>>)
    %dma_wait3A_35 = tpu.memref_slice %arg3[%mul3A_2] : memref<16384xi32, #tpu.memory_space<hbm>> -> memref<64xi32, #tpu.memory_space<hbm>>
    %dma_wait3A_36 = tpu.memref_slice %arg3[%mul3A_2] : memref<16384xi32, #tpu.memory_space<hbm>> -> memref<64xi32, #tpu.memory_space<hbm>>
    tpu.wait_dma2 semaphore(%arg10 : memref<!tpu.dma_semaphore, #tpu.memory_space<semaphore_mem>>) src(%dma_wait3A_36 : memref<64xi32, #tpu.memory_space<hbm>>) dst(%arg6 : memref<64xi32, #tpu.memory_space<vmem>>)
    %dma_wait3A_37 = arith.constant 0 : i32
    %dma_wait3A_38 = tpu.memref_slice %arg2[%mul3A_2, %dma_wait3A_37] : memref<16384x768xf32, #tpu.memory_space<hbm>> -> memref<64x768xf32, #tpu.memory_space<hbm>>
    %dma_wait3A_39 = arith.constant 0 : i32
    %dma_wait3A_40 = tpu.memref_slice %arg2[%mul3A_2, %dma_wait3A_39] : memref<16384x768xf32, #tpu.memory_space<hbm>> -> memref<64x768xf32, #tpu.memory_space<hbm>>
    tpu.wait_dma2 semaphore(%arg10 : memref<!tpu.dma_semaphore, #tpu.memory_space<semaphore_mem>>) src(%dma_wait3A_40 : memref<64x768xf32, #tpu.memory_space<hbm>>) dst(%arg8 : memref<64x768xf32, #tpu.memory_space<vmem>>)
    %dma_start3A_41 = arith.constant 0 : i32
    %dma_start3A_42 = arith.constant 0 : i32
    %dma_start3A_43 = tpu.memref_slice %arg4[%dma_start3A_41, %dma_start3A_42] : memref<32512x768xf32, #tpu.memory_space<hbm>> -> memref<32512x768xf32, #tpu.memory_space<hbm>>
    tpu.enqueue_indirect_dma source(%arg8 : memref<64x768xf32, #tpu.memory_space<vmem>>) target(%dma_start3A_43 : memref<32512x768xf32, #tpu.memory_space<hbm>>) offsets(%arg6 : memref<64xi32, #tpu.memory_space<vmem>>) semaphore(%arg11 : memref<!tpu.dma_semaphore, #tpu.memory_space<semaphore_mem>>)
    %dma_wait3A_44 = arith.constant 0 : i32
    %dma_wait3A_45 = arith.constant 0 : i32
    %dma_wait3A_46 = tpu.memref_slice %arg4[%dma_wait3A_44, %dma_wait3A_45] : memref<32512x768xf32, #tpu.memory_space<hbm>> -> memref<32512x768xf32, #tpu.memory_space<hbm>>
    tpu.wait_indirect_dma semaphore(%arg11 : memref<!tpu.dma_semaphore, #tpu.memory_space<semaphore_mem>>) src(%arg8 : memref<64x768xf32, #tpu.memory_space<vmem>>) dst(%dma_wait3A_46 : memref<32512x768xf32, #tpu.memory_space<hbm>>)
    %add3A_47 = arith.constant 192 : i32
    %add3A_48 = arith.addi %mul3A_2, %add3A_47 : i32
    %dma_start3A_49 = tpu.memref_slice %arg3[%add3A_48] : memref<16384xi32, #tpu.memory_space<hbm>> -> memref<64xi32, #tpu.memory_space<hbm>>
    %dma_start3A_50 = tpu.memref_slice %arg3[%add3A_48] : memref<16384xi32, #tpu.memory_space<hbm>> -> memref<64xi32, #tpu.memory_space<hbm>>
    tpu.enqueue_dma source(%dma_start3A_50 : memref<64xi32, #tpu.memory_space<hbm>>) target(%arg6 : memref<64xi32, #tpu.memory_space<vmem>>) target_semaphore(%arg10 : memref<!tpu.dma_semaphore, #tpu.memory_space<semaphore_mem>>)
    %dma_start3A_51 = arith.constant 0 : i32
    %dma_start3A_52 = tpu.memref_slice %arg2[%add3A_48, %dma_start3A_51] : memref<16384x768xf32, #tpu.memory_space<hbm>> -> memref<64x768xf32, #tpu.memory_space<hbm>>
    %dma_start3A_53 = arith.constant 0 : i32
    %dma_start3A_54 = tpu.memref_slice %arg2[%add3A_48, %dma_start3A_53] : memref<16384x768xf32, #tpu.memory_space<hbm>> -> memref<64x768xf32, #tpu.memory_space<hbm>>
    tpu.enqueue_dma source(%dma_start3A_54 : memref<64x768xf32, #tpu.memory_space<hbm>>) target(%arg8 : memref<64x768xf32, #tpu.memory_space<vmem>>) target_semaphore(%arg10 : memref<!tpu.dma_semaphore, #tpu.memory_space<semaphore_mem>>)
    %dma_wait3A_55 = tpu.memref_slice %arg3[%mul3A_2] : memref<16384xi32, #tpu.memory_space<hbm>> -> memref<64xi32, #tpu.memory_space<hbm>>
    %dma_wait3A_56 = tpu.memref_slice %arg3[%mul3A_2] : memref<16384xi32, #tpu.memory_space<hbm>> -> memref<64xi32, #tpu.memory_space<hbm>>
    tpu.wait_dma2 semaphore(%arg9 : memref<!tpu.dma_semaphore, #tpu.memory_space<semaphore_mem>>) src(%dma_wait3A_56 : memref<64xi32, #tpu.memory_space<hbm>>) dst(%arg5 : memref<64xi32, #tpu.memory_space<vmem>>)
    %dma_wait3A_57 = arith.constant 0 : i32
    %dma_wait3A_58 = tpu.memref_slice %arg2[%mul3A_2, %dma_wait3A_57] : memref<16384x768xf32, #tpu.memory_space<hbm>> -> memref<64x768xf32, #tpu.memory_space<hbm>>
    %dma_wait3A_59 = arith.constant 0 : i32
    %dma_wait3A_60 = tpu.memref_slice %arg2[%mul3A_2, %dma_wait3A_59] : memref<16384x768xf32, #tpu.memory_space<hbm>> -> memref<64x768xf32, #tpu.memory_space<hbm>>
    tpu.wait_dma2 semaphore(%arg9 : memref<!tpu.dma_semaphore, #tpu.memory_space<semaphore_mem>>) src(%dma_wait3A_60 : memref<64x768xf32, #tpu.memory_space<hbm>>) dst(%arg7 : memref<64x768xf32, #tpu.memory_space<vmem>>)
    %dma_start3A_61 = arith.constant 0 : i32
    %dma_start3A_62 = arith.constant 0 : i32
    %dma_start3A_63 = tpu.memref_slice %arg4[%dma_start3A_61, %dma_start3A_62] : memref<32512x768xf32, #tpu.memory_space<hbm>> -> memref<32512x768xf32, #tpu.memory_space<hbm>>
    tpu.enqueue_indirect_dma source(%arg7 : memref<64x768xf32, #tpu.memory_space<vmem>>) target(%dma_start3A_63 : memref<32512x768xf32, #tpu.memory_space<hbm>>) offsets(%arg5 : memref<64xi32, #tpu.memory_space<vmem>>) semaphore(%arg11 : memref<!tpu.dma_semaphore, #tpu.memory_space<semaphore_mem>>)
    %dma_wait3A_64 = arith.constant 0 : i32
    %dma_wait3A_65 = arith.constant 0 : i32
    %dma_wait3A_66 = tpu.memref_slice %arg4[%dma_wait3A_64, %dma_wait3A_65] : memref<32512x768xf32, #tpu.memory_space<hbm>> -> memref<32512x768xf32, #tpu.memory_space<hbm>>
    tpu.wait_indirect_dma semaphore(%arg11 : memref<!tpu.dma_semaphore, #tpu.memory_space<semaphore_mem>>) src(%arg7 : memref<64x768xf32, #tpu.memory_space<vmem>>) dst(%dma_wait3A_66 : memref<32512x768xf32, #tpu.memory_space<hbm>>)
    %add3A_67 = arith.constant 256 : i32
    %add3A_68 = arith.addi %mul3A_2, %add3A_67 : i32
    %dma_start3A_69 = tpu.memref_slice %arg3[%add3A_68] : memref<16384xi32, #tpu.memory_space<hbm>> -> memref<64xi32, #tpu.memory_space<hbm>>
    %dma_start3A_70 = tpu.memref_slice %arg3[%add3A_68] : memref<16384xi32, #tpu.memory_space<hbm>> -> memref<64xi32, #tpu.memory_space<hbm>>
    tpu.enqueue_dma source(%dma_start3A_70 : memref<64xi32, #tpu.memory_space<hbm>>) target(%arg5 : memref<64xi32, #tpu.memory_space<vmem>>) target_semaphore(%arg9 : memref<!tpu.dma_semaphore, #tpu.memory_space<semaphore_mem>>)
    %dma_start3A_71 = arith.constant 0 : i32
    %dma_start3A_72 = tpu.memref_slice %arg2[%add3A_68, %dma_start3A_71] : memref<16384x768xf32, #tpu.memory_space<hbm>> -> memref<64x768xf32, #tpu.memory_space<hbm>>
    %dma_start3A_73 = arith.constant 0 : i32
    %dma_start3A_74 = tpu.memref_slice %arg2[%add3A_68, %dma_start3A_73] : memref<16384x768xf32, #tpu.memory_space<hbm>> -> memref<64x768xf32, #tpu.memory_space<hbm>>
    tpu.enqueue_dma source(%dma_start3A_74 : memref<64x768xf32, #tpu.memory_space<hbm>>) target(%arg7 : memref<64x768xf32, #tpu.memory_space<vmem>>) target_semaphore(%arg9 : memref<!tpu.dma_semaphore, #tpu.memory_space<semaphore_mem>>)
    %dma_wait3A_75 = tpu.memref_slice %arg3[%mul3A_2] : memref<16384xi32, #tpu.memory_space<hbm>> -> memref<64xi32, #tpu.memory_space<hbm>>
    %dma_wait3A_76 = tpu.memref_slice %arg3[%mul3A_2] : memref<16384xi32, #tpu.memory_space<hbm>> -> memref<64xi32, #tpu.memory_space<hbm>>
    tpu.wait_dma2 semaphore(%arg10 : memref<!tpu.dma_semaphore, #tpu.memory_space<semaphore_mem>>) src(%dma_wait3A_76 : memref<64xi32, #tpu.memory_space<hbm>>) dst(%arg6 : memref<64xi32, #tpu.memory_space<vmem>>)
    %dma_wait3A_77 = arith.constant 0 : i32
    %dma_wait3A_78 = tpu.memref_slice %arg2[%mul3A_2, %dma_wait3A_77] : memref<16384x768xf32, #tpu.memory_space<hbm>> -> memref<64x768xf32, #tpu.memory_space<hbm>>
    %dma_wait3A_79 = arith.constant 0 : i32
    %dma_wait3A_80 = tpu.memref_slice %arg2[%mul3A_2, %dma_wait3A_79] : memref<16384x768xf32, #tpu.memory_space<hbm>> -> memref<64x768xf32, #tpu.memory_space<hbm>>
    tpu.wait_dma2 semaphore(%arg10 : memref<!tpu.dma_semaphore, #tpu.memory_space<semaphore_mem>>) src(%dma_wait3A_80 : memref<64x768xf32, #tpu.memory_space<hbm>>) dst(%arg8 : memref<64x768xf32, #tpu.memory_space<vmem>>)
    %dma_start3A_81 = arith.constant 0 : i32
    %dma_start3A_82 = arith.constant 0 : i32
    %dma_start3A_83 = tpu.memref_slice %arg4[%dma_start3A_81, %dma_start3A_82] : memref<32512x768xf32, #tpu.memory_space<hbm>> -> memref<32512x768xf32, #tpu.memory_space<hbm>>
    tpu.enqueue_indirect_dma source(%arg8 : memref<64x768xf32, #tpu.memory_space<vmem>>) target(%dma_start3A_83 : memref<32512x768xf32, #tpu.memory_space<hbm>>) offsets(%arg6 : memref<64xi32, #tpu.memory_space<vmem>>) semaphore(%arg11 : memref<!tpu.dma_semaphore, #tpu.memory_space<semaphore_mem>>)
    %dma_wait3A_84 = arith.constant 0 : i32
    %dma_wait3A_85 = arith.constant 0 : i32
    %dma_wait3A_86 = tpu.memref_slice %arg4[%dma_wait3A_84, %dma_wait3A_85] : memref<32512x768xf32, #tpu.memory_space<hbm>> -> memref<32512x768xf32, #tpu.memory_space<hbm>>
    tpu.wait_indirect_dma semaphore(%arg11 : memref<!tpu.dma_semaphore, #tpu.memory_space<semaphore_mem>>) src(%arg8 : memref<64x768xf32, #tpu.memory_space<vmem>>) dst(%dma_wait3A_86 : memref<32512x768xf32, #tpu.memory_space<hbm>>)
    %add3A_87 = arith.constant 320 : i32
    %add3A_88 = arith.addi %mul3A_2, %add3A_87 : i32
    %dma_start3A_89 = tpu.memref_slice %arg3[%add3A_88] : memref<16384xi32, #tpu.memory_space<hbm>> -> memref<64xi32, #tpu.memory_space<hbm>>
    %dma_start3A_90 = tpu.memref_slice %arg3[%add3A_88] : memref<16384xi32, #tpu.memory_space<hbm>> -> memref<64xi32, #tpu.memory_space<hbm>>
    tpu.enqueue_dma source(%dma_start3A_90 : memref<64xi32, #tpu.memory_space<hbm>>) target(%arg6 : memref<64xi32, #tpu.memory_space<vmem>>) target_semaphore(%arg10 : memref<!tpu.dma_semaphore, #tpu.memory_space<semaphore_mem>>)
    %dma_start3A_91 = arith.constant 0 : i32
    %dma_start3A_92 = tpu.memref_slice %arg2[%add3A_88, %dma_start3A_91] : memref<16384x768xf32, #tpu.memory_space<hbm>> -> memref<64x768xf32, #tpu.memory_space<hbm>>
    %dma_start3A_93 = arith.constant 0 : i32
    %dma_start3A_94 = tpu.memref_slice %arg2[%add3A_88, %dma_start3A_93] : memref<16384x768xf32, #tpu.memory_space<hbm>> -> memref<64x768xf32, #tpu.memory_space<hbm>>
    tpu.enqueue_dma source(%dma_start3A_94 : memref<64x768xf32, #tpu.memory_space<hbm>>) target(%arg8 : memref<64x768xf32, #tpu.memory_space<vmem>>) target_semaphore(%arg10 : memref<!tpu.dma_semaphore, #tpu.memory_space<semaphore_mem>>)
    %dma_wait3A_95 = tpu.memref_slice %arg3[%mul3A_2] : memref<16384xi32, #tpu.memory_space<hbm>> -> memref<64xi32, #tpu.memory_space<hbm>>
    %dma_wait3A_96 = tpu.memref_slice %arg3[%mul3A_2] : memref<16384xi32, #tpu.memory_space<hbm>> -> memref<64xi32, #tpu.memory_space<hbm>>
    tpu.wait_dma2 semaphore(%arg9 : memref<!tpu.dma_semaphore, #tpu.memory_space<semaphore_mem>>) src(%dma_wait3A_96 : memref<64xi32, #tpu.memory_space<hbm>>) dst(%arg5 : memref<64xi32, #tpu.memory_space<vmem>>)
    %dma_wait3A_97 = arith.constant 0 : i32
    %dma_wait3A_98 = tpu.memref_slice %arg2[%mul3A_2, %dma_wait3A_97] : memref<16384x768xf32, #tpu.memory_space<hbm>> -> memref<64x768xf32, #tpu.memory_space<hbm>>
    %dma_wait3A_99 = arith.constant 0 : i32
    %dma_wait3A_100 = tpu.memref_slice %arg2[%mul3A_2, %dma_wait3A_99] : memref<16384x768xf32, #tpu.memory_space<hbm>> -> memref<64x768xf32, #tpu.memory_space<hbm>>
    tpu.wait_dma2 semaphore(%arg9 : memref<!tpu.dma_semaphore, #tpu.memory_space<semaphore_mem>>) src(%dma_wait3A_100 : memref<64x768xf32, #tpu.memory_space<hbm>>) dst(%arg7 : memref<64x768xf32, #tpu.memory_space<vmem>>)
    %dma_start3A_101 = arith.constant 0 : i32
    %dma_start3A_102 = arith.constant 0 : i32
    %dma_start3A_103 = tpu.memref_slice %arg4[%dma_start3A_101, %dma_start3A_102] : memref<32512x768xf32, #tpu.memory_space<hbm>> -> memref<32512x768xf32, #tpu.memory_space<hbm>>
    tpu.enqueue_indirect_dma source(%arg7 : memref<64x768xf32, #tpu.memory_space<vmem>>) target(%dma_start3A_103 : memref<32512x768xf32, #tpu.memory_space<hbm>>) offsets(%arg5 : memref<64xi32, #tpu.memory_space<vmem>>) semaphore(%arg11 : memref<!tpu.dma_semaphore, #tpu.memory_space<semaphore_mem>>)
    %dma_wait3A_104 = arith.constant 0 : i32
    %dma_wait3A_105 = arith.constant 0 : i32
    %dma_wait3A_106 = tpu.memref_slice %arg4[%dma_wait3A_104, %dma_wait3A_105] : memref<32512x768xf32, #tpu.memory_space<hbm>> -> memref<32512x768xf32, #tpu.memory_space<hbm>>
    tpu.wait_indirect_dma semaphore(%arg11 : memref<!tpu.dma_semaphore, #tpu.memory_space<semaphore_mem>>) src(%arg7 : memref<64x768xf32, #tpu.memory_space<vmem>>) dst(%dma_wait3A_106 : memref<32512x768xf32, #tpu.memory_space<hbm>>)
    %add3A_107 = arith.constant 384 : i32
    %add3A_108 = arith.addi %mul3A_2, %add3A_107 : i32
    %dma_start3A_109 = tpu.memref_slice %arg3[%add3A_108] : memref<16384xi32, #tpu.memory_space<hbm>> -> memref<64xi32, #tpu.memory_space<hbm>>
    %dma_start3A_110 = tpu.memref_slice %arg3[%add3A_108] : memref<16384xi32, #tpu.memory_space<hbm>> -> memref<64xi32, #tpu.memory_space<hbm>>
    tpu.enqueue_dma source(%dma_start3A_110 : memref<64xi32, #tpu.memory_space<hbm>>) target(%arg5 : memref<64xi32, #tpu.memory_space<vmem>>) target_semaphore(%arg9 : memref<!tpu.dma_semaphore, #tpu.memory_space<semaphore_mem>>)
    %dma_start3A_111 = arith.constant 0 : i32
    %dma_start3A_112 = tpu.memref_slice %arg2[%add3A_108, %dma_start3A_111] : memref<16384x768xf32, #tpu.memory_space<hbm>> -> memref<64x768xf32, #tpu.memory_space<hbm>>
    %dma_start3A_113 = arith.constant 0 : i32
    %dma_start3A_114 = tpu.memref_slice %arg2[%add3A_108, %dma_start3A_113] : memref<16384x768xf32, #tpu.memory_space<hbm>> -> memref<64x768xf32, #tpu.memory_space<hbm>>
    tpu.enqueue_dma source(%dma_start3A_114 : memref<64x768xf32, #tpu.memory_space<hbm>>) target(%arg7 : memref<64x768xf32, #tpu.memory_space<vmem>>) target_semaphore(%arg9 : memref<!tpu.dma_semaphore, #tpu.memory_space<semaphore_mem>>)
    %dma_wait3A_115 = tpu.memref_slice %arg3[%mul3A_2] : memref<16384xi32, #tpu.memory_space<hbm>> -> memref<64xi32, #tpu.memory_space<hbm>>
    %dma_wait3A_116 = tpu.memref_slice %arg3[%mul3A_2] : memref<16384xi32, #tpu.memory_space<hbm>> -> memref<64xi32, #tpu.memory_space<hbm>>
    tpu.wait_dma2 semaphore(%arg10 : memref<!tpu.dma_semaphore, #tpu.memory_space<semaphore_mem>>) src(%dma_wait3A_116 : memref<64xi32, #tpu.memory_space<hbm>>) dst(%arg6 : memref<64xi32, #tpu.memory_space<vmem>>)
    %dma_wait3A_117 = arith.constant 0 : i32
    %dma_wait3A_118 = tpu.memref_slice %arg2[%mul3A_2, %dma_wait3A_117] : memref<16384x768xf32, #tpu.memory_space<hbm>> -> memref<64x768xf32, #tpu.memory_space<hbm>>
    %dma_wait3A_119 = arith.constant 0 : i32
    %dma_wait3A_120 = tpu.memref_slice %arg2[%mul3A_2, %dma_wait3A_119] : memref<16384x768xf32, #tpu.memory_space<hbm>> -> memref<64x768xf32, #tpu.memory_space<hbm>>
    tpu.wait_dma2 semaphore(%arg10 : memref<!tpu.dma_semaphore, #tpu.memory_space<semaphore_mem>>) src(%dma_wait3A_120 : memref<64x768xf32, #tpu.memory_space<hbm>>) dst(%arg8 : memref<64x768xf32, #tpu.memory_space<vmem>>)
    %dma_start3A_121 = arith.constant 0 : i32
    %dma_start3A_122 = arith.constant 0 : i32
    %dma_start3A_123 = tpu.memref_slice %arg4[%dma_start3A_121, %dma_start3A_122] : memref<32512x768xf32, #tpu.memory_space<hbm>> -> memref<32512x768xf32, #tpu.memory_space<hbm>>
    tpu.enqueue_indirect_dma source(%arg8 : memref<64x768xf32, #tpu.memory_space<vmem>>) target(%dma_start3A_123 : memref<32512x768xf32, #tpu.memory_space<hbm>>) offsets(%arg6 : memref<64xi32, #tpu.memory_space<vmem>>) semaphore(%arg11 : memref<!tpu.dma_semaphore, #tpu.memory_space<semaphore_mem>>)
    %dma_wait3A_124 = arith.constant 0 : i32
    %dma_wait3A_125 = arith.constant 0 : i32
    %dma_wait3A_126 = tpu.memref_slice %arg4[%dma_wait3A_124, %dma_wait3A_125] : memref<32512x768xf32, #tpu.memory_space<hbm>> -> memref<32512x768xf32, #tpu.memory_space<hbm>>
    tpu.wait_indirect_dma semaphore(%arg11 : memref<!tpu.dma_semaphore, #tpu.memory_space<semaphore_mem>>) src(%arg8 : memref<64x768xf32, #tpu.memory_space<vmem>>) dst(%dma_wait3A_126 : memref<32512x768xf32, #tpu.memory_space<hbm>>)
    %add3A_127 = arith.constant 448 : i32
    %add3A_128 = arith.addi %mul3A_2, %add3A_127 : i32
    %dma_start3A_129 = tpu.memref_slice %arg3[%add3A_128] : memref<16384xi32, #tpu.memory_space<hbm>> -> memref<64xi32, #tpu.memory_space<hbm>>
    %dma_start3A_130 = tpu.memref_slice %arg3[%add3A_128] : memref<16384xi32, #tpu.memory_space<hbm>> -> memref<64xi32, #tpu.memory_space<hbm>>
    tpu.enqueue_dma source(%dma_start3A_130 : memref<64xi32, #tpu.memory_space<hbm>>) target(%arg6 : memref<64xi32, #tpu.memory_space<vmem>>) target_semaphore(%arg10 : memref<!tpu.dma_semaphore, #tpu.memory_space<semaphore_mem>>)
    %dma_start3A_131 = arith.constant 0 : i32
    %dma_start3A_132 = tpu.memref_slice %arg2[%add3A_128, %dma_start3A_131] : memref<16384x768xf32, #tpu.memory_space<hbm>> -> memref<64x768xf32, #tpu.memory_space<hbm>>
    %dma_start3A_133 = arith.constant 0 : i32
    %dma_start3A_134 = tpu.memref_slice %arg2[%add3A_128, %dma_start3A_133] : memref<16384x768xf32, #tpu.memory_space<hbm>> -> memref<64x768xf32, #tpu.memory_space<hbm>>
    tpu.enqueue_dma source(%dma_start3A_134 : memref<64x768xf32, #tpu.memory_space<hbm>>) target(%arg8 : memref<64x768xf32, #tpu.memory_space<vmem>>) target_semaphore(%arg10 : memref<!tpu.dma_semaphore, #tpu.memory_space<semaphore_mem>>)
    %dma_wait3A_135 = tpu.memref_slice %arg3[%mul3A_2] : memref<16384xi32, #tpu.memory_space<hbm>> -> memref<64xi32, #tpu.memory_space<hbm>>
    %dma_wait3A_136 = tpu.memref_slice %arg3[%mul3A_2] : memref<16384xi32, #tpu.memory_space<hbm>> -> memref<64xi32, #tpu.memory_space<hbm>>
    tpu.wait_dma2 semaphore(%arg9 : memref<!tpu.dma_semaphore, #tpu.memory_space<semaphore_mem>>) src(%dma_wait3A_136 : memref<64xi32, #tpu.memory_space<hbm>>) dst(%arg5 : memref<64xi32, #tpu.memory_space<vmem>>)
    %dma_wait3A_137 = arith.constant 0 : i32
    %dma_wait3A_138 = tpu.memref_slice %arg2[%mul3A_2, %dma_wait3A_137] : memref<16384x768xf32, #tpu.memory_space<hbm>> -> memref<64x768xf32, #tpu.memory_space<hbm>>
    %dma_wait3A_139 = arith.constant 0 : i32
    %dma_wait3A_140 = tpu.memref_slice %arg2[%mul3A_2, %dma_wait3A_139] : memref<16384x768xf32, #tpu.memory_space<hbm>> -> memref<64x768xf32, #tpu.memory_space<hbm>>
    tpu.wait_dma2 semaphore(%arg9 : memref<!tpu.dma_semaphore, #tpu.memory_space<semaphore_mem>>) src(%dma_wait3A_140 : memref<64x768xf32, #tpu.memory_space<hbm>>) dst(%arg7 : memref<64x768xf32, #tpu.memory_space<vmem>>)
    %dma_start3A_141 = arith.constant 0 : i32
    %dma_start3A_142 = arith.constant 0 : i32
    %dma_start3A_143 = tpu.memref_slice %arg4[%dma_start3A_141, %dma_start3A_142] : memref<32512x768xf32, #tpu.memory_space<hbm>> -> memref<32512x768xf32, #tpu.memory_space<hbm>>
    tpu.enqueue_indirect_dma source(%arg7 : memref<64x768xf32, #tpu.memory_space<vmem>>) target(%dma_start3A_143 : memref<32512x768xf32, #tpu.memory_space<hbm>>) offsets(%arg5 : memref<64xi32, #tpu.memory_space<vmem>>) semaphore(%arg11 : memref<!tpu.dma_semaphore, #tpu.memory_space<semaphore_mem>>)
    %dma_wait3A_144 = arith.constant 0 : i32
    %dma_wait3A_145 = arith.constant 0 : i32
    %dma_wait3A_146 = tpu.memref_slice %arg4[%dma_wait3A_144, %dma_wait3A_145] : memref<32512x768xf32, #tpu.memory_space<hbm>> -> memref<32512x768xf32, #tpu.memory_space<hbm>>
    tpu.wait_indirect_dma semaphore(%arg11 : memref<!tpu.dma_semaphore, #tpu.memory_space<semaphore_mem>>) src(%arg7 : memref<64x768xf32, #tpu.memory_space<vmem>>) dst(%dma_wait3A_146 : memref<32512x768xf32, #tpu.memory_space<hbm>>)
    %dma_wait3A_147 = tpu.memref_slice %arg3[%mul3A_2] : memref<16384xi32, #tpu.memory_space<hbm>> -> memref<64xi32, #tpu.memory_space<hbm>>
    %dma_wait3A_148 = tpu.memref_slice %arg3[%mul3A_2] : memref<16384xi32, #tpu.memory_space<hbm>> -> memref<64xi32, #tpu.memory_space<hbm>>
    tpu.wait_dma2 semaphore(%arg10 : memref<!tpu.dma_semaphore, #tpu.memory_space<semaphore_mem>>) src(%dma_wait3A_148 : memref<64xi32, #tpu.memory_space<hbm>>) dst(%arg6 : memref<64xi32, #tpu.memory_space<vmem>>)
    %dma_wait3A_149 = arith.constant 0 : i32
    %dma_wait3A_150 = tpu.memref_slice %arg2[%mul3A_2, %dma_wait3A_149] : memref<16384x768xf32, #tpu.memory_space<hbm>> -> memref<64x768xf32, #tpu.memory_space<hbm>>
    %dma_wait3A_151 = arith.constant 0 : i32
    %dma_wait3A_152 = tpu.memref_slice %arg2[%mul3A_2, %dma_wait3A_151] : memref<16384x768xf32, #tpu.memory_space<hbm>> -> memref<64x768xf32, #tpu.memory_space<hbm>>
    tpu.wait_dma2 semaphore(%arg10 : memref<!tpu.dma_semaphore, #tpu.memory_space<semaphore_mem>>) src(%dma_wait3A_152 : memref<64x768xf32, #tpu.memory_space<hbm>>) dst(%arg8 : memref<64x768xf32, #tpu.memory_space<vmem>>)
    %dma_start3A_153 = arith.constant 0 : i32
    %dma_start3A_154 = arith.constant 0 : i32
    %dma_start3A_155 = tpu.memref_slice %arg4[%dma_start3A_153, %dma_start3A_154] : memref<32512x768xf32, #tpu.memory_space<hbm>> -> memref<32512x768xf32, #tpu.memory_space<hbm>>
    tpu.enqueue_indirect_dma source(%arg8 : memref<64x768xf32, #tpu.memory_space<vmem>>) target(%dma_start3A_155 : memref<32512x768xf32, #tpu.memory_space<hbm>>) offsets(%arg6 : memref<64xi32, #tpu.memory_space<vmem>>) semaphore(%arg11 : memref<!tpu.dma_semaphore, #tpu.memory_space<semaphore_mem>>)
    %dma_wait3A_156 = arith.constant 0 : i32
    %dma_wait3A_157 = arith.constant 0 : i32
    %dma_wait3A_158 = tpu.memref_slice %arg4[%dma_wait3A_156, %dma_wait3A_157] : memref<32512x768xf32, #tpu.memory_space<hbm>> -> memref<32512x768xf32, #tpu.memory_space<hbm>>
    tpu.wait_indirect_dma semaphore(%arg11 : memref<!tpu.dma_semaphore, #tpu.memory_space<semaphore_mem>>) src(%arg8 : memref<64x768xf32, #tpu.memory_space<vmem>>) dst(%dma_wait3A_158 : memref<32512x768xf32, #tpu.memory_space<hbm>>)
    return
  }
}

#map = affine_map<(d0, d1) -> (0, 0)>
#map1 = affine_map<(d0, d1) -> (0)>
module attributes {stable_mosaic.version = 14 : i64} {
  func.func @gather(%arg0: i32, %arg1: i32, %arg2: memref<32512x768xf32, #tpu.memory_space<hbm>>, %arg3: memref<16384xi32, #tpu.memory_space<hbm>>, %arg4: memref<16384x768xf32, #tpu.memory_space<hbm>>, %arg5: memref<64xi32, #tpu.memory_space<vmem>>, %arg6: memref<64xi32, #tpu.memory_space<vmem>>, %arg7: memref<64x768xf32, #tpu.memory_space<vmem>>, %arg8: memref<64x768xf32, #tpu.memory_space<vmem>>, %arg9: memref<!tpu.dma_semaphore, #tpu.memory_space<semaphore_mem>>, %arg10: memref<!tpu.dma_semaphore, #tpu.memory_space<semaphore_mem>>, %arg11: memref<!tpu.dma_semaphore, #tpu.memory_space<semaphore_mem>>) attributes {dimension_semantics = [#tpu.dimension_semantics<core_parallel>, #tpu.dimension_semantics<subcore_parallel>], iteration_bounds = array<i64: 2, 16>, scalar_prefetch = 0 : i64, scratch_operands = 7 : i64, tpu.core_type = #tpu.core_type<sc_vector_subcore>, window_params = [{transform_indices = #map}, {transform_indices = #map1}, {transform_indices = #map}]} {
    %mul3A = arith.constant 2 : i32
    %mul3A_0 = arith.muli %arg1, %mul3A : i32
    %add3A = arith.addi %mul3A_0, %arg0 : i32
    %mul3A_1 = arith.constant 512 : i32
    %mul3A_2 = arith.muli %add3A, %mul3A_1 : i32
    %dma_start3A = tpu.memref_slice %arg3[%mul3A_2] : memref<16384xi32, #tpu.memory_space<hbm>> -> memref<64xi32, #tpu.memory_space<hbm>>
    %dma_start3A_3 = tpu.memref_slice %arg3[%mul3A_2] : memref<16384xi32, #tpu.memory_space<hbm>> -> memref<64xi32, #tpu.memory_space<hbm>>
    tpu.enqueue_dma source(%dma_start3A_3 : memref<64xi32, #tpu.memory_space<hbm>>) target(%arg5 : memref<64xi32, #tpu.memory_space<vmem>>) target_semaphore(%arg9 : memref<!tpu.dma_semaphore, #tpu.memory_space<semaphore_mem>>)
    %add3A_4 = arith.constant 64 : i32
    %add3A_5 = arith.addi %mul3A_2, %add3A_4 : i32
    %dma_start3A_6 = tpu.memref_slice %arg3[%add3A_5] : memref<16384xi32, #tpu.memory_space<hbm>> -> memref<64xi32, #tpu.memory_space<hbm>>
    %dma_start3A_7 = tpu.memref_slice %arg3[%add3A_5] : memref<16384xi32, #tpu.memory_space<hbm>> -> memref<64xi32, #tpu.memory_space<hbm>>
    tpu.enqueue_dma source(%dma_start3A_7 : memref<64xi32, #tpu.memory_space<hbm>>) target(%arg6 : memref<64xi32, #tpu.memory_space<vmem>>) target_semaphore(%arg10 : memref<!tpu.dma_semaphore, #tpu.memory_space<semaphore_mem>>)
    %dma_wait3A = tpu.memref_slice %arg3[%mul3A_2] : memref<16384xi32, #tpu.memory_space<hbm>> -> memref<64xi32, #tpu.memory_space<hbm>>
    %dma_wait3A_8 = tpu.memref_slice %arg3[%mul3A_2] : memref<16384xi32, #tpu.memory_space<hbm>> -> memref<64xi32, #tpu.memory_space<hbm>>
    tpu.wait_dma2 semaphore(%arg9 : memref<!tpu.dma_semaphore, #tpu.memory_space<semaphore_mem>>) src(%dma_wait3A_8 : memref<64xi32, #tpu.memory_space<hbm>>) dst(%arg5 : memref<64xi32, #tpu.memory_space<vmem>>)
    %dma_start3A_9 = arith.constant 0 : i32
    %dma_start3A_10 = arith.constant 0 : i32
    %dma_start3A_11 = tpu.memref_slice %arg2[%dma_start3A_9, %dma_start3A_10] : memref<32512x768xf32, #tpu.memory_space<hbm>> -> memref<32512x768xf32, #tpu.memory_space<hbm>>
    tpu.enqueue_indirect_dma source(%dma_start3A_11 : memref<32512x768xf32, #tpu.memory_space<hbm>>) target(%arg7 : memref<64x768xf32, #tpu.memory_space<vmem>>) offsets(%arg5 : memref<64xi32, #tpu.memory_space<vmem>>) semaphore(%arg11 : memref<!tpu.dma_semaphore, #tpu.memory_space<semaphore_mem>>)
    %dma_wait3A_12 = arith.constant 0 : i32
    %dma_wait3A_13 = arith.constant 0 : i32
    %dma_wait3A_14 = tpu.memref_slice %arg2[%dma_wait3A_12, %dma_wait3A_13] : memref<32512x768xf32, #tpu.memory_space<hbm>> -> memref<32512x768xf32, #tpu.memory_space<hbm>>
    tpu.wait_indirect_dma semaphore(%arg11 : memref<!tpu.dma_semaphore, #tpu.memory_space<semaphore_mem>>) src(%dma_wait3A_14 : memref<32512x768xf32, #tpu.memory_space<hbm>>) dst(%arg7 : memref<64x768xf32, #tpu.memory_space<vmem>>)
    %add3A_15 = arith.constant 0 : i32
    %add3A_16 = arith.addi %mul3A_2, %add3A_15 : i32
    "tpu.region"() ({
      %run_scoped3A = tpu.sem_alloc : memref<!tpu.dma_semaphore, #tpu.memory_space<semaphore_mem>>
      %dma_start3A_111 = arith.constant 0 : i32
      %dma_start3A_112 = tpu.memref_slice %arg4[%add3A_16, %dma_start3A_111] : memref<16384x768xf32, #tpu.memory_space<hbm>> -> memref<64x768xf32, #tpu.memory_space<hbm>>
      %dma_start3A_113 = arith.constant 0 : i32
      %dma_start3A_114 = tpu.memref_slice %arg4[%add3A_16, %dma_start3A_113] : memref<16384x768xf32, #tpu.memory_space<hbm>> -> memref<64x768xf32, #tpu.memory_space<hbm>>
      tpu.enqueue_dma source(%arg7 : memref<64x768xf32, #tpu.memory_space<vmem>>) target(%dma_start3A_114 : memref<64x768xf32, #tpu.memory_space<hbm>>) target_semaphore(%run_scoped3A : memref<!tpu.dma_semaphore, #tpu.memory_space<semaphore_mem>>)
      %dma_wait3A_115 = arith.constant 0 : i32
      %dma_wait3A_116 = tpu.memref_slice %arg4[%add3A_16, %dma_wait3A_115] : memref<16384x768xf32, #tpu.memory_space<hbm>> -> memref<64x768xf32, #tpu.memory_space<hbm>>
      %dma_wait3A_117 = arith.constant 0 : i32
      %dma_wait3A_118 = tpu.memref_slice %arg4[%add3A_16, %dma_wait3A_117] : memref<16384x768xf32, #tpu.memory_space<hbm>> -> memref<64x768xf32, #tpu.memory_space<hbm>>
      tpu.wait_dma2 semaphore(%run_scoped3A : memref<!tpu.dma_semaphore, #tpu.memory_space<semaphore_mem>>) src(%arg7 : memref<64x768xf32, #tpu.memory_space<vmem>>) dst(%dma_wait3A_118 : memref<64x768xf32, #tpu.memory_space<hbm>>)
      tpu.yield
    }) : () -> ()
    %add3A_17 = arith.constant 128 : i32
    %add3A_18 = arith.addi %mul3A_2, %add3A_17 : i32
    %dma_start3A_19 = tpu.memref_slice %arg3[%add3A_18] : memref<16384xi32, #tpu.memory_space<hbm>> -> memref<64xi32, #tpu.memory_space<hbm>>
    %dma_start3A_20 = tpu.memref_slice %arg3[%add3A_18] : memref<16384xi32, #tpu.memory_space<hbm>> -> memref<64xi32, #tpu.memory_space<hbm>>
    tpu.enqueue_dma source(%dma_start3A_20 : memref<64xi32, #tpu.memory_space<hbm>>) target(%arg5 : memref<64xi32, #tpu.memory_space<vmem>>) target_semaphore(%arg9 : memref<!tpu.dma_semaphore, #tpu.memory_space<semaphore_mem>>)
    %dma_wait3A_21 = tpu.memref_slice %arg3[%mul3A_2] : memref<16384xi32, #tpu.memory_space<hbm>> -> memref<64xi32, #tpu.memory_space<hbm>>
    %dma_wait3A_22 = tpu.memref_slice %arg3[%mul3A_2] : memref<16384xi32, #tpu.memory_space<hbm>> -> memref<64xi32, #tpu.memory_space<hbm>>
    tpu.wait_dma2 semaphore(%arg10 : memref<!tpu.dma_semaphore, #tpu.memory_space<semaphore_mem>>) src(%dma_wait3A_22 : memref<64xi32, #tpu.memory_space<hbm>>) dst(%arg6 : memref<64xi32, #tpu.memory_space<vmem>>)
    %dma_start3A_23 = arith.constant 0 : i32
    %dma_start3A_24 = arith.constant 0 : i32
    %dma_start3A_25 = tpu.memref_slice %arg2[%dma_start3A_23, %dma_start3A_24] : memref<32512x768xf32, #tpu.memory_space<hbm>> -> memref<32512x768xf32, #tpu.memory_space<hbm>>
    tpu.enqueue_indirect_dma source(%dma_start3A_25 : memref<32512x768xf32, #tpu.memory_space<hbm>>) target(%arg8 : memref<64x768xf32, #tpu.memory_space<vmem>>) offsets(%arg6 : memref<64xi32, #tpu.memory_space<vmem>>) semaphore(%arg11 : memref<!tpu.dma_semaphore, #tpu.memory_space<semaphore_mem>>)
    %dma_wait3A_26 = arith.constant 0 : i32
    %dma_wait3A_27 = arith.constant 0 : i32
    %dma_wait3A_28 = tpu.memref_slice %arg2[%dma_wait3A_26, %dma_wait3A_27] : memref<32512x768xf32, #tpu.memory_space<hbm>> -> memref<32512x768xf32, #tpu.memory_space<hbm>>
    tpu.wait_indirect_dma semaphore(%arg11 : memref<!tpu.dma_semaphore, #tpu.memory_space<semaphore_mem>>) src(%dma_wait3A_28 : memref<32512x768xf32, #tpu.memory_space<hbm>>) dst(%arg8 : memref<64x768xf32, #tpu.memory_space<vmem>>)
    %add3A_29 = arith.constant 64 : i32
    %add3A_30 = arith.addi %mul3A_2, %add3A_29 : i32
    "tpu.region"() ({
      %run_scoped3A = tpu.sem_alloc : memref<!tpu.dma_semaphore, #tpu.memory_space<semaphore_mem>>
      %dma_start3A_111 = arith.constant 0 : i32
      %dma_start3A_112 = tpu.memref_slice %arg4[%add3A_30, %dma_start3A_111] : memref<16384x768xf32, #tpu.memory_space<hbm>> -> memref<64x768xf32, #tpu.memory_space<hbm>>
      %dma_start3A_113 = arith.constant 0 : i32
      %dma_start3A_114 = tpu.memref_slice %arg4[%add3A_30, %dma_start3A_113] : memref<16384x768xf32, #tpu.memory_space<hbm>> -> memref<64x768xf32, #tpu.memory_space<hbm>>
      tpu.enqueue_dma source(%arg8 : memref<64x768xf32, #tpu.memory_space<vmem>>) target(%dma_start3A_114 : memref<64x768xf32, #tpu.memory_space<hbm>>) target_semaphore(%run_scoped3A : memref<!tpu.dma_semaphore, #tpu.memory_space<semaphore_mem>>)
      %dma_wait3A_115 = arith.constant 0 : i32
      %dma_wait3A_116 = tpu.memref_slice %arg4[%add3A_30, %dma_wait3A_115] : memref<16384x768xf32, #tpu.memory_space<hbm>> -> memref<64x768xf32, #tpu.memory_space<hbm>>
      %dma_wait3A_117 = arith.constant 0 : i32
      %dma_wait3A_118 = tpu.memref_slice %arg4[%add3A_30, %dma_wait3A_117] : memref<16384x768xf32, #tpu.memory_space<hbm>> -> memref<64x768xf32, #tpu.memory_space<hbm>>
      tpu.wait_dma2 semaphore(%run_scoped3A : memref<!tpu.dma_semaphore, #tpu.memory_space<semaphore_mem>>) src(%arg8 : memref<64x768xf32, #tpu.memory_space<vmem>>) dst(%dma_wait3A_118 : memref<64x768xf32, #tpu.memory_space<hbm>>)
      tpu.yield
    }) : () -> ()
    %add3A_31 = arith.constant 192 : i32
    %add3A_32 = arith.addi %mul3A_2, %add3A_31 : i32
    %dma_start3A_33 = tpu.memref_slice %arg3[%add3A_32] : memref<16384xi32, #tpu.memory_space<hbm>> -> memref<64xi32, #tpu.memory_space<hbm>>
    %dma_start3A_34 = tpu.memref_slice %arg3[%add3A_32] : memref<16384xi32, #tpu.memory_space<hbm>> -> memref<64xi32, #tpu.memory_space<hbm>>
    tpu.enqueue_dma source(%dma_start3A_34 : memref<64xi32, #tpu.memory_space<hbm>>) target(%arg6 : memref<64xi32, #tpu.memory_space<vmem>>) target_semaphore(%arg10 : memref<!tpu.dma_semaphore, #tpu.memory_space<semaphore_mem>>)
    %dma_wait3A_35 = tpu.memref_slice %arg3[%mul3A_2] : memref<16384xi32, #tpu.memory_space<hbm>> -> memref<64xi32, #tpu.memory_space<hbm>>
    %dma_wait3A_36 = tpu.memref_slice %arg3[%mul3A_2] : memref<16384xi32, #tpu.memory_space<hbm>> -> memref<64xi32, #tpu.memory_space<hbm>>
    tpu.wait_dma2 semaphore(%arg9 : memref<!tpu.dma_semaphore, #tpu.memory_space<semaphore_mem>>) src(%dma_wait3A_36 : memref<64xi32, #tpu.memory_space<hbm>>) dst(%arg5 : memref<64xi32, #tpu.memory_space<vmem>>)
    %dma_start3A_37 = arith.constant 0 : i32
    %dma_start3A_38 = arith.constant 0 : i32
    %dma_start3A_39 = tpu.memref_slice %arg2[%dma_start3A_37, %dma_start3A_38] : memref<32512x768xf32, #tpu.memory_space<hbm>> -> memref<32512x768xf32, #tpu.memory_space<hbm>>
    tpu.enqueue_indirect_dma source(%dma_start3A_39 : memref<32512x768xf32, #tpu.memory_space<hbm>>) target(%arg7 : memref<64x768xf32, #tpu.memory_space<vmem>>) offsets(%arg5 : memref<64xi32, #tpu.memory_space<vmem>>) semaphore(%arg11 : memref<!tpu.dma_semaphore, #tpu.memory_space<semaphore_mem>>)
    %dma_wait3A_40 = arith.constant 0 : i32
    %dma_wait3A_41 = arith.constant 0 : i32
    %dma_wait3A_42 = tpu.memref_slice %arg2[%dma_wait3A_40, %dma_wait3A_41] : memref<32512x768xf32, #tpu.memory_space<hbm>> -> memref<32512x768xf32, #tpu.memory_space<hbm>>
    tpu.wait_indirect_dma semaphore(%arg11 : memref<!tpu.dma_semaphore, #tpu.memory_space<semaphore_mem>>) src(%dma_wait3A_42 : memref<32512x768xf32, #tpu.memory_space<hbm>>) dst(%arg7 : memref<64x768xf32, #tpu.memory_space<vmem>>)
    %add3A_43 = arith.constant 128 : i32
    %add3A_44 = arith.addi %mul3A_2, %add3A_43 : i32
    "tpu.region"() ({
      %run_scoped3A = tpu.sem_alloc : memref<!tpu.dma_semaphore, #tpu.memory_space<semaphore_mem>>
      %dma_start3A_111 = arith.constant 0 : i32
      %dma_start3A_112 = tpu.memref_slice %arg4[%add3A_44, %dma_start3A_111] : memref<16384x768xf32, #tpu.memory_space<hbm>> -> memref<64x768xf32, #tpu.memory_space<hbm>>
      %dma_start3A_113 = arith.constant 0 : i32
      %dma_start3A_114 = tpu.memref_slice %arg4[%add3A_44, %dma_start3A_113] : memref<16384x768xf32, #tpu.memory_space<hbm>> -> memref<64x768xf32, #tpu.memory_space<hbm>>
      tpu.enqueue_dma source(%arg7 : memref<64x768xf32, #tpu.memory_space<vmem>>) target(%dma_start3A_114 : memref<64x768xf32, #tpu.memory_space<hbm>>) target_semaphore(%run_scoped3A : memref<!tpu.dma_semaphore, #tpu.memory_space<semaphore_mem>>)
      %dma_wait3A_115 = arith.constant 0 : i32
      %dma_wait3A_116 = tpu.memref_slice %arg4[%add3A_44, %dma_wait3A_115] : memref<16384x768xf32, #tpu.memory_space<hbm>> -> memref<64x768xf32, #tpu.memory_space<hbm>>
      %dma_wait3A_117 = arith.constant 0 : i32
      %dma_wait3A_118 = tpu.memref_slice %arg4[%add3A_44, %dma_wait3A_117] : memref<16384x768xf32, #tpu.memory_space<hbm>> -> memref<64x768xf32, #tpu.memory_space<hbm>>
      tpu.wait_dma2 semaphore(%run_scoped3A : memref<!tpu.dma_semaphore, #tpu.memory_space<semaphore_mem>>) src(%arg7 : memref<64x768xf32, #tpu.memory_space<vmem>>) dst(%dma_wait3A_118 : memref<64x768xf32, #tpu.memory_space<hbm>>)
      tpu.yield
    }) : () -> ()
    %add3A_45 = arith.constant 256 : i32
    %add3A_46 = arith.addi %mul3A_2, %add3A_45 : i32
    %dma_start3A_47 = tpu.memref_slice %arg3[%add3A_46] : memref<16384xi32, #tpu.memory_space<hbm>> -> memref<64xi32, #tpu.memory_space<hbm>>
    %dma_start3A_48 = tpu.memref_slice %arg3[%add3A_46] : memref<16384xi32, #tpu.memory_space<hbm>> -> memref<64xi32, #tpu.memory_space<hbm>>
    tpu.enqueue_dma source(%dma_start3A_48 : memref<64xi32, #tpu.memory_space<hbm>>) target(%arg5 : memref<64xi32, #tpu.memory_space<vmem>>) target_semaphore(%arg9 : memref<!tpu.dma_semaphore, #tpu.memory_space<semaphore_mem>>)
    %dma_wait3A_49 = tpu.memref_slice %arg3[%mul3A_2] : memref<16384xi32, #tpu.memory_space<hbm>> -> memref<64xi32, #tpu.memory_space<hbm>>
    %dma_wait3A_50 = tpu.memref_slice %arg3[%mul3A_2] : memref<16384xi32, #tpu.memory_space<hbm>> -> memref<64xi32, #tpu.memory_space<hbm>>
    tpu.wait_dma2 semaphore(%arg10 : memref<!tpu.dma_semaphore, #tpu.memory_space<semaphore_mem>>) src(%dma_wait3A_50 : memref<64xi32, #tpu.memory_space<hbm>>) dst(%arg6 : memref<64xi32, #tpu.memory_space<vmem>>)
    %dma_start3A_51 = arith.constant 0 : i32
    %dma_start3A_52 = arith.constant 0 : i32
    %dma_start3A_53 = tpu.memref_slice %arg2[%dma_start3A_51, %dma_start3A_52] : memref<32512x768xf32, #tpu.memory_space<hbm>> -> memref<32512x768xf32, #tpu.memory_space<hbm>>
    tpu.enqueue_indirect_dma source(%dma_start3A_53 : memref<32512x768xf32, #tpu.memory_space<hbm>>) target(%arg8 : memref<64x768xf32, #tpu.memory_space<vmem>>) offsets(%arg6 : memref<64xi32, #tpu.memory_space<vmem>>) semaphore(%arg11 : memref<!tpu.dma_semaphore, #tpu.memory_space<semaphore_mem>>)
    %dma_wait3A_54 = arith.constant 0 : i32
    %dma_wait3A_55 = arith.constant 0 : i32
    %dma_wait3A_56 = tpu.memref_slice %arg2[%dma_wait3A_54, %dma_wait3A_55] : memref<32512x768xf32, #tpu.memory_space<hbm>> -> memref<32512x768xf32, #tpu.memory_space<hbm>>
    tpu.wait_indirect_dma semaphore(%arg11 : memref<!tpu.dma_semaphore, #tpu.memory_space<semaphore_mem>>) src(%dma_wait3A_56 : memref<32512x768xf32, #tpu.memory_space<hbm>>) dst(%arg8 : memref<64x768xf32, #tpu.memory_space<vmem>>)
    %add3A_57 = arith.constant 192 : i32
    %add3A_58 = arith.addi %mul3A_2, %add3A_57 : i32
    "tpu.region"() ({
      %run_scoped3A = tpu.sem_alloc : memref<!tpu.dma_semaphore, #tpu.memory_space<semaphore_mem>>
      %dma_start3A_111 = arith.constant 0 : i32
      %dma_start3A_112 = tpu.memref_slice %arg4[%add3A_58, %dma_start3A_111] : memref<16384x768xf32, #tpu.memory_space<hbm>> -> memref<64x768xf32, #tpu.memory_space<hbm>>
      %dma_start3A_113 = arith.constant 0 : i32
      %dma_start3A_114 = tpu.memref_slice %arg4[%add3A_58, %dma_start3A_113] : memref<16384x768xf32, #tpu.memory_space<hbm>> -> memref<64x768xf32, #tpu.memory_space<hbm>>
      tpu.enqueue_dma source(%arg8 : memref<64x768xf32, #tpu.memory_space<vmem>>) target(%dma_start3A_114 : memref<64x768xf32, #tpu.memory_space<hbm>>) target_semaphore(%run_scoped3A : memref<!tpu.dma_semaphore, #tpu.memory_space<semaphore_mem>>)
      %dma_wait3A_115 = arith.constant 0 : i32
      %dma_wait3A_116 = tpu.memref_slice %arg4[%add3A_58, %dma_wait3A_115] : memref<16384x768xf32, #tpu.memory_space<hbm>> -> memref<64x768xf32, #tpu.memory_space<hbm>>
      %dma_wait3A_117 = arith.constant 0 : i32
      %dma_wait3A_118 = tpu.memref_slice %arg4[%add3A_58, %dma_wait3A_117] : memref<16384x768xf32, #tpu.memory_space<hbm>> -> memref<64x768xf32, #tpu.memory_space<hbm>>
      tpu.wait_dma2 semaphore(%run_scoped3A : memref<!tpu.dma_semaphore, #tpu.memory_space<semaphore_mem>>) src(%arg8 : memref<64x768xf32, #tpu.memory_space<vmem>>) dst(%dma_wait3A_118 : memref<64x768xf32, #tpu.memory_space<hbm>>)
      tpu.yield
    }) : () -> ()
    %add3A_59 = arith.constant 320 : i32
    %add3A_60 = arith.addi %mul3A_2, %add3A_59 : i32
    %dma_start3A_61 = tpu.memref_slice %arg3[%add3A_60] : memref<16384xi32, #tpu.memory_space<hbm>> -> memref<64xi32, #tpu.memory_space<hbm>>
    %dma_start3A_62 = tpu.memref_slice %arg3[%add3A_60] : memref<16384xi32, #tpu.memory_space<hbm>> -> memref<64xi32, #tpu.memory_space<hbm>>
    tpu.enqueue_dma source(%dma_start3A_62 : memref<64xi32, #tpu.memory_space<hbm>>) target(%arg6 : memref<64xi32, #tpu.memory_space<vmem>>) target_semaphore(%arg10 : memref<!tpu.dma_semaphore, #tpu.memory_space<semaphore_mem>>)
    %dma_wait3A_63 = tpu.memref_slice %arg3[%mul3A_2] : memref<16384xi32, #tpu.memory_space<hbm>> -> memref<64xi32, #tpu.memory_space<hbm>>
    %dma_wait3A_64 = tpu.memref_slice %arg3[%mul3A_2] : memref<16384xi32, #tpu.memory_space<hbm>> -> memref<64xi32, #tpu.memory_space<hbm>>
    tpu.wait_dma2 semaphore(%arg9 : memref<!tpu.dma_semaphore, #tpu.memory_space<semaphore_mem>>) src(%dma_wait3A_64 : memref<64xi32, #tpu.memory_space<hbm>>) dst(%arg5 : memref<64xi32, #tpu.memory_space<vmem>>)
    %dma_start3A_65 = arith.constant 0 : i32
    %dma_start3A_66 = arith.constant 0 : i32
    %dma_start3A_67 = tpu.memref_slice %arg2[%dma_start3A_65, %dma_start3A_66] : memref<32512x768xf32, #tpu.memory_space<hbm>> -> memref<32512x768xf32, #tpu.memory_space<hbm>>
    tpu.enqueue_indirect_dma source(%dma_start3A_67 : memref<32512x768xf32, #tpu.memory_space<hbm>>) target(%arg7 : memref<64x768xf32, #tpu.memory_space<vmem>>) offsets(%arg5 : memref<64xi32, #tpu.memory_space<vmem>>) semaphore(%arg11 : memref<!tpu.dma_semaphore, #tpu.memory_space<semaphore_mem>>)
    %dma_wait3A_68 = arith.constant 0 : i32
    %dma_wait3A_69 = arith.constant 0 : i32
    %dma_wait3A_70 = tpu.memref_slice %arg2[%dma_wait3A_68, %dma_wait3A_69] : memref<32512x768xf32, #tpu.memory_space<hbm>> -> memref<32512x768xf32, #tpu.memory_space<hbm>>
    tpu.wait_indirect_dma semaphore(%arg11 : memref<!tpu.dma_semaphore, #tpu.memory_space<semaphore_mem>>) src(%dma_wait3A_70 : memref<32512x768xf32, #tpu.memory_space<hbm>>) dst(%arg7 : memref<64x768xf32, #tpu.memory_space<vmem>>)
    %add3A_71 = arith.constant 256 : i32
    %add3A_72 = arith.addi %mul3A_2, %add3A_71 : i32
    "tpu.region"() ({
      %run_scoped3A = tpu.sem_alloc : memref<!tpu.dma_semaphore, #tpu.memory_space<semaphore_mem>>
      %dma_start3A_111 = arith.constant 0 : i32
      %dma_start3A_112 = tpu.memref_slice %arg4[%add3A_72, %dma_start3A_111] : memref<16384x768xf32, #tpu.memory_space<hbm>> -> memref<64x768xf32, #tpu.memory_space<hbm>>
      %dma_start3A_113 = arith.constant 0 : i32
      %dma_start3A_114 = tpu.memref_slice %arg4[%add3A_72, %dma_start3A_113] : memref<16384x768xf32, #tpu.memory_space<hbm>> -> memref<64x768xf32, #tpu.memory_space<hbm>>
      tpu.enqueue_dma source(%arg7 : memref<64x768xf32, #tpu.memory_space<vmem>>) target(%dma_start3A_114 : memref<64x768xf32, #tpu.memory_space<hbm>>) target_semaphore(%run_scoped3A : memref<!tpu.dma_semaphore, #tpu.memory_space<semaphore_mem>>)
      %dma_wait3A_115 = arith.constant 0 : i32
      %dma_wait3A_116 = tpu.memref_slice %arg4[%add3A_72, %dma_wait3A_115] : memref<16384x768xf32, #tpu.memory_space<hbm>> -> memref<64x768xf32, #tpu.memory_space<hbm>>
      %dma_wait3A_117 = arith.constant 0 : i32
      %dma_wait3A_118 = tpu.memref_slice %arg4[%add3A_72, %dma_wait3A_117] : memref<16384x768xf32, #tpu.memory_space<hbm>> -> memref<64x768xf32, #tpu.memory_space<hbm>>
      tpu.wait_dma2 semaphore(%run_scoped3A : memref<!tpu.dma_semaphore, #tpu.memory_space<semaphore_mem>>) src(%arg7 : memref<64x768xf32, #tpu.memory_space<vmem>>) dst(%dma_wait3A_118 : memref<64x768xf32, #tpu.memory_space<hbm>>)
      tpu.yield
    }) : () -> ()
    %add3A_73 = arith.constant 384 : i32
    %add3A_74 = arith.addi %mul3A_2, %add3A_73 : i32
    %dma_start3A_75 = tpu.memref_slice %arg3[%add3A_74] : memref<16384xi32, #tpu.memory_space<hbm>> -> memref<64xi32, #tpu.memory_space<hbm>>
    %dma_start3A_76 = tpu.memref_slice %arg3[%add3A_74] : memref<16384xi32, #tpu.memory_space<hbm>> -> memref<64xi32, #tpu.memory_space<hbm>>
    tpu.enqueue_dma source(%dma_start3A_76 : memref<64xi32, #tpu.memory_space<hbm>>) target(%arg5 : memref<64xi32, #tpu.memory_space<vmem>>) target_semaphore(%arg9 : memref<!tpu.dma_semaphore, #tpu.memory_space<semaphore_mem>>)
    %dma_wait3A_77 = tpu.memref_slice %arg3[%mul3A_2] : memref<16384xi32, #tpu.memory_space<hbm>> -> memref<64xi32, #tpu.memory_space<hbm>>
    %dma_wait3A_78 = tpu.memref_slice %arg3[%mul3A_2] : memref<16384xi32, #tpu.memory_space<hbm>> -> memref<64xi32, #tpu.memory_space<hbm>>
    tpu.wait_dma2 semaphore(%arg10 : memref<!tpu.dma_semaphore, #tpu.memory_space<semaphore_mem>>) src(%dma_wait3A_78 : memref<64xi32, #tpu.memory_space<hbm>>) dst(%arg6 : memref<64xi32, #tpu.memory_space<vmem>>)
    %dma_start3A_79 = arith.constant 0 : i32
    %dma_start3A_80 = arith.constant 0 : i32
    %dma_start3A_81 = tpu.memref_slice %arg2[%dma_start3A_79, %dma_start3A_80] : memref<32512x768xf32, #tpu.memory_space<hbm>> -> memref<32512x768xf32, #tpu.memory_space<hbm>>
    tpu.enqueue_indirect_dma source(%dma_start3A_81 : memref<32512x768xf32, #tpu.memory_space<hbm>>) target(%arg8 : memref<64x768xf32, #tpu.memory_space<vmem>>) offsets(%arg6 : memref<64xi32, #tpu.memory_space<vmem>>) semaphore(%arg11 : memref<!tpu.dma_semaphore, #tpu.memory_space<semaphore_mem>>)
    %dma_wait3A_82 = arith.constant 0 : i32
    %dma_wait3A_83 = arith.constant 0 : i32
    %dma_wait3A_84 = tpu.memref_slice %arg2[%dma_wait3A_82, %dma_wait3A_83] : memref<32512x768xf32, #tpu.memory_space<hbm>> -> memref<32512x768xf32, #tpu.memory_space<hbm>>
    tpu.wait_indirect_dma semaphore(%arg11 : memref<!tpu.dma_semaphore, #tpu.memory_space<semaphore_mem>>) src(%dma_wait3A_84 : memref<32512x768xf32, #tpu.memory_space<hbm>>) dst(%arg8 : memref<64x768xf32, #tpu.memory_space<vmem>>)
    %add3A_85 = arith.constant 320 : i32
    %add3A_86 = arith.addi %mul3A_2, %add3A_85 : i32
    "tpu.region"() ({
      %run_scoped3A = tpu.sem_alloc : memref<!tpu.dma_semaphore, #tpu.memory_space<semaphore_mem>>
      %dma_start3A_111 = arith.constant 0 : i32
      %dma_start3A_112 = tpu.memref_slice %arg4[%add3A_86, %dma_start3A_111] : memref<16384x768xf32, #tpu.memory_space<hbm>> -> memref<64x768xf32, #tpu.memory_space<hbm>>
      %dma_start3A_113 = arith.constant 0 : i32
      %dma_start3A_114 = tpu.memref_slice %arg4[%add3A_86, %dma_start3A_113] : memref<16384x768xf32, #tpu.memory_space<hbm>> -> memref<64x768xf32, #tpu.memory_space<hbm>>
      tpu.enqueue_dma source(%arg8 : memref<64x768xf32, #tpu.memory_space<vmem>>) target(%dma_start3A_114 : memref<64x768xf32, #tpu.memory_space<hbm>>) target_semaphore(%run_scoped3A : memref<!tpu.dma_semaphore, #tpu.memory_space<semaphore_mem>>)
      %dma_wait3A_115 = arith.constant 0 : i32
      %dma_wait3A_116 = tpu.memref_slice %arg4[%add3A_86, %dma_wait3A_115] : memref<16384x768xf32, #tpu.memory_space<hbm>> -> memref<64x768xf32, #tpu.memory_space<hbm>>
      %dma_wait3A_117 = arith.constant 0 : i32
      %dma_wait3A_118 = tpu.memref_slice %arg4[%add3A_86, %dma_wait3A_117] : memref<16384x768xf32, #tpu.memory_space<hbm>> -> memref<64x768xf32, #tpu.memory_space<hbm>>
      tpu.wait_dma2 semaphore(%run_scoped3A : memref<!tpu.dma_semaphore, #tpu.memory_space<semaphore_mem>>) src(%arg8 : memref<64x768xf32, #tpu.memory_space<vmem>>) dst(%dma_wait3A_118 : memref<64x768xf32, #tpu.memory_space<hbm>>)
      tpu.yield
    }) : () -> ()
    %add3A_87 = arith.constant 448 : i32
    %add3A_88 = arith.addi %mul3A_2, %add3A_87 : i32
    %dma_start3A_89 = tpu.memref_slice %arg3[%add3A_88] : memref<16384xi32, #tpu.memory_space<hbm>> -> memref<64xi32, #tpu.memory_space<hbm>>
    %dma_start3A_90 = tpu.memref_slice %arg3[%add3A_88] : memref<16384xi32, #tpu.memory_space<hbm>> -> memref<64xi32, #tpu.memory_space<hbm>>
    tpu.enqueue_dma source(%dma_start3A_90 : memref<64xi32, #tpu.memory_space<hbm>>) target(%arg6 : memref<64xi32, #tpu.memory_space<vmem>>) target_semaphore(%arg10 : memref<!tpu.dma_semaphore, #tpu.memory_space<semaphore_mem>>)
    %dma_wait3A_91 = tpu.memref_slice %arg3[%mul3A_2] : memref<16384xi32, #tpu.memory_space<hbm>> -> memref<64xi32, #tpu.memory_space<hbm>>
    %dma_wait3A_92 = tpu.memref_slice %arg3[%mul3A_2] : memref<16384xi32, #tpu.memory_space<hbm>> -> memref<64xi32, #tpu.memory_space<hbm>>
    tpu.wait_dma2 semaphore(%arg9 : memref<!tpu.dma_semaphore, #tpu.memory_space<semaphore_mem>>) src(%dma_wait3A_92 : memref<64xi32, #tpu.memory_space<hbm>>) dst(%arg5 : memref<64xi32, #tpu.memory_space<vmem>>)
    %dma_start3A_93 = arith.constant 0 : i32
    %dma_start3A_94 = arith.constant 0 : i32
    %dma_start3A_95 = tpu.memref_slice %arg2[%dma_start3A_93, %dma_start3A_94] : memref<32512x768xf32, #tpu.memory_space<hbm>> -> memref<32512x768xf32, #tpu.memory_space<hbm>>
    tpu.enqueue_indirect_dma source(%dma_start3A_95 : memref<32512x768xf32, #tpu.memory_space<hbm>>) target(%arg7 : memref<64x768xf32, #tpu.memory_space<vmem>>) offsets(%arg5 : memref<64xi32, #tpu.memory_space<vmem>>) semaphore(%arg11 : memref<!tpu.dma_semaphore, #tpu.memory_space<semaphore_mem>>)
    %dma_wait3A_96 = arith.constant 0 : i32
    %dma_wait3A_97 = arith.constant 0 : i32
    %dma_wait3A_98 = tpu.memref_slice %arg2[%dma_wait3A_96, %dma_wait3A_97] : memref<32512x768xf32, #tpu.memory_space<hbm>> -> memref<32512x768xf32, #tpu.memory_space<hbm>>
    tpu.wait_indirect_dma semaphore(%arg11 : memref<!tpu.dma_semaphore, #tpu.memory_space<semaphore_mem>>) src(%dma_wait3A_98 : memref<32512x768xf32, #tpu.memory_space<hbm>>) dst(%arg7 : memref<64x768xf32, #tpu.memory_space<vmem>>)
    %add3A_99 = arith.constant 384 : i32
    %add3A_100 = arith.addi %mul3A_2, %add3A_99 : i32
    "tpu.region"() ({
      %run_scoped3A = tpu.sem_alloc : memref<!tpu.dma_semaphore, #tpu.memory_space<semaphore_mem>>
      %dma_start3A_111 = arith.constant 0 : i32
      %dma_start3A_112 = tpu.memref_slice %arg4[%add3A_100, %dma_start3A_111] : memref<16384x768xf32, #tpu.memory_space<hbm>> -> memref<64x768xf32, #tpu.memory_space<hbm>>
      %dma_start3A_113 = arith.constant 0 : i32
      %dma_start3A_114 = tpu.memref_slice %arg4[%add3A_100, %dma_start3A_113] : memref<16384x768xf32, #tpu.memory_space<hbm>> -> memref<64x768xf32, #tpu.memory_space<hbm>>
      tpu.enqueue_dma source(%arg7 : memref<64x768xf32, #tpu.memory_space<vmem>>) target(%dma_start3A_114 : memref<64x768xf32, #tpu.memory_space<hbm>>) target_semaphore(%run_scoped3A : memref<!tpu.dma_semaphore, #tpu.memory_space<semaphore_mem>>)
      %dma_wait3A_115 = arith.constant 0 : i32
      %dma_wait3A_116 = tpu.memref_slice %arg4[%add3A_100, %dma_wait3A_115] : memref<16384x768xf32, #tpu.memory_space<hbm>> -> memref<64x768xf32, #tpu.memory_space<hbm>>
      %dma_wait3A_117 = arith.constant 0 : i32
      %dma_wait3A_118 = tpu.memref_slice %arg4[%add3A_100, %dma_wait3A_117] : memref<16384x768xf32, #tpu.memory_space<hbm>> -> memref<64x768xf32, #tpu.memory_space<hbm>>
      tpu.wait_dma2 semaphore(%run_scoped3A : memref<!tpu.dma_semaphore, #tpu.memory_space<semaphore_mem>>) src(%arg7 : memref<64x768xf32, #tpu.memory_space<vmem>>) dst(%dma_wait3A_118 : memref<64x768xf32, #tpu.memory_space<hbm>>)
      tpu.yield
    }) : () -> ()
    %dma_wait3A_101 = tpu.memref_slice %arg3[%mul3A_2] : memref<16384xi32, #tpu.memory_space<hbm>> -> memref<64xi32, #tpu.memory_space<hbm>>
    %dma_wait3A_102 = tpu.memref_slice %arg3[%mul3A_2] : memref<16384xi32, #tpu.memory_space<hbm>> -> memref<64xi32, #tpu.memory_space<hbm>>
    tpu.wait_dma2 semaphore(%arg10 : memref<!tpu.dma_semaphore, #tpu.memory_space<semaphore_mem>>) src(%dma_wait3A_102 : memref<64xi32, #tpu.memory_space<hbm>>) dst(%arg6 : memref<64xi32, #tpu.memory_space<vmem>>)
    %dma_start3A_103 = arith.constant 0 : i32
    %dma_start3A_104 = arith.constant 0 : i32
    %dma_start3A_105 = tpu.memref_slice %arg2[%dma_start3A_103, %dma_start3A_104] : memref<32512x768xf32, #tpu.memory_space<hbm>> -> memref<32512x768xf32, #tpu.memory_space<hbm>>
    tpu.enqueue_indirect_dma source(%dma_start3A_105 : memref<32512x768xf32, #tpu.memory_space<hbm>>) target(%arg8 : memref<64x768xf32, #tpu.memory_space<vmem>>) offsets(%arg6 : memref<64xi32, #tpu.memory_space<vmem>>) semaphore(%arg11 : memref<!tpu.dma_semaphore, #tpu.memory_space<semaphore_mem>>)
    %dma_wait3A_106 = arith.constant 0 : i32
    %dma_wait3A_107 = arith.constant 0 : i32
    %dma_wait3A_108 = tpu.memref_slice %arg2[%dma_wait3A_106, %dma_wait3A_107] : memref<32512x768xf32, #tpu.memory_space<hbm>> -> memref<32512x768xf32, #tpu.memory_space<hbm>>
    tpu.wait_indirect_dma semaphore(%arg11 : memref<!tpu.dma_semaphore, #tpu.memory_space<semaphore_mem>>) src(%dma_wait3A_108 : memref<32512x768xf32, #tpu.memory_space<hbm>>) dst(%arg8 : memref<64x768xf32, #tpu.memory_space<vmem>>)
    %add3A_109 = arith.constant 448 : i32
    %add3A_110 = arith.addi %mul3A_2, %add3A_109 : i32
    "tpu.region"() ({
      %run_scoped3A = tpu.sem_alloc : memref<!tpu.dma_semaphore, #tpu.memory_space<semaphore_mem>>
      %dma_start3A_111 = arith.constant 0 : i32
      %dma_start3A_112 = tpu.memref_slice %arg4[%add3A_110, %dma_start3A_111] : memref<16384x768xf32, #tpu.memory_space<hbm>> -> memref<64x768xf32, #tpu.memory_space<hbm>>
      %dma_start3A_113 = arith.constant 0 : i32
      %dma_start3A_114 = tpu.memref_slice %arg4[%add3A_110, %dma_start3A_113] : memref<16384x768xf32, #tpu.memory_space<hbm>> -> memref<64x768xf32, #tpu.memory_space<hbm>>
      tpu.enqueue_dma source(%arg8 : memref<64x768xf32, #tpu.memory_space<vmem>>) target(%dma_start3A_114 : memref<64x768xf32, #tpu.memory_space<hbm>>) target_semaphore(%run_scoped3A : memref<!tpu.dma_semaphore, #tpu.memory_space<semaphore_mem>>)
      %dma_wait3A_115 = arith.constant 0 : i32
      %dma_wait3A_116 = tpu.memref_slice %arg4[%add3A_110, %dma_wait3A_115] : memref<16384x768xf32, #tpu.memory_space<hbm>> -> memref<64x768xf32, #tpu.memory_space<hbm>>
      %dma_wait3A_117 = arith.constant 0 : i32
      %dma_wait3A_118 = tpu.memref_slice %arg4[%add3A_110, %dma_wait3A_117] : memref<16384x768xf32, #tpu.memory_space<hbm>> -> memref<64x768xf32, #tpu.memory_space<hbm>>
      tpu.wait_dma2 semaphore(%run_scoped3A : memref<!tpu.dma_semaphore, #tpu.memory_space<semaphore_mem>>) src(%arg8 : memref<64x768xf32, #tpu.memory_space<vmem>>) dst(%dma_wait3A_118 : memref<64x768xf32, #tpu.memory_space<hbm>>)
      tpu.yield
    }) : () -> ()
    return
  }
}

module attributes {stable_mosaic.version = 14 : i64} {
  func.func @_router_body(%arg0: i32, %arg1: memref<512x768xf32, #tpu.memory_space<vmem>>, %arg2: memref<768x64xf32, #tpu.memory_space<vmem>>, %arg3: memref<1x64xf32, #tpu.memory_space<vmem>>, %arg4: memref<512x64xf32, #tpu.memory_space<vmem>>, %arg5: memref<512x1xi32, #tpu.memory_space<vmem>>, %arg6: memref<512x1xi32, #tpu.memory_space<vmem>>, %arg7: memref<1x64xf32, #tpu.memory_space<vmem>>, %arg8: memref<1x64xf32, #tpu.memory_space<vmem>>) attributes {dimension_semantics = [#tpu.dimension_semantics<arbitrary>], iteration_bounds = array<i64: 32>, scalar_prefetch = 0 : i64, scratch_operands = 1 : i64, tpu.core_type = #tpu.core_type<tc>, window_params = [{transform_indices = @transform_0, window_bounds = array<i64: 512, 768>}, {pipeline_mode = #tpu.pipeline_mode<synchronous>, transform_indices = @transform_1, window_bounds = array<i64: 768, 64>}, {pipeline_mode = #tpu.pipeline_mode<synchronous>, transform_indices = @transform_2, window_bounds = array<i64: 1, 64>}, {transform_indices = @transform_3, window_bounds = array<i64: 512, 64>}, {transform_indices = @transform_4, window_bounds = array<i64: 512, 1>}, {transform_indices = @transform_5, window_bounds = array<i64: 512, 1>}, {pipeline_mode = #tpu.pipeline_mode<synchronous>, transform_indices = @transform_6, window_bounds = array<i64: 1, 64>}]} {
    %eq3A = arith.constant 0 : i32
    %eq3A_0 = arith.cmpi eq, %arg0, %eq3A : i32
    %convert_element_type3A = arith.extui %eq3A_0 : i1 to i32
    %cond3A = arith.constant 0 : i32
    %cond3A_1 = arith.cmpi ne, %convert_element_type3A, %cond3A : i32
    scf.if %cond3A_1 {
      %broadcast_in_dim3A_60 = arith.constant 0.000000e+00 : f32
      %broadcast_in_dim3A_61 = vector.broadcast %broadcast_in_dim3A_60 : f32 to vector<1x64xf32>
      %swap3A_62 = arith.constant 0 : index
      %swap3A_63 = arith.constant 0 : index
      %swap3A_64 = vector.load %arg8[%swap3A_62, %swap3A_63] : memref<1x64xf32, #tpu.memory_space<vmem>>, vector<1x64xf32>
      tpu.vector_store %arg8[%swap3A_62, %swap3A_63], %broadcast_in_dim3A_61 {strides = array<i32>} : memref<1x64xf32, #tpu.memory_space<vmem>>, vector<1x64xf32>,
    } else {
    }
    %get3A = arith.constant 0 : index
    %get3A_2 = arith.constant 0 : index
    %get3A_3 = vector.load %arg1[%get3A, %get3A_2] : memref<512x768xf32, #tpu.memory_space<vmem>>, vector<512x768xf32>
    %get3A_4 = arith.constant 0 : index
    %get3A_5 = arith.constant 0 : index
    %get3A_6 = vector.load %arg2[%get3A_4, %get3A_5] : memref<768x64xf32, #tpu.memory_space<vmem>>, vector<768x64xf32>
    %dot_general3A = arith.constant dense<0.000000e+00> : vector<512x64xf32>
    %dot_general3A_7 = tpu.matmul %get3A_3, %get3A_6, %dot_general3A {dimension_numbers = #tpu.dot_dimension_numbers<[1], [0], [0], [1], [0, 0, 1, 1], [], []>, transpose_lhs_hint = false} : vector<512x768xf32>, vector<768x64xf32>, vector<512x64xf32> -> vector<512x64xf32>
    %get3A_8 = arith.constant 0 : index
    %get3A_9 = arith.constant 0 : index
    %get3A_10 = vector.load %arg3[%get3A_8, %get3A_9] : memref<1x64xf32, #tpu.memory_space<vmem>>, vector<1x64xf32>
    %add3A = vector.broadcast %get3A_10 : vector<1x64xf32> to vector<512x64xf32>
    %add3A_11 = arith.addf %dot_general3A_7, %add3A : vector<512x64xf32>
    %reduce_max3A = arith.constant dense<0xFF800000> : vector<512xf32>
    %reduce_max3A_12 = vector.multi_reduction <maximumf>, %add3A_11, %reduce_max3A [1] : vector<512x64xf32> to vector<512xf32>
    %broadcast_in_dim3A = vector.shape_cast %reduce_max3A_12 : vector<512xf32> to vector<512x1xf32>
    %iota3A = tpu.iota {dimensions = array<i32: 1>} : vector<512x64xi32>
    %eq3A_13 = vector.broadcast %broadcast_in_dim3A : vector<512x1xf32> to vector<512x64xf32>
    %eq3A_14 = arith.cmpf oeq, %add3A_11, %eq3A_13 : vector<512x64xf32>
    %jit3A = arith.constant 64 : i32
    %broadcast_in_dim3A_15 = vector.broadcast %jit3A : i32 to vector<512x64xi32>
    %select_n3A = arith.select %eq3A_14, %iota3A, %broadcast_in_dim3A_15 : vector<512x64xi1>, vector<512x64xi32>
    %reduce_min3A = arith.constant dense<2147483647> : vector<512xi32>
    %reduce_min3A_16 = vector.multi_reduction <minsi>, %select_n3A, %reduce_min3A [1] : vector<512x64xi32> to vector<512xi32>
    %broadcast_in_dim3A_17 = vector.shape_cast %reduce_min3A_16 : vector<512xi32> to vector<512x1xi32>
    %eq3A_18 = vector.broadcast %broadcast_in_dim3A_17 : vector<512x1xi32> to vector<512x64xi32>
    %eq3A_19 = arith.cmpi eq, %iota3A, %eq3A_18 : vector<512x64xi32>
    %convert_element_type3A_20 = arith.extui %eq3A_19 : vector<512x64xi1> to vector<512x64xi32>
    %convert_element_type3A_21 = arith.sitofp %convert_element_type3A_20 : vector<512x64xi32> to vector<512x64xf32>
    %swap3A = arith.constant 0 : index
    %swap3A_22 = arith.constant 0 : index
    %swap3A_23 = vector.load %arg4[%swap3A, %swap3A_22] : memref<512x64xf32, #tpu.memory_space<vmem>>, vector<512x64xf32>
    tpu.vector_store %arg4[%swap3A, %swap3A_22], %convert_element_type3A_21 {strides = array<i32>} : memref<512x64xf32, #tpu.memory_space<vmem>>, vector<512x64xf32>,
    %swap3A_24 = arith.constant 0 : index
    %swap3A_25 = arith.constant 0 : index
    %swap3A_26 = vector.load %arg5[%swap3A_24, %swap3A_25] : memref<512x1xi32, #tpu.memory_space<vmem>>, vector<512x1xi32>
    tpu.vector_store %arg5[%swap3A_24, %swap3A_25], %broadcast_in_dim3A_17 {strides = array<i32>} : memref<512x1xi32, #tpu.memory_space<vmem>>, vector<512x1xi32>,
    %iota3A_27 = tpu.iota {dimensions = array<i32: 0>} : vector<512x512xi32>
    %iota3A_28 = tpu.iota {dimensions = array<i32: 1>} : vector<512x512xi32>
    %gt3A = arith.cmpi sgt, %iota3A_27, %iota3A_28 : vector<512x512xi32>
    %convert_element_type3A_29 = arith.extui %gt3A : vector<512x512xi1> to vector<512x512xi32>
    %convert_element_type3A_30 = arith.sitofp %convert_element_type3A_29 : vector<512x512xi32> to vector<512x512xf32>
    %dot_general3A_31 = arith.constant dense<0.000000e+00> : vector<512x64xf32>
    %dot_general3A_32 = tpu.matmul %convert_element_type3A_30, %convert_element_type3A_21, %dot_general3A_31 {dimension_numbers = #tpu.dot_dimension_numbers<[1], [0], [0], [1], [0, 0, 1, 1], [], []>, transpose_lhs_hint = false} : vector<512x512xf32>, vector<512x64xf32>, vector<512x64xf32> -> vector<512x64xf32>
    %get3A_33 = arith.constant 0 : index
    %get3A_34 = arith.constant 0 : index
    %get3A_35 = vector.load %arg8[%get3A_33, %get3A_34] : memref<1x64xf32, #tpu.memory_space<vmem>>, vector<1x64xf32>
    %add3A_36 = vector.broadcast %get3A_35 : vector<1x64xf32> to vector<512x64xf32>
    %add3A_37 = arith.addf %dot_general3A_32, %add3A_36 : vector<512x64xf32>
    %mul3A = arith.mulf %add3A_37, %convert_element_type3A_21 : vector<512x64xf32>
    %reduce_sum3A = arith.constant dense<0.000000e+00> : vector<512xf32>
    %reduce_sum3A_38 = vector.multi_reduction <add>, %mul3A, %reduce_sum3A [1] : vector<512x64xf32> to vector<512xf32>
    %broadcast_in_dim3A_39 = vector.shape_cast %reduce_sum3A_38 : vector<512xf32> to vector<512x1xf32>
    %convert_element_type3A_40 = arith.fptosi %broadcast_in_dim3A_39 : vector<512x1xf32> to vector<512x1xi32>
    %swap3A_41 = arith.constant 0 : index
    %swap3A_42 = arith.constant 0 : index
    %swap3A_43 = vector.load %arg6[%swap3A_41, %swap3A_42] : memref<512x1xi32, #tpu.memory_space<vmem>>, vector<512x1xi32>
    tpu.vector_store %arg6[%swap3A_41, %swap3A_42], %convert_element_type3A_40 {strides = array<i32>} : memref<512x1xi32, #tpu.memory_space<vmem>>, vector<512x1xi32>,
    %get3A_44 = arith.constant 0 : index
    %get3A_45 = arith.constant 0 : index
    %get3A_46 = vector.load %arg8[%get3A_44, %get3A_45] : memref<1x64xf32, #tpu.memory_space<vmem>>, vector<1x64xf32>
    %reduce_sum3A_47 = arith.constant dense<0.000000e+00> : vector<64xf32>
    %reduce_sum3A_48 = vector.multi_reduction <add>, %convert_element_type3A_21, %reduce_sum3A_47 [0] : vector<512x64xf32> to vector<64xf32>
    %broadcast_in_dim3A_49 = vector.shape_cast %reduce_sum3A_48 : vector<64xf32> to vector<1x64xf32>
    %add3A_50 = arith.addf %get3A_46, %broadcast_in_dim3A_49 : vector<1x64xf32>
    %swap3A_51 = arith.constant 0 : index
    %swap3A_52 = arith.constant 0 : index
    %swap3A_53 = vector.load %arg8[%swap3A_51, %swap3A_52] : memref<1x64xf32, #tpu.memory_space<vmem>>, vector<1x64xf32>
    tpu.vector_store %arg8[%swap3A_51, %swap3A_52], %add3A_50 {strides = array<i32>} : memref<1x64xf32, #tpu.memory_space<vmem>>, vector<1x64xf32>,
    %get3A_54 = arith.constant 0 : index
    %get3A_55 = arith.constant 0 : index
    %get3A_56 = vector.load %arg8[%get3A_54, %get3A_55] : memref<1x64xf32, #tpu.memory_space<vmem>>, vector<1x64xf32>
    %swap3A_57 = arith.constant 0 : index
    %swap3A_58 = arith.constant 0 : index
    %swap3A_59 = vector.load %arg7[%swap3A_57, %swap3A_58] : memref<1x64xf32, #tpu.memory_space<vmem>>, vector<1x64xf32>
    tpu.vector_store %arg7[%swap3A_57, %swap3A_58], %get3A_56 {strides = array<i32>} : memref<1x64xf32, #tpu.memory_space<vmem>>, vector<1x64xf32>,
    return
  }
  func.func @transform_0(%arg0: i32) -> (i32, i32) {
    %c0_i32 = arith.constant 0 : i32
    %c0_i32_0 = arith.constant 0 : i32
    return %arg0, %c0_i32 : i32, i32
  }
  func.func @transform_1(%arg0: i32) -> (i32, i32) {
    %c0_i32 = arith.constant 0 : i32
    %c0_i32_0 = arith.constant 0 : i32
    %c0_i32_1 = arith.constant 0 : i32
    return %c0_i32, %c0_i32_0 : i32, i32
  }
  func.func @transform_2(%arg0: i32) -> (i32, i32) {
    %c0_i32 = arith.constant 0 : i32
    %c0_i32_0 = arith.constant 0 : i32
    %c0_i32_1 = arith.constant 0 : i32
    return %c0_i32, %c0_i32_0 : i32, i32
  }
  func.func @transform_3(%arg0: i32) -> (i32, i32) {
    %c0_i32 = arith.constant 0 : i32
    %c0_i32_0 = arith.constant 0 : i32
    return %arg0, %c0_i32 : i32, i32
  }
  func.func @transform_4(%arg0: i32) -> (i32, i32) {
    %c0_i32 = arith.constant 0 : i32
    %c0_i32_0 = arith.constant 0 : i32
    return %arg0, %c0_i32 : i32, i32
  }
  func.func @transform_5(%arg0: i32) -> (i32, i32) {
    %c0_i32 = arith.constant 0 : i32
    %c0_i32_0 = arith.constant 0 : i32
    return %arg0, %c0_i32 : i32, i32
  }
  func.func @transform_6(%arg0: i32) -> (i32, i32) {
    %c0_i32 = arith.constant 0 : i32
    %c0_i32_0 = arith.constant 0 : i32
    %c0_i32_1 = arith.constant 0 : i32
    return %c0_i32, %c0_i32_0 : i32, i32
  }
}

module attributes {stable_mosaic.version = 14 : i64} {
  func.func @_plan_body(%arg0: i32, %arg1: memref<1x64xf32, #tpu.memory_space<vmem>>, %arg2: memref<512x64xf32, #tpu.memory_space<vmem>>, %arg3: memref<512x1xi32, #tpu.memory_space<vmem>>, %arg4: memref<512x1xi32, #tpu.memory_space<vmem>>, %arg5: memref<128x1xi32, #tpu.memory_space<vmem>>, %arg6: memref<1x1xi32, #tpu.memory_space<vmem>>) attributes {dimension_semantics = [#tpu.dimension_semantics<arbitrary>], iteration_bounds = array<i64: 32>, scalar_prefetch = 0 : i64, scratch_operands = 0 : i64, tpu.core_type = #tpu.core_type<tc>, window_params = [{pipeline_mode = #tpu.pipeline_mode<synchronous>, transform_indices = @transform_0, window_bounds = array<i64: 1, 64>}, {transform_indices = @transform_1, window_bounds = array<i64: 512, 64>}, {transform_indices = @transform_2, window_bounds = array<i64: 512, 1>}, {transform_indices = @transform_3, window_bounds = array<i64: 512, 1>}, {pipeline_mode = #tpu.pipeline_mode<synchronous>, transform_indices = @transform_4, window_bounds = array<i64: 128, 1>}, {pipeline_mode = #tpu.pipeline_mode<synchronous>, transform_indices = @transform_5, window_bounds = array<i64: 1, 1>}]} {
    %get3A = arith.constant 0 : index
    %get3A_0 = arith.constant 0 : index
    %get3A_1 = vector.load %arg1[%get3A, %get3A_0] : memref<1x64xf32, #tpu.memory_space<vmem>>, vector<1x64xf32>
    %convert_element_type3A = arith.fptosi %get3A_1 : vector<1x64xf32> to vector<1x64xi32>
    %add3A = arith.constant 255 : i32
    %add3A_2 = vector.broadcast %add3A : i32 to vector<1x64xi32>
    %add3A_3 = arith.addi %convert_element_type3A, %add3A_2 : vector<1x64xi32>
    %jit3A = arith.constant 256 : i32
    %div3A = vector.broadcast %jit3A : i32 to vector<1x64xi32>
    %div3A_4 = arith.divsi %add3A_3, %div3A : vector<1x64xi32>
    %sign3A = arith.constant 0 : i32
    %sign3A_5 = vector.broadcast %sign3A : i32 to vector<1x64xi32>
    %sign3A_6 = arith.cmpi sgt, %add3A_3, %sign3A_5 : vector<1x64xi32>
    %sign3A_7 = arith.extui %sign3A_6 : vector<1x64xi1> to vector<1x64xi32>
    %sign3A_8 = arith.constant 0 : i32
    %sign3A_9 = vector.broadcast %sign3A_8 : i32 to vector<1x64xi32>
    %sign3A_10 = arith.cmpi slt, %add3A_3, %sign3A_9 : vector<1x64xi32>
    %sign3A_11 = arith.extui %sign3A_10 : vector<1x64xi1> to vector<1x64xi32>
    %sign3A_12 = arith.subi %sign3A_7, %sign3A_11 : vector<1x64xi32>
    %sign3A_13 = arith.constant 0 : i32
    %sign3A_14 = arith.cmpi sgt, %jit3A, %sign3A_13 : i32
    %sign3A_15 = arith.extui %sign3A_14 : i1 to i32
    %sign3A_16 = arith.constant 0 : i32
    %sign3A_17 = arith.cmpi slt, %jit3A, %sign3A_16 : i32
    %sign3A_18 = arith.extui %sign3A_17 : i1 to i32
    %sign3A_19 = arith.subi %sign3A_15, %sign3A_18 : i32
    %ne3A = vector.broadcast %sign3A_19 : i32 to vector<1x64xi32>
    %ne3A_20 = arith.cmpi ne, %sign3A_12, %ne3A : vector<1x64xi32>
    %rem3A = vector.broadcast %jit3A : i32 to vector<1x64xi32>
    %rem3A_21 = arith.remsi %add3A_3, %rem3A : vector<1x64xi32>
    %ne3A_22 = arith.constant 0 : i32
    %ne3A_23 = vector.broadcast %ne3A_22 : i32 to vector<1x64xi32>
    %ne3A_24 = arith.cmpi ne, %rem3A_21, %ne3A_23 : vector<1x64xi32>
    %and3A = arith.andi %ne3A_20, %ne3A_24 : vector<1x64xi1>
    %sub3A = arith.constant 1 : i32
    %sub3A_25 = vector.broadcast %sub3A : i32 to vector<1x64xi32>
    %sub3A_26 = arith.subi %div3A_4, %sub3A_25 : vector<1x64xi32>
    %select_n3A = arith.select %and3A, %sub3A_26, %div3A_4 : vector<1x64xi1>, vector<1x64xi32>
    %broadcast_in_dim3A = arith.constant 0 : i32
    %broadcast_in_dim3A_27 = vector.broadcast %broadcast_in_dim3A : i32 to vector<1x1xi32>
    %slice3A = vector.extract_strided_slice %select_n3A {offsets = [0, 0], sizes = [1, 63], strides = [1, 1]} : vector<1x64xi32> to vector<1x63xi32>
    %concatenate3A = tpu.concatenate %broadcast_in_dim3A_27, %slice3A in 1 : vector<1x1xi32>, vector<1x63xi32> -> vector<1x64xi32>
    %broadcast_in_dim3A_28 = arith.constant 0 : i32
    %broadcast_in_dim3A_29 = vector.broadcast %broadcast_in_dim3A_28 : i32 to vector<1x1xi32>
    %slice3A_30 = vector.extract_strided_slice %concatenate3A {offsets = [0, 0], sizes = [1, 63], strides = [1, 1]} : vector<1x64xi32> to vector<1x63xi32>
    %concatenate3A_31 = tpu.concatenate %broadcast_in_dim3A_29, %slice3A_30 in 1 : vector<1x1xi32>, vector<1x63xi32> -> vector<1x64xi32>
    %add3A_32 = arith.addi %concatenate3A, %concatenate3A_31 : vector<1x64xi32>
    %broadcast_in_dim3A_33 = arith.constant 0 : i32
    %broadcast_in_dim3A_34 = vector.broadcast %broadcast_in_dim3A_33 : i32 to vector<1x2xi32>
    %slice3A_35 = vector.extract_strided_slice %add3A_32 {offsets = [0, 0], sizes = [1, 62], strides = [1, 1]} : vector<1x64xi32> to vector<1x62xi32>
    %concatenate3A_36 = tpu.concatenate %broadcast_in_dim3A_34, %slice3A_35 in 1 : vector<1x2xi32>, vector<1x62xi32> -> vector<1x64xi32>
    %add3A_37 = arith.addi %add3A_32, %concatenate3A_36 : vector<1x64xi32>
    %broadcast_in_dim3A_38 = arith.constant 0 : i32
    %broadcast_in_dim3A_39 = vector.broadcast %broadcast_in_dim3A_38 : i32 to vector<1x4xi32>
    %slice3A_40 = vector.extract_strided_slice %add3A_37 {offsets = [0, 0], sizes = [1, 60], strides = [1, 1]} : vector<1x64xi32> to vector<1x60xi32>
    %concatenate3A_41 = tpu.concatenate %broadcast_in_dim3A_39, %slice3A_40 in 1 : vector<1x4xi32>, vector<1x60xi32> -> vector<1x64xi32>
    %add3A_42 = arith.addi %add3A_37, %concatenate3A_41 : vector<1x64xi32>
    %broadcast_in_dim3A_43 = arith.constant 0 : i32
    %broadcast_in_dim3A_44 = vector.broadcast %broadcast_in_dim3A_43 : i32 to vector<1x8xi32>
    %slice3A_45 = vector.extract_strided_slice %add3A_42 {offsets = [0, 0], sizes = [1, 56], strides = [1, 1]} : vector<1x64xi32> to vector<1x56xi32>
    %concatenate3A_46 = tpu.concatenate %broadcast_in_dim3A_44, %slice3A_45 in 1 : vector<1x8xi32>, vector<1x56xi32> -> vector<1x64xi32>
    %add3A_47 = arith.addi %add3A_42, %concatenate3A_46 : vector<1x64xi32>
    %broadcast_in_dim3A_48 = arith.constant 0 : i32
    %broadcast_in_dim3A_49 = vector.broadcast %broadcast_in_dim3A_48 : i32 to vector<1x16xi32>
    %slice3A_50 = vector.extract_strided_slice %add3A_47 {offsets = [0, 0], sizes = [1, 48], strides = [1, 1]} : vector<1x64xi32> to vector<1x48xi32>
    %concatenate3A_51 = tpu.concatenate %broadcast_in_dim3A_49, %slice3A_50 in 1 : vector<1x16xi32>, vector<1x48xi32> -> vector<1x64xi32>
    %add3A_52 = arith.addi %add3A_47, %concatenate3A_51 : vector<1x64xi32>
    %broadcast_in_dim3A_53 = arith.constant 0 : i32
    %broadcast_in_dim3A_54 = vector.broadcast %broadcast_in_dim3A_53 : i32 to vector<1x32xi32>
    %slice3A_55 = vector.extract_strided_slice %add3A_52 {offsets = [0, 0], sizes = [1, 32], strides = [1, 1]} : vector<1x64xi32> to vector<1x32xi32>
    %concatenate3A_56 = tpu.concatenate %broadcast_in_dim3A_54, %slice3A_55 in 1 : vector<1x32xi32>, vector<1x32xi32> -> vector<1x64xi32>
    %add3A_57 = arith.addi %add3A_52, %concatenate3A_56 : vector<1x64xi32>
    %mul3A = arith.constant 256 : i32
    %mul3A_58 = vector.broadcast %mul3A : i32 to vector<1x64xi32>
    %mul3A_59 = arith.muli %add3A_57, %mul3A_58 : vector<1x64xi32>
    %get3A_60 = arith.constant 0 : index
    %get3A_61 = arith.constant 0 : index
    %get3A_62 = vector.load %arg2[%get3A_60, %get3A_61] : memref<512x64xf32, #tpu.memory_space<vmem>>, vector<512x64xf32>
    %convert_element_type3A_63 = arith.sitofp %mul3A_59 : vector<1x64xi32> to vector<1x64xf32>
    %mul3A_64 = vector.broadcast %convert_element_type3A_63 : vector<1x64xf32> to vector<512x64xf32>
    %mul3A_65 = arith.mulf %get3A_62, %mul3A_64 : vector<512x64xf32>
    %reduce_sum3A = arith.constant dense<0.000000e+00> : vector<512xf32>
    %reduce_sum3A_66 = vector.multi_reduction <add>, %mul3A_65, %reduce_sum3A [1] : vector<512x64xf32> to vector<512xf32>
    %broadcast_in_dim3A_67 = vector.shape_cast %reduce_sum3A_66 : vector<512xf32> to vector<512x1xf32>
    %get3A_68 = arith.constant 0 : index
    %get3A_69 = arith.constant 0 : index
    %get3A_70 = vector.load %arg3[%get3A_68, %get3A_69] : memref<512x1xi32, #tpu.memory_space<vmem>>, vector<512x1xi32>
    %convert_element_type3A_71 = arith.fptosi %broadcast_in_dim3A_67 : vector<512x1xf32> to vector<512x1xi32>
    %add3A_72 = arith.addi %get3A_70, %convert_element_type3A_71 : vector<512x1xi32>
    %swap3A = arith.constant 0 : index
    %swap3A_73 = arith.constant 0 : index
    %swap3A_74 = vector.load %arg4[%swap3A, %swap3A_73] : memref<512x1xi32, #tpu.memory_space<vmem>>, vector<512x1xi32>
    tpu.vector_store %arg4[%swap3A, %swap3A_73], %add3A_72 {strides = array<i32>} : memref<512x1xi32, #tpu.memory_space<vmem>>, vector<512x1xi32>,
    %iota3A = tpu.iota {dimensions = array<i32: 0>} : vector<128x64xi32>
    %mul3A_75 = arith.constant 256 : i32
    %mul3A_76 = vector.broadcast %mul3A_75 : i32 to vector<128x64xi32>
    %mul3A_77 = arith.muli %iota3A, %mul3A_76 : vector<128x64xi32>
    %le3A = vector.broadcast %mul3A_59 : vector<1x64xi32> to vector<128x64xi32>
    %le3A_78 = arith.cmpi sle, %le3A, %mul3A_77 : vector<128x64xi32>
    %convert_element_type3A_79 = arith.extui %le3A_78 : vector<128x64xi1> to vector<128x64xi32>
    %reduce_sum3A_80 = arith.constant dense<0> : vector<128xi32>
    %reduce_sum3A_81 = vector.multi_reduction <add>, %convert_element_type3A_79, %reduce_sum3A_80 [1] : vector<128x64xi32> to vector<128xi32>
    %broadcast_in_dim3A_82 = vector.shape_cast %reduce_sum3A_81 : vector<128xi32> to vector<128x1xi32>
    %sub3A_83 = arith.constant 1 : i32
    %sub3A_84 = vector.broadcast %sub3A_83 : i32 to vector<128x1xi32>
    %sub3A_85 = arith.subi %broadcast_in_dim3A_82, %sub3A_84 : vector<128x1xi32>
    %swap3A_86 = arith.constant 0 : index
    %swap3A_87 = arith.constant 0 : index
    %swap3A_88 = vector.load %arg5[%swap3A_86, %swap3A_87] : memref<128x1xi32, #tpu.memory_space<vmem>>, vector<128x1xi32>
    tpu.vector_store %arg5[%swap3A_86, %swap3A_87], %sub3A_85 {strides = array<i32>} : memref<128x1xi32, #tpu.memory_space<vmem>>, vector<128x1xi32>,
    %reduce_sum3A_89 = arith.constant dense<0> : vector<1xi32>
    %reduce_sum3A_90 = vector.multi_reduction <add>, %select_n3A, %reduce_sum3A_89 [1] : vector<1x64xi32> to vector<1xi32>
    %broadcast_in_dim3A_91 = vector.shape_cast %reduce_sum3A_90 : vector<1xi32> to vector<1x1xi32>
    %swap3A_92 = arith.constant 0 : index
    %swap3A_93 = arith.constant 0 : index
    %swap3A_94 = vector.load %arg6[%swap3A_92, %swap3A_93] : memref<1x1xi32, #tpu.memory_space<vmem>>, vector<1x1xi32>
    tpu.vector_store %arg6[%swap3A_92, %swap3A_93], %broadcast_in_dim3A_91 {strides = array<i32>} : memref<1x1xi32, #tpu.memory_space<vmem>>, vector<1x1xi32>,
    return
  }
  func.func @transform_0(%arg0: i32) -> (i32, i32) {
    %c0_i32 = arith.constant 0 : i32
    %c0_i32_0 = arith.constant 0 : i32
    %c0_i32_1 = arith.constant 0 : i32
    return %c0_i32, %c0_i32_0 : i32, i32
  }
  func.func @transform_1(%arg0: i32) -> (i32, i32) {
    %c0_i32 = arith.constant 0 : i32
    %c0_i32_0 = arith.constant 0 : i32
    return %arg0, %c0_i32 : i32, i32
  }
  func.func @transform_2(%arg0: i32) -> (i32, i32) {
    %c0_i32 = arith.constant 0 : i32
    %c0_i32_0 = arith.constant 0 : i32
    return %arg0, %c0_i32 : i32, i32
  }
  func.func @transform_3(%arg0: i32) -> (i32, i32) {
    %c0_i32 = arith.constant 0 : i32
    %c0_i32_0 = arith.constant 0 : i32
    return %arg0, %c0_i32 : i32, i32
  }
  func.func @transform_4(%arg0: i32) -> (i32, i32) {
    %c0_i32 = arith.constant 0 : i32
    %c0_i32_0 = arith.constant 0 : i32
    %c0_i32_1 = arith.constant 0 : i32
    return %c0_i32, %c0_i32_0 : i32, i32
  }
  func.func @transform_5(%arg0: i32) -> (i32, i32) {
    %c0_i32 = arith.constant 0 : i32
    %c0_i32_0 = arith.constant 0 : i32
    %c0_i32_1 = arith.constant 0 : i32
    return %c0_i32, %c0_i32_0 : i32, i32
  }
}

module attributes {stable_mosaic.version = 14 : i64} {
  func.func @_ffn_body(%arg0: i32, %arg1: memref<128xi32, #tpu.memory_space<smem>>, %arg2: memref<1xi32, #tpu.memory_space<smem>>, %arg3: memref<256x768xf32, #tpu.memory_space<vmem>>, %arg4: memref<1x768x1536xf32, #tpu.memory_space<vmem>>, %arg5: memref<1x1x1536xf32, #tpu.memory_space<vmem>>, %arg6: memref<1x1536x768xf32, #tpu.memory_space<vmem>>, %arg7: memref<1x1x768xf32, #tpu.memory_space<vmem>>, %arg8: memref<256x768xf32, #tpu.memory_space<vmem>>) attributes {dimension_semantics = [#tpu.dimension_semantics<arbitrary>], iteration_bounds = array<i64: 127>, scalar_prefetch = 2 : i64, scratch_operands = 0 : i64, tpu.core_type = #tpu.core_type<tc>, window_params = [{transform_indices = @transform_0, window_bounds = array<i64: 256, 768>}, {transform_indices = @transform_1, window_bounds = array<i64: 1, 768, 1536>}, {transform_indices = @transform_2, window_bounds = array<i64: 1, 1, 1536>}, {transform_indices = @transform_3, window_bounds = array<i64: 1, 1536, 768>}, {transform_indices = @transform_4, window_bounds = array<i64: 1, 1, 768>}, {transform_indices = @transform_5, window_bounds = array<i64: 256, 768>}]} {
    %get3A = arith.constant 0 : index
    %get3A_0 = memref.load %arg2[%get3A] : memref<1xi32, #tpu.memory_space<smem>>
    %lt3A = arith.cmpi slt, %arg0, %get3A_0 : i32
    %convert_element_type3A = arith.extui %lt3A : i1 to i32
    %cond3A = arith.constant 0 : i32
    %cond3A_1 = arith.cmpi ne, %convert_element_type3A, %cond3A : i32
    scf.if %cond3A_1 {
      %get3A_2 = arith.constant 0 : index
      %get3A_3 = arith.constant 0 : index
      %get3A_4 = vector.load %arg3[%get3A_2, %get3A_3] : memref<256x768xf32, #tpu.memory_space<vmem>>, vector<256x768xf32>
      %get3A_5 = arith.constant 0 : index
      %get3A_6 = arith.constant 0 : index
      %get3A_7 = arith.constant 0 : index
      %get3A_8 = vector.load %arg4[%get3A_5, %get3A_6, %get3A_7] : memref<1x768x1536xf32, #tpu.memory_space<vmem>>, vector<1x768x1536xf32>
      %get3A_9 = vector.shape_cast %get3A_8 : vector<1x768x1536xf32> to vector<768x1536xf32>
      %dot_general3A = arith.constant dense<0.000000e+00> : vector<256x1536xf32>
      %dot_general3A_10 = tpu.matmul %get3A_4, %get3A_9, %dot_general3A {dimension_numbers = #tpu.dot_dimension_numbers<[1], [0], [0], [1], [0, 0, 1, 1], [], []>, transpose_lhs_hint = false} : vector<256x768xf32>, vector<768x1536xf32>, vector<256x1536xf32> -> vector<256x1536xf32>
      %get3A_11 = arith.constant 0 : index
      %get3A_12 = arith.constant 0 : index
      %get3A_13 = arith.constant 0 : index
      %get3A_14 = vector.load %arg5[%get3A_11, %get3A_12, %get3A_13] : memref<1x1x1536xf32, #tpu.memory_space<vmem>>, vector<1x1x1536xf32>
      %get3A_15 = vector.shape_cast %get3A_14 : vector<1x1x1536xf32> to vector<1x1536xf32>
      %add3A = vector.broadcast %get3A_15 : vector<1x1536xf32> to vector<256x1536xf32>
      %add3A_16 = arith.addf %dot_general3A_10, %add3A : vector<256x1536xf32>
      %max3A = arith.constant 0.000000e+00 : f32
      %max3A_17 = vector.broadcast %max3A : f32 to vector<256x1536xf32>
      %max3A_18 = arith.maximumf %add3A_16, %max3A_17 : vector<256x1536xf32>
      %get3A_19 = arith.constant 0 : index
      %get3A_20 = arith.constant 0 : index
      %get3A_21 = arith.constant 0 : index
      %get3A_22 = vector.load %arg6[%get3A_19, %get3A_20, %get3A_21] : memref<1x1536x768xf32, #tpu.memory_space<vmem>>, vector<1x1536x768xf32>
      %get3A_23 = vector.shape_cast %get3A_22 : vector<1x1536x768xf32> to vector<1536x768xf32>
      %dot_general3A_24 = arith.constant dense<0.000000e+00> : vector<256x768xf32>
      %dot_general3A_25 = tpu.matmul %max3A_18, %get3A_23, %dot_general3A_24 {dimension_numbers = #tpu.dot_dimension_numbers<[1], [0], [0], [1], [0, 0, 1, 1], [], []>, transpose_lhs_hint = false} : vector<256x1536xf32>, vector<1536x768xf32>, vector<256x768xf32> -> vector<256x768xf32>
      %get3A_26 = arith.constant 0 : index
      %get3A_27 = arith.constant 0 : index
      %get3A_28 = arith.constant 0 : index
      %get3A_29 = vector.load %arg7[%get3A_26, %get3A_27, %get3A_28] : memref<1x1x768xf32, #tpu.memory_space<vmem>>, vector<1x1x768xf32>
      %get3A_30 = vector.shape_cast %get3A_29 : vector<1x1x768xf32> to vector<1x768xf32>
      %add3A_31 = vector.broadcast %get3A_30 : vector<1x768xf32> to vector<256x768xf32>
      %add3A_32 = arith.addf %dot_general3A_25, %add3A_31 : vector<256x768xf32>
      %swap3A = arith.constant 0 : index
      %swap3A_33 = arith.constant 0 : index
      %swap3A_34 = vector.load %arg8[%swap3A, %swap3A_33] : memref<256x768xf32, #tpu.memory_space<vmem>>, vector<256x768xf32>
      tpu.vector_store %arg8[%swap3A, %swap3A_33], %add3A_32 {strides = array<i32>} : memref<256x768xf32, #tpu.memory_space<vmem>>, vector<256x768xf32>,
    } else {
    }
    return
  }
  func.func @transform_0(%arg0: i32, %arg1: memref<128xi32, #tpu.memory_space<smem>>, %arg2: memref<1xi32, #tpu.memory_space<smem>>) -> (i32, i32) {
    %get3A = arith.constant 0 : index
    %get3A_0 = memref.load %arg2[%get3A] : memref<1xi32, #tpu.memory_space<smem>>
    %sub3A = arith.constant 1 : i32
    %sub3A_1 = arith.subi %get3A_0, %sub3A : i32
    %min3A = arith.minsi %arg0, %sub3A_1 : i32
    %c0_i32 = arith.constant 0 : i32
    %c0_i32_2 = arith.constant 0 : i32
    return %min3A, %c0_i32 : i32, i32
  }
  func.func @transform_1(%arg0: i32, %arg1: memref<128xi32, #tpu.memory_space<smem>>, %arg2: memref<1xi32, #tpu.memory_space<smem>>) -> (i32, i32, i32) {
    %get3A = arith.constant 0 : index
    %get3A_0 = memref.load %arg2[%get3A] : memref<1xi32, #tpu.memory_space<smem>>
    %sub3A = arith.constant 1 : i32
    %sub3A_1 = arith.subi %get3A_0, %sub3A : i32
    %min3A = arith.minsi %arg0, %sub3A_1 : i32
    %get3A_2 = arith.index_cast %min3A : i32 to index
    %get3A_3 = memref.load %arg1[%get3A_2] : memref<128xi32, #tpu.memory_space<smem>>
    %c0_i32 = arith.constant 0 : i32
    %c0_i32_4 = arith.constant 0 : i32
    %c0_i32_5 = arith.constant 0 : i32
    return %get3A_3, %c0_i32, %c0_i32_4 : i32, i32, i32
  }
  func.func @transform_2(%arg0: i32, %arg1: memref<128xi32, #tpu.memory_space<smem>>, %arg2: memref<1xi32, #tpu.memory_space<smem>>) -> (i32, i32, i32) {
    %get3A = arith.constant 0 : index
    %get3A_0 = memref.load %arg2[%get3A] : memref<1xi32, #tpu.memory_space<smem>>
    %sub3A = arith.constant 1 : i32
    %sub3A_1 = arith.subi %get3A_0, %sub3A : i32
    %min3A = arith.minsi %arg0, %sub3A_1 : i32
    %get3A_2 = arith.index_cast %min3A : i32 to index
    %get3A_3 = memref.load %arg1[%get3A_2] : memref<128xi32, #tpu.memory_space<smem>>
    %c0_i32 = arith.constant 0 : i32
    %c0_i32_4 = arith.constant 0 : i32
    %c0_i32_5 = arith.constant 0 : i32
    return %get3A_3, %c0_i32, %c0_i32_4 : i32, i32, i32
  }
  func.func @transform_3(%arg0: i32, %arg1: memref<128xi32, #tpu.memory_space<smem>>, %arg2: memref<1xi32, #tpu.memory_space<smem>>) -> (i32, i32, i32) {
    %get3A = arith.constant 0 : index
    %get3A_0 = memref.load %arg2[%get3A] : memref<1xi32, #tpu.memory_space<smem>>
    %sub3A = arith.constant 1 : i32
    %sub3A_1 = arith.subi %get3A_0, %sub3A : i32
    %min3A = arith.minsi %arg0, %sub3A_1 : i32
    %get3A_2 = arith.index_cast %min3A : i32 to index
    %get3A_3 = memref.load %arg1[%get3A_2] : memref<128xi32, #tpu.memory_space<smem>>
    %c0_i32 = arith.constant 0 : i32
    %c0_i32_4 = arith.constant 0 : i32
    %c0_i32_5 = arith.constant 0 : i32
    return %get3A_3, %c0_i32, %c0_i32_4 : i32, i32, i32
  }
  func.func @transform_4(%arg0: i32, %arg1: memref<128xi32, #tpu.memory_space<smem>>, %arg2: memref<1xi32, #tpu.memory_space<smem>>) -> (i32, i32, i32) {
    %get3A = arith.constant 0 : index
    %get3A_0 = memref.load %arg2[%get3A] : memref<1xi32, #tpu.memory_space<smem>>
    %sub3A = arith.constant 1 : i32
    %sub3A_1 = arith.subi %get3A_0, %sub3A : i32
    %min3A = arith.minsi %arg0, %sub3A_1 : i32
    %get3A_2 = arith.index_cast %min3A : i32 to index
    %get3A_3 = memref.load %arg1[%get3A_2] : memref<128xi32, #tpu.memory_space<smem>>
    %c0_i32 = arith.constant 0 : i32
    %c0_i32_4 = arith.constant 0 : i32
    %c0_i32_5 = arith.constant 0 : i32
    return %get3A_3, %c0_i32, %c0_i32_4 : i32, i32, i32
  }
  func.func @transform_5(%arg0: i32, %arg1: memref<128xi32, #tpu.memory_space<smem>>, %arg2: memref<1xi32, #tpu.memory_space<smem>>) -> (i32, i32) {
    %get3A = arith.constant 0 : index
    %get3A_0 = memref.load %arg2[%get3A] : memref<1xi32, #tpu.memory_space<smem>>
    %sub3A = arith.constant 1 : i32
    %sub3A_1 = arith.subi %get3A_0, %sub3A : i32
    %min3A = arith.minsi %arg0, %sub3A_1 : i32
    %c0_i32 = arith.constant 0 : i32
    %c0_i32_2 = arith.constant 0 : i32
    return %min3A, %c0_i32 : i32, i32
  }
}

</mosaic_0001>

<sc_bundles>
// kernel: kernel.10.cloned.1.call-start
scs
__scs_entry_jumppad:
0x0: {  	(pc) =	sbr.rel $0x88, $3  }
0x1: {  	(tag) =	ssettag $0x0;
	lr =	simm.s32 $0x1  }
0x2: {  	[smem:$0x3F9A] =	sst lr;
	_ =	strace $0xD0000000  }
0x3: {  	_ = 	snop  }
0x4: {  	_ = 	snop  }
0x5: {  	_ = 	snop  }
0x6: {  	_ = 	snop  }
0x7: {  	_ = 	snop  }
__scs_overlays_trampoline_lowered:
0x8: {  	[smem:$0x3FA9] =	sst s0  }
0x9: {  	[smem:$0x3FAA] =	sst s1  }
0xa: {  	[smem:$0x3FAB] =	sst s2  }
0xb: {  	[smem:$0x3FAC] =	sst s3  }
0xc: {  	[smem:$0x3FAD] =	sst s4  }
0xd: {  	[smem:$0x3FAE] =	sst s5  }
0xe: {  	[smem:$0x3FAF] =	sst s6  }
0xf: {  	[smem:$0x3FB0] =	sst s7  }
0x10: {  	[smem:$0x3FB1] =	sst s8  }
0x11: {  	[smem:$0x3FB2] =	sst s9;
	s0 =	simm.s32 @!p0 $0x0  }
0x12: {  	s1 =	sld [smem:$0x3F98];
	s0 =	simm.s32 @p0 $0x1  }
0x13: {  	[smem:$0x3FB3] =	sst s0;
	s0 =	simm.s32 @!p1 $0x0  }
0x14: {  	s2 =	sld [smem:$0x3F97];
	s0 =	simm.s32 @p1 $0x1  }
0x15: {  	[smem:$0x3FB4] =	sst s0;
	s0 =	simm.s32 @!p2 $0x0  }
0x16: {  	s3 =	sld [smem:$0x3FDB];
	s0 =	simm.s32 @p2 $0x1  }
0x17: {  	s4 =	simm.s32 $0x1BF5;
	[smem:$0x3FB6] =	sst s0  }
0x18: {  	s0 =	sld [smem:$0x3F99];
	_ =	swait.ge [sflag:s4], $0x0  }
0x19: {  	s7 =	sld [smem:$0x3F9A]  }
0x1a: {  	s8 =	sadd.s32 $0xFFFFE003, lr  }
0x1b: {  	s9 =	sadd.s32 $0xFFFFFEF7, lr;
	s5 =	simm.s32 $0xFFFFFFFF;
	p2 =	slt.u32 s8, $0xFFFFF086  }
0x1c: {  	p1 =	slt.u32 s9, $0xF7A;
	s5 =	simm.s32 @!p2 $0x0  }
0x1d: {  	s5 =	simm.s32 @p1 $0x1;
	p0 =	seq.s32 s7, s2  }
0x1e: {  	s7 =	smul.u32 @!p0 $0xF7A, s2;
	p2 =	seq.s32 @!p0 s5, $0x0  }
0x1f: {  	s9 =	smul.u32 $0xF7A, s1;
	s8 =	simm.s32 @!p0 $0x1BF5;
	p2 =	por !p2, p0  }
0x20: {  	[sflag:s8] =	ssyncset.s32 @!p0 $0xFFFFF086;
	s6 =	sadd.s32 @!p0 s3, s7;
	s7 =	simm.s32 @!p0 $0x108  }
0x21: {  	s3 =	sadd.s32 s3, s9;
	s6 =	sadd.s32 @!p0 $0x88, s6;
	s7 =	simm.s32 @p2 $0x1082  }
0x22: {  	[simem:s7], [sflag:s8] =	dma.local @!p0 [hbm:s6], $0xF7A  }
0x23: {  	s9 =	sor.u32 $0xD0000000, s2;
	s6 =	simm.s32 $0x108;
	_ =	swait.ge @!p0 [sflag:s8], $0x0  }
0x24: {  	s3 =	sadd.s32 $0x88, s3;
	s6 =	simm.s32 @!p1 $0x1082;
	[sflag:s4] =	ssyncset.s32 $0xFFFFF086  }
0x25: {  	[simem:s6], [sflag:s4] =	dma.local [hbm:s3], $0xF7A  }
0x26: {  	[smem:$0x3F9A] =	sst s1;
	(tag) =	ssettag s2;
	_ =	strace s9  }
0x27: {  	s1 =	sld [smem:$0x3FAA]  }
0x28: {  	s2 =	sld [smem:$0x3FAB]  }
0x29: {  	s4 =	sld [smem:$0x3FAD]  }
0x2a: {  	p0 =	seq.s32 s5, $0x0;
	s5 =	sld [smem:$0x3FAE]  }
0x2b: {  	s6 =	sld [smem:$0x3FAF]  }
0x2c: {  	s7 =	sld [smem:$0x3FB0]  }
0x2d: {  	s3 =	simm.s32 $0x108;
	s8 =	sld [smem:$0x3FB1]  }
0x2e: {  	s3 =	simm.s32 @!p0 $0x1082;
	s9 =	sld [smem:$0x3FB2]  }
0x2f: {  	lr =	sadd.s32 s0, s3;
	s0 =	sld [smem:$0x3FA9]  }
0x30: {  	s3 =	sld [smem:$0x3FAC]  }
0x31: {  	[smem:$0x3FB5] =	sst s10  }
0x32: {  	s10 =	sld [smem:$0x3FB3];
	_ =	sdelay $0x3  }
0x33: {  	p0 =	seq.s32 s10, $0x1;
	s10 =	sld [smem:$0x3FB5];
	_ =	sdelay $0x3  }
0x34: {  	[smem:$0x3FB5] =	sst s10  }
0x35: {  	s10 =	sld [smem:$0x3FB4];
	_ =	sdelay $0x3  }
0x36: {  	p1 =	seq.s32 s10, $0x1;
	s10 =	sld [smem:$0x3FB5];
	_ =	sdelay $0x3  }
0x37: {  	[smem:$0x3FB5] =	sst s10  }
0x38: {  	s10 =	sld [smem:$0x3FB6]  }
0x39: {  	_ = 	snop;
	(pc) =	sbr.ind lr, $3  }
0x3a: {  	_ = 	snop  }
0x3b: {  	_ = 	snop  }
0x3c: {  	p2 =	seq.s32 s10, $0x1;
	s10 =	sld [smem:$0x3FB5]  }
0x3d: {  	_ =	shalt  }
0x3e: {  	_ =	shalt  }
0x3f: {  	_ =	shalt  }
0x40: {  	_ =	shalt  }
0x41: {  	_ =	shalt  }
0x42: {  	_ =	shalt  }
0x43: {  	_ =	shalt  }
0x44: {  	_ =	shalt  }
0x45: {  	_ =	shalt  }
0x46: {  	_ =	shalt  }
0x47: {  	_ =	shalt  }
0x48: {  	_ =	shalt  }
0x49: {  	_ =	shalt  }
0x4a: {  	_ =	shalt  }
0x4b: {  	_ =	shalt  }
0x4c: {  	_ =	shalt  }
0x4d: {  	_ =	shalt  }
0x4e: {  	_ =	shalt  }
0x4f: {  	_ =	shalt  }
0x50: {  	_ =	shalt  }
0x51: {  	_ =	shalt  }
0x52: {  	_ =	shalt  }
0x53: {  	_ =	shalt  }
0x54: {  	_ =	shalt  }
0x55: {  	_ =	shalt  }
0x56: {  	_ =	shalt  }
0x57: {  	_ =	shalt  }
0x58: {  	_ =	shalt  }
0x59: {  	_ =	shalt  }
0x5a: {  	_ =	shalt  }
0x5b: {  	_ =	shalt  }
0x5c: {  	_ =	shalt  }
0x5d: {  	_ =	shalt  }
0x5e: {  	_ =	shalt  }
0x5f: {  	_ =	shalt  }
0x60: {  	_ =	shalt  }
0x61: {  	_ =	shalt  }
0x62: {  	_ =	shalt  }
0x63: {  	_ =	shalt  }
0x64: {  	_ =	shalt  }
0x65: {  	_ =	shalt  }
0x66: {  	_ =	shalt  }
0x67: {  	_ =	shalt  }
0x68: {  	_ =	shalt  }
0x69: {  	_ =	shalt  }
0x6a: {  	_ =	shalt  }
0x6b: {  	_ =	shalt  }
0x6c: {  	_ =	shalt  }
0x6d: {  	_ =	shalt  }
0x6e: {  	_ =	shalt  }
0x6f: {  	_ =	shalt  }
0x70: {  	_ =	shalt  }
0x71: {  	_ =	shalt  }
0x72: {  	_ =	shalt  }
0x73: {  	_ =	shalt  }
0x74: {  	_ =	shalt  }
0x75: {  	_ =	shalt  }
0x76: {  	_ =	shalt  }
0x77: {  	_ =	shalt  }
0x78: {  	_ =	shalt  }
0x79: {  	_ =	shalt  }
0x7a: {  	_ =	shalt  }
0x7b: {  	_ =	shalt  }
0x7c: {  	_ =	shalt  }
0x7d: {  	_ =	shalt  }
0x7e: {  	_ =	shalt  }
0x7f: {  	_ =	shalt  }
0x80: {  	_ =	shalt  }
0x81: {  	_ =	shalt  }
0x82: {  	_ =	shalt  }
0x83: {  	_ =	shalt  }
0x84: {  	_ =	shalt  }
0x85: {  	_ =	shalt  }
0x86: {  	_ =	shalt  }
0x87: {  	_ =	shalt  }
.Lfunc_end0:
.L_simem_size_0:
called_computation.1_lowered:
.L_overlay_start_0:
0x88: {  	s2 =	sld [smem:$0x3FD9]  }
0x89: {  	s3 =	sld [smem:$0x3FFE];
	_ =	sdelay $0x1  }
0x8a: {  	s1 =	srdreg.scid  }
0x8b: {  	s0 =	sand.u32 $0x1, s1  }
0x8c: {  	s14 =	sshll.u32 s0, $0xA;
	s2 =	sadd.s32 s3, s2  }
0x8d: {  	s2 =	sadd.s32 s2, s14  }
0x8e: {  	[smem:$0x3FC1] =	sst s2  }
0x8f: {  	_ = 	snop  }
0x90: {  	s2 =	sld [smem:$0x3FD0];
	_ =	sdelay $0x2  }
0x91: {  	s15 =	simm.s32 $0xA;
	s4 =	simm.s32 $0x10  }
0x92: {  	[smem:s4], [sflag:s15] =	dma.local [hbm:s2], $0x1  }
0x93: {  	_ =	swait.eq [sflag:s15], $0x1  }
0x94: {  	[sflag:s15] =	ssyncset.done $0x0  }
0x95: {  	[sflag:s15] =	ssyncadd.s32 $0xFFFFFFFF  }
0x96: {  	s16 =	sld [smem:$0x10];
	(tm) =	ssettm $0x1  }
0x97: {  	s17 =	sld [smem:$0x3FFB];
	_ =	sdelay $0x3  }
0x98: {  	_ =	strace s17  }
0x99: {  	s3 =	sld [smem:$0x3FFC];
	_ =	sdelay $0x3  }
0x9a: {  	_ =	strace s3  }
0x9b: {  	s3 =	sld [smem:$0x3FFD];
	_ =	sdelay $0x3  }
0x9c: {  	_ =	strace s3  }
0x9d: {  	_ =	strace $0x8FFFFFFF  }
0x9e: {  	s18 =	sld [smem:$0x3FDB];
	_ =	sdelay $0x1  }
0x9f: {  	s19 =	simm.s32 $_scs_section_size  }
0xa0: {  	s5 =	simm.s32 $_size__tile_overlayer_lowered;
	s6 =	simm.s32 $_tile_overlayer_lowered  }
0xa1: {  	s22 =	simm.s32 $0x1BFF;
	s21 =	sshll.u32 s6, $0x1;
	s3 =	sadd.s32 s19, s18  }
0xa2: {  	s7 =	simm.s32 $0x0;
	s20 =	sshll.u32 s5, $0x1;
	s5 =	sadd.s32 s21, s3  }
0xa3: {  	[timem:s7], [sflag:s22] =	dma.local [hbm:s5], s20  }
0xa4: {  	_ =	swait.ge [sflag:s22], s20  }
0xa5: {  	s4 =	ssub.s32 $0x0, s20;
	[sflag:s22] =	ssyncset.done $0x0  }
0xa6: {  	[sflag:s22] =	ssyncadd.s32 s4;
	_ =	sdelay $0x1  }
0xa7: {  	s23 =	simm.s32 $0x1B8B  }
0xa8: {  	_ =	swait.ge [sflag:s23], $0x1  }
0xa9: {  	[sflag:s23] =	ssyncset.done $0x0  }
0xaa: {  	s25 =	simm.s32 $0x1B8E;
	s24 =	sld [smem:$0x3FFE];
	[sflag:s23] =	ssyncadd.s32 $0xFFFFFFFF  }
0xab: {  	s26 =	simm.s32 $execute0_lowered;
	[smem:$0x3FD2] =	sst s25  }
0xac: {  	s5 =	sshll.u32 s26, $0x1;
	_ =	strace $0x80000049;
	[dreg:$0x1] =	wrdreg $0xFFFFFFFF  }
0xad: {  	s28 =	simm.s32 $_size_execute0_lowered;
	s3 =	sadd.s32 s3, s5;
	[dreg:$0x0] =	wrdreg $0x0  }
0xae: {  	s5 =	sshll.u32 s28, $0x1;
	[dreg:$0x2] =	wrdreg s3  }
0xaf: {  	[dreg:$0x3] =	wrdreg s5  }
0xb0: {  	[dreg:$0x4] =	wrdreg $0xC0  }
0xb1: {  	_ =	task [dreg:s7], $0x5FFFF  }
0xb2: {  	[dreg:$0x1] =	wrdreg $0xFFFFFFFF  }
0xb3: {  	[dreg:$0x0] =	wrdreg $0x60  }
0xb4: {  	[dreg:$0x2] =	wrdreg s24  }
0xb5: {  	[dreg:$0x3] =	wrdreg s16  }
0xb6: {  	[dreg:$0x4] =	wrdreg $0x9  }
0xb7: {  	_ =	task.clear_ibuf [dreg:s7], $0x5FFFF;
	_ =	strace $0x90000049  }
0xb8: {  	s29 =	simm.s32 $0x9;
	_ =	strace $0x8000004B  }
0xb9: {  	_ =	swait.ge [sflag:s29], $0x1  }
0xba: {  	[sflag:s29] =	ssyncadd.s32 $0xFFFFFFFF  }
0xbb: {  	_ =	strace $0x9000004B  }
0xbc: {  	_ =	sfence  }
0xbd: {  	s30 =	sld [smem:$0x0];
	_ =	sdelay $0x2  }
0xbe: {  	s31 =	sshll.u32 s1, $0xD;
	s1 =	sshrl.u32 s1, $0x2  }
0xbf: {  	s3 =	sand.u32 $0x4000, s31;
	s1 =	sadd.s32 s1, s30  }
0xc0: {  	s0 =	sor.u32 s3, s0;
	s1 =	sshll.u32 s1, $0x11  }
0xc1: {  	s0 =	sor.u32 s1, s0  }
0xc2: {  	s0 =	sadd.s32 $0x8F2B, s0  }
0xc3: {  	[sflag:s0] =	ssyncadd.remote.s32 $0x1  }
0xc4: {  	_ =	sfence.sel $0xFFFF  }
0xc5: {  	[dreg:$0x0] =	wrdreg $0xFFFFFFFF;
	(pc) =	sbr.abs _section_cstart, $3  }
0xc6: {  	[dreg:$0x1] =	wrdreg $0xFFFFFFFF  }
0xc7: {  	_ =	task.clear_ibuf [dreg:s7], $0x2FFFF;
	_ =	strace $0x9FFFFFFF  }
0xc8: {  	(tm) =	ssettm $0x7FFFFFFF  }
0xc9: {  	_ =	shalt  }
tec
execute0_lowered:
.L_overlay_start_1:
0x0: {  	(tag) =	ssettag $0x1  }
0x1: {  	s0 =	rddreg [dreg:$0x0]  }
0x2: {  	s1 =	rddreg [dreg:$0x1];
	s3 =	srdreg.scid;
	s2 =	simm.s32 $0x0  }
0x3: {  	s5 =	stileid.u32;
	s10 =	simm.s32 $0x4;
	s11 =	simm.s32 $0x2  }
0x4: {  	s4 =	sand.u32 $0x1, s3;
	[smem:$0x7FF] =	sst s2;
	s12 =	sshll.u32 s5, $0x7  }
0x5: {  	s6 =	sadd.s32 $0xE00, s0;
	s13 =	sshll.u32 s4, $0x6;
	s4 =	ssub.s32 $0x2, s4  }
0x6: {  	_ =	strace $0x8000004A;
	s5 =	sor.u32 s13, s12;
	s30 =	sshrl.u32 s4, $0x1  }
0x7: {  	s3 =	sadd.s32 s6, s5;
	s7 =	sor.u32 $0x8, s5;
	s8 =	smul.u32 $0x300, s5  }
0x8: {  	s16 =	sor.u32 $0x10, s5;
	[dreg:$0x3] =	wrdreg s3;
	s14 =	sadd.s32 s6, s7  }
0x9: {  	s19 =	sor.u32 $0x18, s5;
	s17 =	sadd.s32 s6, s16;
	[dreg:$0x4] =	wrdreg s14  }
0xa: {  	s22 =	sor.u32 $0x20, s5;
	s20 =	sadd.s32 s6, s19;
	[dreg:$0x6] =	wrdreg s17  }
0xb: {  	s25 =	sor.u32 $0x28, s5;
	s23 =	sadd.s32 s6, s22;
	[dreg:$0x8] =	wrdreg s20  }
0xc: {  	s29 =	sor.u32 $0x30, s5;
	s26 =	sadd.s32 s6, s25;
	[dreg:$0xa] =	wrdreg s23  }
0xd: {  	s5 =	sor.u32 $0x38, s5;
	s9 =	sadd.s32 s6, s29;
	[dreg:$0xc] =	wrdreg s26  }
0xe: {  	s7 =	smul.u32 $0x300, s7;
	s6 =	sadd.s32 s6, s5;
	[dreg:$0xe] =	wrdreg s9  }
0xf: {  	s15 =	sadd.s32 s1, s8;
	s8 =	smul.u32 $0x300, s16;
	[dreg:$0x10] =	wrdreg s6  }
0x10: {  	[dreg:$0x5] =	wrdreg s15;
	s18 =	sadd.s32 s1, s7;
	s7 =	smul.u32 $0x300, s19  }
0x11: {  	[dreg:$0x7] =	wrdreg s18;
	s21 =	sadd.s32 s1, s8;
	s8 =	smul.u32 $0x300, s22  }
0x12: {  	[dreg:$0x9] =	wrdreg s21;
	s24 =	sadd.s32 s1, s7;
	s7 =	smul.u32 $0x300, s25  }
0x13: {  	[dreg:$0xb] =	wrdreg s24;
	s28 =	sadd.s32 s1, s8;
	s8 =	smul.u32 $0x300, s29  }
0x14: {  	s5 =	smul.u32 $0x300, s5;
	[dreg:$0xd] =	wrdreg s28;
	s7 =	sadd.s32 s1, s7  }
0x15: {  	s3 =	sadd.s32 $0x37AE00, s0;
	[dreg:$0xf] =	wrdreg s7;
	s31 =	sadd.s32 s1, s8  }
0x16: {  	v2 =	vlaneseq.u32;
	s7 =	ssub.s32 s4, s30;
	s1 =	sadd.s32 s1, s5;
	s4 =	sadd.s32 $0x37AF00, s0  }
0x17: {  	vm0 =	vmmov $0xffff;
	v1 =	vshrl.u32 v2, $0x3;
	s5 =	sadd.s32 $0x37B000, s0;
	s8 =	simm.s32 $0x1;
	[dreg:$0x11] =	wrdreg s31  }
0x18: {  	v0 =	vand.u32 $0x7, v2;
	v2 =	vor.u32 $0x8, v2;
	v1 =	vmul.u32 $0x8, v1;
	[dreg:$0x12] =	wrdreg s1;
	s6 =	smax.u32 s7, $0x1;
	s7 =	simm.s32 $0x3  }
.LBB2_1:
0x19: {  	s16 =	rddreg [dreg:$0x3]  }
0x1a: {  	[tilespmem:s2], [sflag:$0x1] =	stream.linear.gather [hbm4b:s16+s2], $0x40, $0x38;
	[tilespmem:$0x18100] =	vst v63  }
0x1b: {  	s17 =	rddreg [dreg:$0x4];
	s0 =	simm.s32 $0x80  }
0x1c: {  	[tilespmem:s0], [sflag:$0x2] =	stream.linear.gather [hbm4b:s17+s2], $0x40, $0x38;
	[tilespmem:$0x18100] =	vst v63  }
0x1d: {  	_ =	swait.ge [sflag:s8], $0x40  }
0x1e: {  	[sflag:s8] =	ssyncset.done $0x0  }
0x1f: {  	[sflag:s8] =	ssyncadd.s32 $0xFFFFFFC0  }
0x20: {  	v3 =	vld [tilespmem:$0x0];
	_ =	sdelay $0x4  }
0x21: {  	v4 =	vshrl.u32 v3, $0x3  }
0x22: {  	v4 =	vmul.u32 $0x30, v4  }
0x23: {  	v3 =	vand.u32 $0x7, v3  }
0x24: {  	v3 =	vor.u32 v3, v4  }
0x25: {  	v4 =	vperm.xlane v3, v0;
	_ =	sdelay $0x1  }
0x26: {  	v4 =	vadd.s32 v1, v4;
	_ =	sdelay $0x3  }
0x27: {  	s19 =	simm.s32 $0x100;
	v3 =	vperm.xlane v3, v2  }
0x28: {  	[tilespmem:s19], [sflag:$0x3] =	stream.indirect_vreg.gather [hbm4b:s3+s2], $0x80, v4, vm0, $0xb8;
	[tilespmem:$0x18100] =	vst v63  }
0x29: {  	s20 =	simm.s32 $0x900;
	v3 =	vadd.s32 v1, v3  }
0x2a: {  	[tilespmem:s20], [sflag:$0x3] =	stream.indirect_vreg.gather [hbm4b:s4+s2], $0x80, v4, vm0, $0xb8;
	[tilespmem:$0x18100] =	vst v63  }
0x2b: {  	s21 =	simm.s32 $0x1100  }
0x2c: {  	[tilespmem:s21], [sflag:$0x3] =	stream.indirect_vreg.gather [hbm4b:s5+s2], $0x80, v4, vm0, $0xb8;
	[tilespmem:$0x18100] =	vst v63  }
0x2d: {  	s22 =	simm.s32 $0x1900  }
0x2e: {  	[tilespmem:s22], [sflag:$0x3] =	stream.indirect_vreg.gather [hbm4b:s3+s2], $0x80, v3, vm0, $0xb8;
	[tilespmem:$0x18100] =	vst v63  }
0x2f: {  	s23 =	simm.s32 $0x2100  }
0x30: {  	[tilespmem:s23], [sflag:$0x3] =	stream.indirect_vreg.gather [hbm4b:s4+s2], $0x80, v3, vm0, $0xb8;
	[tilespmem:$0x18100] =	vst v63  }
0x31: {  	s24 =	simm.s32 $0x2900  }
0x32: {  	[tilespmem:s24], [sflag:$0x3] =	stream.indirect_vreg.gather [hbm4b:s5+s2], $0x80, v3, vm0, $0xb8;
	[tilespmem:$0x18100] =	vst v63  }
0x33: {  	v3 =	vld [tilespmem:$0x10];
	_ =	sdelay $0x4  }
0x34: {  	v33 =	vshrl.u32 v3, $0x3  }
0x35: {  	v4 =	vmul.u32 $0x30, v33  }
0x36: {  	v3 =	vand.u32 $0x7, v3  }
0x37: {  	v3 =	vor.u32 v3, v4  }
0x38: {  	v4 =	vperm.xlane v3, v0;
	_ =	sdelay $0x1  }
0x39: {  	v4 =	vadd.s32 v1, v4;
	_ =	sdelay $0x3  }
0x3a: {  	s25 =	simm.s32 $0x3100;
	v3 =	vperm.xlane v3, v2  }
0x3b: {  	[tilespmem:s25], [sflag:$0x3] =	stream.indirect_vreg.gather [hbm4b:s3+s2], $0x80, v4, vm0, $0xb8;
	[tilespmem:$0x18100] =	vst v63  }
0x3c: {  	s26 =	simm.s32 $0x3900;
	v3 =	vadd.s32 v1, v3  }
0x3d: {  	[tilespmem:s26], [sflag:$0x3] =	stream.indirect_vreg.gather [hbm4b:s4+s2], $0x80, v4, vm0, $0xb8;
	[tilespmem:$0x18100] =	vst v63  }
0x3e: {  	s28 =	simm.s32 $0x4100  }
0x3f: {  	[tilespmem:s28], [sflag:$0x3] =	stream.indirect_vreg.gather [hbm4b:s5+s2], $0x80, v4, vm0, $0xb8;
	[tilespmem:$0x18100] =	vst v63  }
0x40: {  	s29 =	simm.s32 $0x4900  }
0x41: {  	[tilespmem:s29], [sflag:$0x3] =	stream.indirect_vreg.gather [hbm4b:s3+s2], $0x80, v3, vm0, $0xb8;
	[tilespmem:$0x18100] =	vst v63  }
0x42: {  	s30 =	simm.s32 $0x5100  }
0x43: {  	[tilespmem:s30], [sflag:$0x3] =	stream.indirect_vreg.gather [hbm4b:s4+s2], $0x80, v3, vm0, $0xb8;
	[tilespmem:$0x18100] =	vst v63  }
0x44: {  	s31 =	simm.s32 $0x5900  }
0x45: {  	[tilespmem:s31], [sflag:$0x3] =	stream.indirect_vreg.gather [hbm4b:s5+s2], $0x80, v3, vm0, $0xb8;
	[tilespmem:$0x18100] =	vst v63  }
0x46: {  	v3 =	vld [tilespmem:$0x20];
	_ =	sdelay $0x4  }
0x47: {  	v34 =	vshrl.u32 v3, $0x3  }
0x48: {  	v4 =	vmul.u32 $0x30, v34  }
0x49: {  	v3 =	vand.u32 $0x7, v3  }
0x4a: {  	v3 =	vor.u32 v3, v4  }
0x4b: {  	v4 =	vperm.xlane v3, v0;
	_ =	sdelay $0x1  }
0x4c: {  	v4 =	vadd.s32 v1, v4;
	_ =	sdelay $0x3  }
0x4d: {  	s12 =	simm.s32 $0x6100;
	v3 =	vperm.xlane v3, v2  }
0x4e: {  	[tilespmem:s12], [sflag:$0x3] =	stream.indirect_vreg.gather [hbm4b:s3+s2], $0x80, v4, vm0, $0xb8;
	[tilespmem:$0x18100] =	vst v63  }
0x4f: {  	s13 =	simm.s32 $0x6900;
	v3 =	vadd.s32 v1, v3  }
0x50: {  	[tilespmem:s13], [sflag:$0x3] =	stream.indirect_vreg.gather [hbm4b:s4+s2], $0x80, v4, vm0, $0xb8;
	[tilespmem:$0x18100] =	vst v63  }
0x51: {  	s16 =	simm.s32 $0x7100  }
0x52: {  	[tilespmem:s16], [sflag:$0x3] =	stream.indirect_vreg.gather [hbm4b:s5+s2], $0x80, v4, vm0, $0xb8;
	[tilespmem:$0x18100] =	vst v63  }
0x53: {  	s17 =	simm.s32 $0x7900  }
0x54: {  	[tilespmem:s17], [sflag:$0x3] =	stream.indirect_vreg.gather [hbm4b:s3+s2], $0x80, v3, vm0, $0xb8;
	[tilespmem:$0x18100] =	vst v63  }
0x55: {  	s18 =	simm.s32 $0x8100  }
0x56: {  	[tilespmem:s18], [sflag:$0x3] =	stream.indirect_vreg.gather [hbm4b:s4+s2], $0x80, v3, vm0, $0xb8;
	[tilespmem:$0x18100] =	vst v63  }
0x57: {  	s19 =	simm.s32 $0x8900  }
0x58: {  	[tilespmem:s19], [sflag:$0x3] =	stream.indirect_vreg.gather [hbm4b:s5+s2], $0x80, v3, vm0, $0xb8;
	[tilespmem:$0x18100] =	vst v63  }
0x59: {  	v3 =	vld [tilespmem:$0x30];
	_ =	sdelay $0x4  }
0x5a: {  	v35 =	vshrl.u32 v3, $0x3  }
0x5b: {  	v4 =	vmul.u32 $0x30, v35  }
0x5c: {  	v3 =	vand.u32 $0x7, v3  }
0x5d: {  	v3 =	vor.u32 v3, v4  }
0x5e: {  	v4 =	vperm.xlane v3, v0;
	_ =	sdelay $0x1  }
0x5f: {  	v4 =	vadd.s32 v1, v4;
	_ =	sdelay $0x3  }
0x60: {  	s22 =	simm.s32 $0x9100;
	v3 =	vperm.xlane v3, v2  }
0x61: {  	[tilespmem:s22], [sflag:$0x3] =	stream.indirect_vreg.gather [hbm4b:s3+s2], $0x80, v4, vm0, $0xb8;
	[tilespmem:$0x18100] =	vst v63  }
0x62: {  	s23 =	simm.s32 $0x9900;
	v3 =	vadd.s32 v1, v3  }
0x63: {  	[tilespmem:s23], [sflag:$0x3] =	stream.indirect_vreg.gather [hbm4b:s4+s2], $0x80, v4, vm0, $0xb8;
	[tilespmem:$0x18100] =	vst v63  }
0x64: {  	s26 =	simm.s32 $0xA100  }
0x65: {  	[tilespmem:s26], [sflag:$0x3] =	stream.indirect_vreg.gather [hbm4b:s5+s2], $0x80, v4, vm0, $0xb8;
	[tilespmem:$0x18100] =	vst v63  }
0x66: {  	s28 =	simm.s32 $0xA900  }
0x67: {  	[tilespmem:s28], [sflag:$0x3] =	stream.indirect_vreg.gather [hbm4b:s3+s2], $0x80, v3, vm0, $0xb8;
	[tilespmem:$0x18100] =	vst v63  }
0x68: {  	s29 =	simm.s32 $0xB100  }
0x69: {  	[tilespmem:s29], [sflag:$0x3] =	stream.indirect_vreg.gather [hbm4b:s4+s2], $0x80, v3, vm0, $0xb8;
	[tilespmem:$0x18100] =	vst v63  }
0x6a: {  	s30 =	simm.s32 $0xB900  }
0x6b: {  	[tilespmem:s30], [sflag:$0x3] =	stream.indirect_vreg.gather [hbm4b:s5+s2], $0x80, v3, vm0, $0xb8;
	[tilespmem:$0x18100] =	vst v63  }
0x6c: {  	_ =	swait.ge [sflag:s7], $0xC000  }
0x6d: {  	[sflag:s7] =	ssyncset.done $0x0  }
0x6e: {  	s9 =	simm.s32 $0x100;
	s31 =	rddreg [dreg:$0x5];
	[sflag:s7] =	ssyncadd.s32 $0xFFFF4000  }
0x6f: {  	[hbm4b:s31+s2] =	stream.linear.scatter [tilespmem:s9], [sflag:$0x4], $0xC000, $0x38;
	[tilespmem:$0x18100] =	vst v63  }
0x70: {  	_ =	swait.ge [sflag:s10], $0xC000  }
0x71: {  	[sflag:s10] =	ssyncset.done $0x0  }
0x72: {  	s0 =	rddreg [dreg:$0x6];
	[sflag:s10] =	ssyncadd.s32 $0xFFFF4000  }
0x73: {  	[tilespmem:s2], [sflag:$0x1] =	stream.linear.gather [hbm4b:s0+s2], $0x40, $0x38;
	[tilespmem:$0x18100] =	vst v63  }
0x74: {  	_ =	swait.ge [sflag:s11], $0x40  }
0x75: {  	[sflag:s11] =	ssyncset.done $0x0  }
0x76: {  	[sflag:s11] =	ssyncadd.s32 $0xFFFFFFC0  }
0x77: {  	v3 =	vld [tilespmem:$0x80];
	_ =	sdelay $0x4  }
0x78: {  	v36 =	vshrl.u32 v3, $0x3  }
0x79: {  	v4 =	vmul.u32 $0x30, v36  }
0x7a: {  	v3 =	vand.u32 $0x7, v3  }
0x7b: {  	v3 =	vor.u32 v3, v4  }
0x7c: {  	v4 =	vperm.xlane v3, v0;
	_ =	sdelay $0x1  }
0x7d: {  	v4 =	vadd.s32 v1, v4;
	_ =	sdelay $0x3  }
0x7e: {  	s9 =	simm.s32 $0xC100;
	v3 =	vperm.xlane v3, v2  }
0x7f: {  	[tilespmem:s9], [sflag:$0x3] =	stream.indirect_vreg.gather [hbm4b:s3+s2], $0x80, v4, vm0, $0xb8;
	[tilespmem:$0x18100] =	vst v63  }
0x80: {  	s12 =	simm.s32 $0xC900;
	v3 =	vadd.s32 v1, v3  }
0x81: {  	[tilespmem:s12], [sflag:$0x3] =	stream.indirect_vreg.gather [hbm4b:s4+s2], $0x80, v4, vm0, $0xb8;
	[tilespmem:$0x18100] =	vst v63  }
0x82: {  	s13 =	simm.s32 $0xD100  }
0x83: {  	[tilespmem:s13], [sflag:$0x3] =	stream.indirect_vreg.gather [hbm4b:s5+s2], $0x80, v4, vm0, $0xb8;
	[tilespmem:$0x18100] =	vst v63  }
0x84: {  	s16 =	simm.s32 $0xD900  }
0x85: {  	[tilespmem:s16], [sflag:$0x3] =	stream.indirect_vreg.gather [hbm4b:s3+s2], $0x80, v3, vm0, $0xb8;
	[tilespmem:$0x18100] =	vst v63  }
0x86: {  	s18 =	simm.s32 $0xE100  }
0x87: {  	[tilespmem:s18], [sflag:$0x3] =	stream.indirect_vreg.gather [hbm4b:s4+s2], $0x80, v3, vm0, $0xb8;
	[tilespmem:$0x18100] =	vst v63  }
0x88: {  	s19 =	simm.s32 $0xE900  }
0x89: {  	[tilespmem:s19], [sflag:$0x3] =	stream.indirect_vreg.gather [hbm4b:s5+s2], $0x80, v3, vm0, $0xb8;
	[tilespmem:$0x18100] =	vst v63  }
0x8a: {  	v3 =	vld [tilespmem:$0x90];
	_ =	sdelay $0x4  }
0x8b: {  	v37 =	vshrl.u32 v3, $0x3  }
0x8c: {  	v4 =	vmul.u32 $0x30, v37  }
0x8d: {  	v3 =	vand.u32 $0x7, v3  }
0x8e: {  	v3 =	vor.u32 v3, v4  }
0x8f: {  	v4 =	vperm.xlane v3, v0;
	_ =	sdelay $0x1  }
0x90: {  	v4 =	vadd.s32 v1, v4;
	_ =	sdelay $0x3  }
0x91: {  	s22 =	simm.s32 $0xF100;
	v3 =	vperm.xlane v3, v2  }
0x92: {  	[tilespmem:s22], [sflag:$0x3] =	stream.indirect_vreg.gather [hbm4b:s3+s2], $0x80, v4, vm0, $0xb8;
	[tilespmem:$0x18100] =	vst v63  }
0x93: {  	s23 =	simm.s32 $0xF900;
	v3 =	vadd.s32 v1, v3  }
0x94: {  	[tilespmem:s23], [sflag:$0x3] =	stream.indirect_vreg.gather [hbm4b:s4+s2], $0x80, v4, vm0, $0xb8;
	[tilespmem:$0x18100] =	vst v63  }
0x95: {  	s26 =	simm.s32 $0x10100  }
0x96: {  	[tilespmem:s26], [sflag:$0x3] =	stream.indirect_vreg.gather [hbm4b:s5+s2], $0x80, v4, vm0, $0xb8;
	[tilespmem:$0x18100] =	vst v63  }
0x97: {  	s28 =	simm.s32 $0x10900  }
0x98: {  	[tilespmem:s28], [sflag:$0x3] =	stream.indirect_vreg.gather [hbm4b:s3+s2], $0x80, v3, vm0, $0xb8;
	[tilespmem:$0x18100] =	vst v63  }
0x99: {  	s29 =	simm.s32 $0x11100  }
0x9a: {  	[tilespmem:s29], [sflag:$0x3] =	stream.indirect_vreg.gather [hbm4b:s4+s2], $0x80, v3, vm0, $0xb8;
	[tilespmem:$0x18100] =	vst v63  }
0x9b: {  	s30 =	simm.s32 $0x11900  }
0x9c: {  	[tilespmem:s30], [sflag:$0x3] =	stream.indirect_vreg.gather [hbm4b:s5+s2], $0x80, v3, vm0, $0xb8;
	[tilespmem:$0x18100] =	vst v63  }
0x9d: {  	v3 =	vld [tilespmem:$0xA0];
	_ =	sdelay $0x4  }
0x9e: {  	v38 =	vshrl.u32 v3, $0x3  }
0x9f: {  	v4 =	vmul.u32 $0x30, v38  }
0xa0: {  	v3 =	vand.u32 $0x7, v3  }
0xa1: {  	v3 =	vor.u32 v3, v4  }
0xa2: {  	v4 =	vperm.xlane v3, v0;
	_ =	sdelay $0x1  }
0xa3: {  	v4 =	vadd.s32 v1, v4;
	_ =	sdelay $0x3  }
0xa4: {  	s31 =	simm.s32 $0x12100;
	v3 =	vperm.xlane v3, v2  }
0xa5: {  	[tilespmem:s31], [sflag:$0x3] =	stream.indirect_vreg.gather [hbm4b:s3+s2], $0x80, v4, vm0, $0xb8;
	[tilespmem:$0x18100] =	vst v63  }
0xa6: {  	s13 =	simm.s32 $0x12900;
	v3 =	vadd.s32 v1, v3  }
0xa7: {  	[tilespmem:s13], [sflag:$0x3] =	stream.indirect_vreg.gather [hbm4b:s4+s2], $0x80, v4, vm0, $0xb8;
	[tilespmem:$0x18100] =	vst v63  }
0xa8: {  	s16 =	simm.s32 $0x13100  }
0xa9: {  	[tilespmem:s16], [sflag:$0x3] =	stream.indirect_vreg.gather [hbm4b:s5+s2], $0x80, v4, vm0, $0xb8;
	[tilespmem:$0x18100] =	vst v63  }
0xaa: {  	s18 =	simm.s32 $0x13900  }
0xab: {  	[tilespmem:s18], [sflag:$0x3] =	stream.indirect_vreg.gather [hbm4b:s3+s2], $0x80, v3, vm0, $0xb8;
	[tilespmem:$0x18100] =	vst v63  }
0xac: {  	s19 =	simm.s32 $0x14100  }
0xad: {  	[tilespmem:s19], [sflag:$0x3] =	stream.indirect_vreg.gather [hbm4b:s4+s2], $0x80, v3, vm0, $0xb8;
	[tilespmem:$0x18100] =	vst v63  }
0xae: {  	s22 =	simm.s32 $0x14900  }
0xaf: {  	[tilespmem:s22], [sflag:$0x3] =	stream.indirect_vreg.gather [hbm4b:s5+s2], $0x80, v3, vm0, $0xb8;
	[tilespmem:$0x18100] =	vst v63  }
0xb0: {  	v3 =	vld [tilespmem:$0xB0];
	_ =	sdelay $0x4  }
0xb1: {  	v39 =	vshrl.u32 v3, $0x3  }
0xb2: {  	v4 =	vmul.u32 $0x30, v39  }
0xb3: {  	v3 =	vand.u32 $0x7, v3  }
0xb4: {  	v3 =	vor.u32 v3, v4  }
0xb5: {  	v4 =	vperm.xlane v3, v0;
	_ =	sdelay $0x1  }
0xb6: {  	v4 =	vadd.s32 v1, v4;
	_ =	sdelay $0x3  }
0xb7: {  	s23 =	simm.s32 $0x15100;
	v3 =	vperm.xlane v3, v2  }
0xb8: {  	[tilespmem:s23], [sflag:$0x3] =	stream.indirect_vreg.gather [hbm4b:s3+s2], $0x80, v4, vm0, $0xb8;
	[tilespmem:$0x18100] =	vst v63  }
0xb9: {  	s26 =	simm.s32 $0x15900;
	v3 =	vadd.s32 v1, v3  }
0xba: {  	[tilespmem:s26], [sflag:$0x3] =	stream.indirect_vreg.gather [hbm4b:s4+s2], $0x80, v4, vm0, $0xb8;
	[tilespmem:$0x18100] =	vst v63  }
0xbb: {  	s28 =	simm.s32 $0x16100  }
0xbc: {  	[tilespmem:s28], [sflag:$0x3] =	stream.indirect_vreg.gather [hbm4b:s5+s2], $0x80, v4, vm0, $0xb8;
	[tilespmem:$0x18100] =	vst v63  }
0xbd: {  	s29 =	simm.s32 $0x16900  }
0xbe: {  	[tilespmem:s29], [sflag:$0x3] =	stream.indirect_vreg.gather [hbm4b:s3+s2], $0x80, v3, vm0, $0xb8;
	[tilespmem:$0x18100] =	vst v63  }
0xbf: {  	s30 =	simm.s32 $0x17100  }
0xc0: {  	[tilespmem:s30], [sflag:$0x3] =	stream.indirect_vreg.gather [hbm4b:s4+s2], $0x80, v3, vm0, $0xb8;
	[tilespmem:$0x18100] =	vst v63  }
0xc1: {  	s31 =	simm.s32 $0x17900  }
0xc2: {  	[tilespmem:s31], [sflag:$0x3] =	stream.indirect_vreg.gather [hbm4b:s5+s2], $0x80, v3, vm0, $0xb8;
	[tilespmem:$0x18100] =	vst v63  }
0xc3: {  	_ =	swait.ge [sflag:s7], $0xC000  }
0xc4: {  	[sflag:s7] =	ssyncset.done $0x0  }
0xc5: {  	s9 =	simm.s32 $0xC100;
	s0 =	rddreg [dreg:$0x7];
	[sflag:s7] =	ssyncadd.s32 $0xFFFF4000  }
0xc6: {  	[hbm4b:s0+s2] =	stream.linear.scatter [tilespmem:s9], [sflag:$0x4], $0xC000, $0x38;
	[tilespmem:$0x18100] =	vst v63  }
0xc7: {  	_ =	swait.ge [sflag:s10], $0xC000  }
0xc8: {  	[sflag:s10] =	ssyncset.done $0x0  }
0xc9: {  	s1 =	simm.s32 $0x80;
	s9 =	rddreg [dreg:$0x8];
	[sflag:s10] =	ssyncadd.s32 $0xFFFF4000  }
0xca: {  	[tilespmem:s1], [sflag:$0x2] =	stream.linear.gather [hbm4b:s9+s2], $0x40, $0x38;
	[tilespmem:$0x18100] =	vst v63  }
0xcb: {  	_ =	swait.ge [sflag:s8], $0x40  }
0xcc: {  	[sflag:s8] =	ssyncset.done $0x0  }
0xcd: {  	[sflag:s8] =	ssyncadd.s32 $0xFFFFFFC0  }
0xce: {  	v3 =	vld [tilespmem:$0x0];
	_ =	sdelay $0x4  }
0xcf: {  	v40 =	vshrl.u32 v3, $0x3  }
0xd0: {  	v4 =	vmul.u32 $0x30, v40  }
0xd1: {  	v3 =	vand.u32 $0x7, v3  }
0xd2: {  	v3 =	vor.u32 v3, v4  }
0xd3: {  	v4 =	vperm.xlane v3, v0;
	_ =	sdelay $0x1  }
0xd4: {  	v4 =	vadd.s32 v1, v4;
	_ =	sdelay $0x3  }
0xd5: {  	s29 =	simm.s32 $0x100;
	v3 =	vperm.xlane v3, v2  }
0xd6: {  	[tilespmem:s29], [sflag:$0x3] =	stream.indirect_vreg.gather [hbm4b:s3+s2], $0x80, v4, vm0, $0xb8;
	[tilespmem:$0x18100] =	vst v63  }
0xd7: {  	s13 =	simm.s32 $0x900;
	v3 =	vadd.s32 v1, v3  }
0xd8: {  	[tilespmem:s13], [sflag:$0x3] =	stream.indirect_vreg.gather [hbm4b:s4+s2], $0x80, v4, vm0, $0xb8;
	[tilespmem:$0x18100] =	vst v63  }
0xd9: {  	s16 =	simm.s32 $0x1100  }
0xda: {  	[tilespmem:s16], [sflag:$0x3] =	stream.indirect_vreg.gather [hbm4b:s5+s2], $0x80, v4, vm0, $0xb8;
	[tilespmem:$0x18100] =	vst v63  }
0xdb: {  	s9 =	simm.s32 $0x1900  }
0xdc: {  	[tilespmem:s9], [sflag:$0x3] =	stream.indirect_vreg.gather [hbm4b:s3+s2], $0x80, v3, vm0, $0xb8;
	[tilespmem:$0x18100] =	vst v63  }
0xdd: {  	s13 =	simm.s32 $0x2100  }
0xde: {  	[tilespmem:s13], [sflag:$0x3] =	stream.indirect_vreg.gather [hbm4b:s4+s2], $0x80, v3, vm0, $0xb8;
	[tilespmem:$0x18100] =	vst v63  }
0xdf: {  	s14 =	simm.s32 $0x2900  }
0xe0: {  	[tilespmem:s14], [sflag:$0x3] =	stream.indirect_vreg.gather [hbm4b:s5+s2], $0x80, v3, vm0, $0xb8;
	[tilespmem:$0x18100] =	vst v63  }
0xe1: {  	v3 =	vld [tilespmem:$0x10];
	_ =	sdelay $0x4  }
0xe2: {  	v41 =	vshrl.u32 v3, $0x3  }
0xe3: {  	v4 =	vmul.u32 $0x30, v41  }
0xe4: {  	v3 =	vand.u32 $0x7, v3  }
0xe5: {  	v3 =	vor.u32 v3, v4  }
0xe6: {  	v4 =	vperm.xlane v3, v0;
	_ =	sdelay $0x1  }
0xe7: {  	v4 =	vadd.s32 v1, v4;
	_ =	sdelay $0x3  }
0xe8: {  	s15 =	simm.s32 $0x3100;
	v3 =	vperm.xlane v3, v2  }
0xe9: {  	[tilespmem:s15], [sflag:$0x3] =	stream.indirect_vreg.gather [hbm4b:s3+s2], $0x80, v4, vm0, $0xb8;
	[tilespmem:$0x18100] =	vst v63  }
0xea: {  	s14 =	simm.s32 $0x3900;
	v3 =	vadd.s32 v1, v3  }
0xeb: {  	[tilespmem:s14], [sflag:$0x3] =	stream.indirect_vreg.gather [hbm4b:s4+s2], $0x80, v4, vm0, $0xb8;
	[tilespmem:$0x18100] =	vst v63  }
0xec: {  	s15 =	simm.s32 $0x4100  }
0xed: {  	[tilespmem:s15], [sflag:$0x3] =	stream.indirect_vreg.gather [hbm4b:s5+s2], $0x80, v4, vm0, $0xb8;
	[tilespmem:$0x18100] =	vst v63  }
0xee: {  	s18 =	simm.s32 $0x4900  }
0xef: {  	[tilespmem:s18], [sflag:$0x3] =	stream.indirect_vreg.gather [hbm4b:s3+s2], $0x80, v3, vm0, $0xb8;
	[tilespmem:$0x18100] =	vst v63  }
0xf0: {  	s19 =	simm.s32 $0x5100  }
0xf1: {  	[tilespmem:s19], [sflag:$0x3] =	stream.indirect_vreg.gather [hbm4b:s4+s2], $0x80, v3, vm0, $0xb8;
	[tilespmem:$0x18100] =	vst v63  }
0xf2: {  	s20 =	simm.s32 $0x5900  }
0xf3: {  	[tilespmem:s20], [sflag:$0x3] =	stream.indirect_vreg.gather [hbm4b:s5+s2], $0x80, v3, vm0, $0xb8;
	[tilespmem:$0x18100] =	vst v63  }
0xf4: {  	v3 =	vld [tilespmem:$0x20];
	_ =	sdelay $0x4  }
0xf5: {  	v42 =	vshrl.u32 v3, $0x3  }
0xf6: {  	v4 =	vmul.u32 $0x30, v42  }
0xf7: {  	v3 =	vand.u32 $0x7, v3  }
0xf8: {  	v3 =	vor.u32 v3, v4  }
0xf9: {  	v4 =	vperm.xlane v3, v0;
	_ =	sdelay $0x1  }
0xfa: {  	v4 =	vadd.s32 v1, v4;
	_ =	sdelay $0x3  }
0xfb: {  	s21 =	simm.s32 $0x6100;
	v3 =	vperm.xlane v3, v2  }
0xfc: {  	[tilespmem:s21], [sflag:$0x3] =	stream.indirect_vreg.gather [hbm4b:s3+s2], $0x80, v4, vm0, $0xb8;
	[tilespmem:$0x18100] =	vst v63  }
0xfd: {  	s20 =	simm.s32 $0x6900;
	v3 =	vadd.s32 v1, v3  }
0xfe: {  	[tilespmem:s20], [sflag:$0x3] =	stream.indirect_vreg.gather [hbm4b:s4+s2], $0x80, v4, vm0, $0xb8;
	[tilespmem:$0x18100] =	vst v63  }
0xff: {  	s21 =	simm.s32 $0x7100  }
0x100: {  	[tilespmem:s21], [sflag:$0x3] =	stream.indirect_vreg.gather [hbm4b:s5+s2], $0x80, v4, vm0, $0xb8;
	[tilespmem:$0x18100] =	vst v63  }
0x101: {  	s22 =	simm.s32 $0x7900  }
0x102: {  	[tilespmem:s22], [sflag:$0x3] =	stream.indirect_vreg.gather [hbm4b:s3+s2], $0x80, v3, vm0, $0xb8;
	[tilespmem:$0x18100] =	vst v63  }
0x103: {  	s23 =	simm.s32 $0x8100  }
0x104: {  	[tilespmem:s23], [sflag:$0x3] =	stream.indirect_vreg.gather [hbm4b:s4+s2], $0x80, v3, vm0, $0xb8;
	[tilespmem:$0x18100] =	vst v63  }
0x105: {  	s24 =	simm.s32 $0x8900  }
0x106: {  	[tilespmem:s24], [sflag:$0x3] =	stream.indirect_vreg.gather [hbm4b:s5+s2], $0x80, v3, vm0, $0xb8;
	[tilespmem:$0x18100] =	vst v63  }
0x107: {  	v3 =	vld [tilespmem:$0x30];
	_ =	sdelay $0x4  }
0x108: {  	v43 =	vshrl.u32 v3, $0x3  }
0x109: {  	v4 =	vmul.u32 $0x30, v43  }
0x10a: {  	v3 =	vand.u32 $0x7, v3  }
0x10b: {  	v3 =	vor.u32 v3, v4  }
0x10c: {  	v4 =	vperm.xlane v3, v0;
	_ =	sdelay $0x1  }
0x10d: {  	v4 =	vadd.s32 v1, v4;
	_ =	sdelay $0x3  }
0x10e: {  	s25 =	simm.s32 $0x9100;
	v3 =	vperm.xlane v3, v2  }
0x10f: {  	[tilespmem:s25], [sflag:$0x3] =	stream.indirect_vreg.gather [hbm4b:s3+s2], $0x80, v4, vm0, $0xb8;
	[tilespmem:$0x18100] =	vst v63  }
0x110: {  	s24 =	simm.s32 $0x9900;
	v3 =	vadd.s32 v1, v3  }
0x111: {  	[tilespmem:s24], [sflag:$0x3] =	stream.indirect_vreg.gather [hbm4b:s4+s2], $0x80, v4, vm0, $0xb8;
	[tilespmem:$0x18100] =	vst v63  }
0x112: {  	s25 =	simm.s32 $0xA100  }
0x113: {  	[tilespmem:s25], [sflag:$0x3] =	stream.indirect_vreg.gather [hbm4b:s5+s2], $0x80, v4, vm0, $0xb8;
	[tilespmem:$0x18100] =	vst v63  }
0x114: {  	s26 =	simm.s32 $0xA900  }
0x115: {  	[tilespmem:s26], [sflag:$0x3] =	stream.indirect_vreg.gather [hbm4b:s3+s2], $0x80, v3, vm0, $0xb8;
	[tilespmem:$0x18100] =	vst v63  }
0x116: {  	s28 =	simm.s32 $0xB100  }
0x117: {  	[tilespmem:s28], [sflag:$0x3] =	stream.indirect_vreg.gather [hbm4b:s4+s2], $0x80, v3, vm0, $0xb8;
	[tilespmem:$0x18100] =	vst v63  }
0x118: {  	s17 =	simm.s32 $0xB900  }
0x119: {  	[tilespmem:s17], [sflag:$0x3] =	stream.indirect_vreg.gather [hbm4b:s5+s2], $0x80, v3, vm0, $0xb8;
	[tilespmem:$0x18100] =	vst v63  }
0x11a: {  	_ =	swait.ge [sflag:s7], $0xC000  }
0x11b: {  	[sflag:s7] =	ssyncset.done $0x0  }
0x11c: {  	s17 =	rddreg [dreg:$0x9];
	[sflag:s7] =	ssyncadd.s32 $0xFFFF4000  }
0x11d: {  	[hbm4b:s17+s2] =	stream.linear.scatter [tilespmem:s29], [sflag:$0x4], $0xC000, $0x38;
	[tilespmem:$0x18100] =	vst v63  }
0x11e: {  	_ =	swait.ge [sflag:s10], $0xC000  }
0x11f: {  	[sflag:s10] =	ssyncset.done $0x0  }
0x120: {  	s31 =	rddreg [dreg:$0xa];
	[sflag:s10] =	ssyncadd.s32 $0xFFFF4000  }
0x121: {  	[tilespmem:s2], [sflag:$0x1] =	stream.linear.gather [hbm4b:s31+s2], $0x40, $0x38;
	[tilespmem:$0x18100] =	vst v63  }
0x122: {  	_ =	swait.ge [sflag:s11], $0x40  }
0x123: {  	[sflag:s11] =	ssyncset.done $0x0  }
0x124: {  	[sflag:s11] =	ssyncadd.s32 $0xFFFFFFC0  }
0x125: {  	v3 =	vld [tilespmem:$0x80];
	_ =	sdelay $0x4  }
0x126: {  	v44 =	vshrl.u32 v3, $0x3  }
0x127: {  	v4 =	vmul.u32 $0x30, v44  }
0x128: {  	v3 =	vand.u32 $0x7, v3  }
0x129: {  	v3 =	vor.u32 v3, v4  }
0x12a: {  	v4 =	vperm.xlane v3, v0;
	_ =	sdelay $0x1  }
0x12b: {  	v4 =	vadd.s32 v1, v4;
	_ =	sdelay $0x3  }
0x12c: {  	s30 =	simm.s32 $0xC100;
	v3 =	vperm.xlane v3, v2  }
0x12d: {  	[tilespmem:s30], [sflag:$0x3] =	stream.indirect_vreg.gather [hbm4b:s3+s2], $0x80, v4, vm0, $0xb8;
	[tilespmem:$0x18100] =	vst v63  }
0x12e: {  	s17 =	simm.s32 $0xC900;
	v3 =	vadd.s32 v1, v3  }
0x12f: {  	[tilespmem:s17], [sflag:$0x3] =	stream.indirect_vreg.gather [hbm4b:s4+s2], $0x80, v4, vm0, $0xb8;
	[tilespmem:$0x18100] =	vst v63  }
0x130: {  	s29 =	simm.s32 $0xD100  }
0x131: {  	[tilespmem:s29], [sflag:$0x3] =	stream.indirect_vreg.gather [hbm4b:s5+s2], $0x80, v4, vm0, $0xb8;
	[tilespmem:$0x18100] =	vst v63  }
0x132: {  	s30 =	simm.s32 $0xD900  }
0x133: {  	[tilespmem:s30], [sflag:$0x3] =	stream.indirect_vreg.gather [hbm4b:s3+s2], $0x80, v3, vm0, $0xb8;
	[tilespmem:$0x18100] =	vst v63  }
0x134: {  	s31 =	simm.s32 $0xE100  }
0x135: {  	[tilespmem:s31], [sflag:$0x3] =	stream.indirect_vreg.gather [hbm4b:s4+s2], $0x80, v3, vm0, $0xb8;
	[tilespmem:$0x18100] =	vst v63  }
0x136: {  	s12 =	simm.s32 $0xE900  }
0x137: {  	[tilespmem:s12], [sflag:$0x3] =	stream.indirect_vreg.gather [hbm4b:s5+s2], $0x80, v3, vm0, $0xb8;
	[tilespmem:$0x18100] =	vst v63  }
0x138: {  	v3 =	vld [tilespmem:$0x90];
	_ =	sdelay $0x4  }
0x139: {  	v45 =	vshrl.u32 v3, $0x3  }
0x13a: {  	v4 =	vmul.u32 $0x30, v45  }
0x13b: {  	v3 =	vand.u32 $0x7, v3  }
0x13c: {  	v3 =	vor.u32 v3, v4  }
0x13d: {  	v4 =	vperm.xlane v3, v0;
	_ =	sdelay $0x1  }
0x13e: {  	v4 =	vadd.s32 v1, v4;
	_ =	sdelay $0x3  }
0x13f: {  	s0 =	simm.s32 $0xF100;
	v3 =	vperm.xlane v3, v2  }
0x140: {  	[tilespmem:s0], [sflag:$0x3] =	stream.indirect_vreg.gather [hbm4b:s3+s2], $0x80, v4, vm0, $0xb8;
	[tilespmem:$0x18100] =	vst v63  }
0x141: {  	s16 =	simm.s32 $0xF900;
	v3 =	vadd.s32 v1, v3  }
0x142: {  	[tilespmem:s16], [sflag:$0x3] =	stream.indirect_vreg.gather [hbm4b:s4+s2], $0x80, v4, vm0, $0xb8;
	[tilespmem:$0x18100] =	vst v63  }
0x143: {  	s12 =	simm.s32 $0x10100  }
0x144: {  	[tilespmem:s12], [sflag:$0x3] =	stream.indirect_vreg.gather [hbm4b:s5+s2], $0x80, v4, vm0, $0xb8;
	[tilespmem:$0x18100] =	vst v63  }
0x145: {  	s0 =	simm.s32 $0x10900  }
0x146: {  	[tilespmem:s0], [sflag:$0x3] =	stream.indirect_vreg.gather [hbm4b:s3+s2], $0x80, v3, vm0, $0xb8;
	[tilespmem:$0x18100] =	vst v63  }
0x147: {  	s12 =	simm.s32 $0x11100  }
0x148: {  	[tilespmem:s12], [sflag:$0x3] =	stream.indirect_vreg.gather [hbm4b:s4+s2], $0x80, v3, vm0, $0xb8;
	[tilespmem:$0x18100] =	vst v63  }
0x149: {  	s0 =	simm.s32 $0x11900  }
0x14a: {  	[tilespmem:s0], [sflag:$0x3] =	stream.indirect_vreg.gather [hbm4b:s5+s2], $0x80, v3, vm0, $0xb8;
	[tilespmem:$0x18100] =	vst v63  }
0x14b: {  	v3 =	vld [tilespmem:$0xA0];
	_ =	sdelay $0x4  }
0x14c: {  	v46 =	vshrl.u32 v3, $0x3  }
0x14d: {  	v4 =	vmul.u32 $0x30, v46  }
0x14e: {  	v3 =	vand.u32 $0x7, v3  }
0x14f: {  	v3 =	vor.u32 v3, v4  }
0x150: {  	v4 =	vperm.xlane v3, v0;
	_ =	sdelay $0x1  }
0x151: {  	v4 =	vadd.s32 v1, v4;
	_ =	sdelay $0x3  }
0x152: {  	s12 =	simm.s32 $0x12100;
	v3 =	vperm.xlane v3, v2  }
0x153: {  	[tilespmem:s12], [sflag:$0x3] =	stream.indirect_vreg.gather [hbm4b:s3+s2], $0x80, v4, vm0, $0xb8;
	[tilespmem:$0x18100] =	vst v63  }
0x154: {  	s0 =	simm.s32 $0x12900;
	v3 =	vadd.s32 v1, v3  }
0x155: {  	[tilespmem:s0], [sflag:$0x3] =	stream.indirect_vreg.gather [hbm4b:s4+s2], $0x80, v4, vm0, $0xb8;
	[tilespmem:$0x18100] =	vst v63  }
0x156: {  	s12 =	simm.s32 $0x13100  }
0x157: {  	[tilespmem:s12], [sflag:$0x3] =	stream.indirect_vreg.gather [hbm4b:s5+s2], $0x80, v4, vm0, $0xb8;
	[tilespmem:$0x18100] =	vst v63  }
0x158: {  	s0 =	simm.s32 $0x13900  }
0x159: {  	[tilespmem:s0], [sflag:$0x3] =	stream.indirect_vreg.gather [hbm4b:s3+s2], $0x80, v3, vm0, $0xb8;
	[tilespmem:$0x18100] =	vst v63  }
0x15a: {  	s12 =	simm.s32 $0x14100  }
0x15b: {  	[tilespmem:s12], [sflag:$0x3] =	stream.indirect_vreg.gather [hbm4b:s4+s2], $0x80, v3, vm0, $0xb8;
	[tilespmem:$0x18100] =	vst v63  }
0x15c: {  	s0 =	simm.s32 $0x14900  }
0x15d: {  	[tilespmem:s0], [sflag:$0x3] =	stream.indirect_vreg.gather [hbm4b:s5+s2], $0x80, v3, vm0, $0xb8;
	[tilespmem:$0x18100] =	vst v63  }
0x15e: {  	v3 =	vld [tilespmem:$0xB0];
	_ =	sdelay $0x4  }
0x15f: {  	v47 =	vshrl.u32 v3, $0x3  }
0x160: {  	v4 =	vmul.u32 $0x30, v47  }
0x161: {  	v3 =	vand.u32 $0x7, v3  }
0x162: {  	v3 =	vor.u32 v3, v4  }
0x163: {  	v4 =	vperm.xlane v3, v0;
	_ =	sdelay $0x1  }
0x164: {  	v4 =	vadd.s32 v1, v4;
	_ =	sdelay $0x3  }
0x165: {  	s12 =	simm.s32 $0x15100;
	v3 =	vperm.xlane v3, v2  }
0x166: {  	[tilespmem:s12], [sflag:$0x3] =	stream.indirect_vreg.gather [hbm4b:s3+s2], $0x80, v4, vm0, $0xb8;
	[tilespmem:$0x18100] =	vst v63  }
0x167: {  	s0 =	simm.s32 $0x15900;
	v3 =	vadd.s32 v1, v3  }
0x168: {  	[tilespmem:s0], [sflag:$0x3] =	stream.indirect_vreg.gather [hbm4b:s4+s2], $0x80, v4, vm0, $0xb8;
	[tilespmem:$0x18100] =	vst v63  }
0x169: {  	s12 =	simm.s32 $0x16100  }
0x16a: {  	[tilespmem:s12], [sflag:$0x3] =	stream.indirect_vreg.gather [hbm4b:s5+s2], $0x80, v4, vm0, $0xb8;
	[tilespmem:$0x18100] =	vst v63  }
0x16b: {  	s0 =	simm.s32 $0x16900  }
0x16c: {  	[tilespmem:s0], [sflag:$0x3] =	stream.indirect_vreg.gather [hbm4b:s3+s2], $0x80, v3, vm0, $0xb8;
	[tilespmem:$0x18100] =	vst v63  }
0x16d: {  	s12 =	simm.s32 $0x17100  }
0x16e: {  	[tilespmem:s12], [sflag:$0x3] =	stream.indirect_vreg.gather [hbm4b:s4+s2], $0x80, v3, vm0, $0xb8;
	[tilespmem:$0x18100] =	vst v63  }
0x16f: {  	s0 =	simm.s32 $0x17900  }
0x170: {  	[tilespmem:s0], [sflag:$0x3] =	stream.indirect_vreg.gather [hbm4b:s5+s2], $0x80, v3, vm0, $0xb8;
	[tilespmem:$0x18100] =	vst v63  }
0x171: {  	_ =	swait.ge [sflag:s7], $0xC000  }
0x172: {  	[sflag:s7] =	ssyncset.done $0x0  }
0x173: {  	s1 =	simm.s32 $0xC100;
	s12 =	rddreg [dreg:$0xb];
	[sflag:s7] =	ssyncadd.s32 $0xFFFF4000  }
0x174: {  	[hbm4b:s12+s2] =	stream.linear.scatter [tilespmem:s1], [sflag:$0x4], $0xC000, $0x38;
	[tilespmem:$0x18100] =	vst v63  }
0x175: {  	_ =	swait.ge [sflag:s10], $0xC000  }
0x176: {  	[sflag:s10] =	ssyncset.done $0x0  }
0x177: {  	s12 =	simm.s32 $0x80;
	s0 =	rddreg [dreg:$0xc];
	[sflag:s10] =	ssyncadd.s32 $0xFFFF4000  }
0x178: {  	[tilespmem:s12], [sflag:$0x2] =	stream.linear.gather [hbm4b:s0+s2], $0x40, $0x38;
	[tilespmem:$0x18100] =	vst v63  }
0x179: {  	_ =	swait.ge [sflag:s8], $0x40  }
0x17a: {  	[sflag:s8] =	ssyncset.done $0x0  }
0x17b: {  	[sflag:s8] =	ssyncadd.s32 $0xFFFFFFC0  }
0x17c: {  	v3 =	vld [tilespmem:$0x0];
	_ =	sdelay $0x4  }
0x17d: {  	v48 =	vshrl.u32 v3, $0x3  }
0x17e: {  	v4 =	vmul.u32 $0x30, v48  }
0x17f: {  	v3 =	vand.u32 $0x7, v3  }
0x180: {  	v3 =	vor.u32 v3, v4  }
0x181: {  	v4 =	vperm.xlane v3, v0;
	_ =	sdelay $0x1  }
0x182: {  	v4 =	vadd.s32 v1, v4;
	_ =	sdelay $0x3  }
0x183: {  	s12 =	simm.s32 $0x100;
	v3 =	vperm.xlane v3, v2  }
0x184: {  	[tilespmem:s12], [sflag:$0x3] =	stream.indirect_vreg.gather [hbm4b:s3+s2], $0x80, v4, vm0, $0xb8;
	[tilespmem:$0x18100] =	vst v63  }
0x185: {  	s16 =	simm.s32 $0x900;
	v3 =	vadd.s32 v1, v3  }
0x186: {  	[tilespmem:s16], [sflag:$0x3] =	stream.indirect_vreg.gather [hbm4b:s4+s2], $0x80, v4, vm0, $0xb8;
	[tilespmem:$0x18100] =	vst v63  }
0x187: {  	s16 =	simm.s32 $0x1100  }
0x188: {  	[tilespmem:s16], [sflag:$0x3] =	stream.indirect_vreg.gather [hbm4b:s5+s2], $0x80, v4, vm0, $0xb8;
	[tilespmem:$0x18100] =	vst v63  }
0x189: {  	_ = 	snop  }
0x18a: {  	[tilespmem:s9], [sflag:$0x3] =	stream.indirect_vreg.gather [hbm4b:s3+s2], $0x80, v3, vm0, $0xb8;
	[tilespmem:$0x18100] =	vst v63  }
0x18b: {  	_ = 	snop  }
0x18c: {  	[tilespmem:s13], [sflag:$0x3] =	stream.indirect_vreg.gather [hbm4b:s4+s2], $0x80, v3, vm0, $0xb8;
	[tilespmem:$0x18100] =	vst v63  }
0x18d: {  	s13 =	simm.s32 $0x2900  }
0x18e: {  	[tilespmem:s13], [sflag:$0x3] =	stream.indirect_vreg.gather [hbm4b:s5+s2], $0x80, v3, vm0, $0xb8;
	[tilespmem:$0x18100] =	vst v63  }
0x18f: {  	v3 =	vld [tilespmem:$0x10];
	_ =	sdelay $0x4  }
0x190: {  	v49 =	vshrl.u32 v3, $0x3  }
0x191: {  	v4 =	vmul.u32 $0x30, v49  }
0x192: {  	v3 =	vand.u32 $0x7, v3  }
0x193: {  	v3 =	vor.u32 v3, v4  }
0x194: {  	v4 =	vperm.xlane v3, v0;
	_ =	sdelay $0x1  }
0x195: {  	v4 =	vadd.s32 v1, v4;
	_ =	sdelay $0x3  }
0x196: {  	s16 =	simm.s32 $0x3100;
	v3 =	vperm.xlane v3, v2  }
0x197: {  	[tilespmem:s16], [sflag:$0x3] =	stream.indirect_vreg.gather [hbm4b:s3+s2], $0x80, v4, vm0, $0xb8;
	[tilespmem:$0x18100] =	vst v63  }
0x198: {  	v3 =	vadd.s32 v1, v3  }
0x199: {  	[tilespmem:s14], [sflag:$0x3] =	stream.indirect_vreg.gather [hbm4b:s4+s2], $0x80, v4, vm0, $0xb8;
	[tilespmem:$0x18100] =	vst v63  }
0x19a: {  	_ = 	snop  }
0x19b: {  	[tilespmem:s15], [sflag:$0x3] =	stream.indirect_vreg.gather [hbm4b:s5+s2], $0x80, v4, vm0, $0xb8;
	[tilespmem:$0x18100] =	vst v63  }
0x19c: {  	_ = 	snop  }
0x19d: {  	[tilespmem:s18], [sflag:$0x3] =	stream.indirect_vreg.gather [hbm4b:s3+s2], $0x80, v3, vm0, $0xb8;
	[tilespmem:$0x18100] =	vst v63  }
0x19e: {  	_ = 	snop  }
0x19f: {  	[tilespmem:s19], [sflag:$0x3] =	stream.indirect_vreg.gather [hbm4b:s4+s2], $0x80, v3, vm0, $0xb8;
	[tilespmem:$0x18100] =	vst v63  }
0x1a0: {  	s18 =	simm.s32 $0x5900  }
0x1a1: {  	[tilespmem:s18], [sflag:$0x3] =	stream.indirect_vreg.gather [hbm4b:s5+s2], $0x80, v3, vm0, $0xb8;
	[tilespmem:$0x18100] =	vst v63  }
0x1a2: {  	v3 =	vld [tilespmem:$0x20];
	_ =	sdelay $0x4  }
0x1a3: {  	v50 =	vshrl.u32 v3, $0x3  }
0x1a4: {  	v4 =	vmul.u32 $0x30, v50  }
0x1a5: {  	v3 =	vand.u32 $0x7, v3  }
0x1a6: {  	v3 =	vor.u32 v3, v4  }
0x1a7: {  	v4 =	vperm.xlane v3, v0;
	_ =	sdelay $0x1  }
0x1a8: {  	v4 =	vadd.s32 v1, v4;
	_ =	sdelay $0x3  }
0x1a9: {  	s19 =	simm.s32 $0x6100;
	v3 =	vperm.xlane v3, v2  }
0x1aa: {  	[tilespmem:s19], [sflag:$0x3] =	stream.indirect_vreg.gather [hbm4b:s3+s2], $0x80, v4, vm0, $0xb8;
	[tilespmem:$0x18100] =	vst v63  }
0x1ab: {  	v3 =	vadd.s32 v1, v3  }
0x1ac: {  	[tilespmem:s20], [sflag:$0x3] =	stream.indirect_vreg.gather [hbm4b:s4+s2], $0x80, v4, vm0, $0xb8;
	[tilespmem:$0x18100] =	vst v63  }
0x1ad: {  	_ = 	snop  }
0x1ae: {  	[tilespmem:s21], [sflag:$0x3] =	stream.indirect_vreg.gather [hbm4b:s5+s2], $0x80, v4, vm0, $0xb8;
	[tilespmem:$0x18100] =	vst v63  }
0x1af: {  	_ = 	snop  }
0x1b0: {  	[tilespmem:s22], [sflag:$0x3] =	stream.indirect_vreg.gather [hbm4b:s3+s2], $0x80, v3, vm0, $0xb8;
	[tilespmem:$0x18100] =	vst v63  }
0x1b1: {  	_ = 	snop  }
0x1b2: {  	[tilespmem:s23], [sflag:$0x3] =	stream.indirect_vreg.gather [hbm4b:s4+s2], $0x80, v3, vm0, $0xb8;
	[tilespmem:$0x18100] =	vst v63  }
0x1b3: {  	s22 =	simm.s32 $0x8900  }
0x1b4: {  	[tilespmem:s22], [sflag:$0x3] =	stream.indirect_vreg.gather [hbm4b:s5+s2], $0x80, v3, vm0, $0xb8;
	[tilespmem:$0x18100] =	vst v63  }
0x1b5: {  	v3 =	vld [tilespmem:$0x30];
	_ =	sdelay $0x4  }
0x1b6: {  	v51 =	vshrl.u32 v3, $0x3  }
0x1b7: {  	v4 =	vmul.u32 $0x30, v51  }
0x1b8: {  	v3 =	vand.u32 $0x7, v3  }
0x1b9: {  	v3 =	vor.u32 v3, v4  }
0x1ba: {  	v4 =	vperm.xlane v3, v0;
	_ =	sdelay $0x1  }
0x1bb: {  	v4 =	vadd.s32 v1, v4;
	_ =	sdelay $0x3  }
0x1bc: {  	s23 =	simm.s32 $0x9100;
	v3 =	vperm.xlane v3, v2  }
0x1bd: {  	[tilespmem:s23], [sflag:$0x3] =	stream.indirect_vreg.gather [hbm4b:s3+s2], $0x80, v4, vm0, $0xb8;
	[tilespmem:$0x18100] =	vst v63  }
0x1be: {  	v3 =	vadd.s32 v1, v3  }
0x1bf: {  	[tilespmem:s24], [sflag:$0x3] =	stream.indirect_vreg.gather [hbm4b:s4+s2], $0x80, v4, vm0, $0xb8;
	[tilespmem:$0x18100] =	vst v63  }
0x1c0: {  	_ = 	snop  }
0x1c1: {  	[tilespmem:s25], [sflag:$0x3] =	stream.indirect_vreg.gather [hbm4b:s5+s2], $0x80, v4, vm0, $0xb8;
	[tilespmem:$0x18100] =	vst v63  }
0x1c2: {  	_ = 	snop  }
0x1c3: {  	[tilespmem:s26], [sflag:$0x3] =	stream.indirect_vreg.gather [hbm4b:s3+s2], $0x80, v3, vm0, $0xb8;
	[tilespmem:$0x18100] =	vst v63  }
0x1c4: {  	_ = 	snop  }
0x1c5: {  	[tilespmem:s28], [sflag:$0x3] =	stream.indirect_vreg.gather [hbm4b:s4+s2], $0x80, v3, vm0, $0xb8;
	[tilespmem:$0x18100] =	vst v63  }
0x1c6: {  	s26 =	simm.s32 $0xB900  }
0x1c7: {  	[tilespmem:s26], [sflag:$0x3] =	stream.indirect_vreg.gather [hbm4b:s5+s2], $0x80, v3, vm0, $0xb8;
	[tilespmem:$0x18100] =	vst v63  }
0x1c8: {  	_ =	swait.ge [sflag:s7], $0xC000  }
0x1c9: {  	[sflag:s7] =	ssyncset.done $0x0  }
0x1ca: {  	s28 =	rddreg [dreg:$0xd];
	[sflag:s7] =	ssyncadd.s32 $0xFFFF4000  }
0x1cb: {  	[hbm4b:s28+s2] =	stream.linear.scatter [tilespmem:s12], [sflag:$0x4], $0xC000, $0x38;
	[tilespmem:$0x18100] =	vst v63  }
0x1cc: {  	_ =	swait.ge [sflag:s10], $0xC000  }
0x1cd: {  	[sflag:s10] =	ssyncset.done $0x0  }
0x1ce: {  	s0 =	rddreg [dreg:$0xe];
	[sflag:s10] =	ssyncadd.s32 $0xFFFF4000  }
0x1cf: {  	[tilespmem:s2], [sflag:$0x1] =	stream.linear.gather [hbm4b:s0+s2], $0x40, $0x38;
	[tilespmem:$0x18100] =	vst v63  }
0x1d0: {  	_ =	swait.ge [sflag:s11], $0x40  }
0x1d1: {  	[sflag:s11] =	ssyncset.done $0x0  }
0x1d2: {  	[sflag:s11] =	ssyncadd.s32 $0xFFFFFFC0  }
0x1d3: {  	v3 =	vld [tilespmem:$0x80];
	_ =	sdelay $0x4  }
0x1d4: {  	v52 =	vshrl.u32 v3, $0x3  }
0x1d5: {  	v4 =	vmul.u32 $0x30, v52  }
0x1d6: {  	v3 =	vand.u32 $0x7, v3  }
0x1d7: {  	v3 =	vor.u32 v3, v4  }
0x1d8: {  	v4 =	vperm.xlane v3, v0;
	_ =	sdelay $0x1  }
0x1d9: {  	v4 =	vadd.s32 v1, v4;
	_ =	sdelay $0x3  }
0x1da: {  	v3 =	vperm.xlane v3, v2  }
0x1db: {  	[tilespmem:s1], [sflag:$0x3] =	stream.indirect_vreg.gather [hbm4b:s3+s2], $0x80, v4, vm0, $0xb8;
	[tilespmem:$0x18100] =	vst v63  }
0x1dc: {  	v3 =	vadd.s32 v1, v3  }
0x1dd: {  	[tilespmem:s17], [sflag:$0x3] =	stream.indirect_vreg.gather [hbm4b:s4+s2], $0x80, v4, vm0, $0xb8;
	[tilespmem:$0x18100] =	vst v63  }
0x1de: {  	_ = 	snop  }
0x1df: {  	[tilespmem:s29], [sflag:$0x3] =	stream.indirect_vreg.gather [hbm4b:s5+s2], $0x80, v4, vm0, $0xb8;
	[tilespmem:$0x18100] =	vst v63  }
0x1e0: {  	_ = 	snop  }
0x1e1: {  	[tilespmem:s30], [sflag:$0x3] =	stream.indirect_vreg.gather [hbm4b:s3+s2], $0x80, v3, vm0, $0xb8;
	[tilespmem:$0x18100] =	vst v63  }
0x1e2: {  	_ = 	snop  }
0x1e3: {  	[tilespmem:s31], [sflag:$0x3] =	stream.indirect_vreg.gather [hbm4b:s4+s2], $0x80, v3, vm0, $0xb8;
	[tilespmem:$0x18100] =	vst v63  }
0x1e4: {  	s9 =	simm.s32 $0xE900  }
0x1e5: {  	[tilespmem:s9], [sflag:$0x3] =	stream.indirect_vreg.gather [hbm4b:s5+s2], $0x80, v3, vm0, $0xb8;
	[tilespmem:$0x18100] =	vst v63  }
0x1e6: {  	v3 =	vld [tilespmem:$0x90];
	_ =	sdelay $0x4  }
0x1e7: {  	v53 =	vshrl.u32 v3, $0x3  }
0x1e8: {  	v4 =	vmul.u32 $0x30, v53  }
0x1e9: {  	v3 =	vand.u32 $0x7, v3  }
0x1ea: {  	v3 =	vor.u32 v3, v4  }
0x1eb: {  	v4 =	vperm.xlane v3, v0;
	_ =	sdelay $0x1  }
0x1ec: {  	v4 =	vadd.s32 v1, v4;
	_ =	sdelay $0x3  }
0x1ed: {  	s13 =	simm.s32 $0xF100;
	v3 =	vperm.xlane v3, v2  }
0x1ee: {  	[tilespmem:s13], [sflag:$0x3] =	stream.indirect_vreg.gather [hbm4b:s3+s2], $0x80, v4, vm0, $0xb8;
	[tilespmem:$0x18100] =	vst v63  }
0x1ef: {  	s14 =	simm.s32 $0xF900;
	v3 =	vadd.s32 v1, v3  }
0x1f0: {  	[tilespmem:s14], [sflag:$0x3] =	stream.indirect_vreg.gather [hbm4b:s4+s2], $0x80, v4, vm0, $0xb8;
	[tilespmem:$0x18100] =	vst v63  }
0x1f1: {  	s15 =	simm.s32 $0x10100  }
0x1f2: {  	[tilespmem:s15], [sflag:$0x3] =	stream.indirect_vreg.gather [hbm4b:s5+s2], $0x80, v4, vm0, $0xb8;
	[tilespmem:$0x18100] =	vst v63  }
0x1f3: {  	s16 =	simm.s32 $0x10900  }
0x1f4: {  	[tilespmem:s16], [sflag:$0x3] =	stream.indirect_vreg.gather [hbm4b:s3+s2], $0x80, v3, vm0, $0xb8;
	[tilespmem:$0x18100] =	vst v63  }
0x1f5: {  	s18 =	simm.s32 $0x11100  }
0x1f6: {  	[tilespmem:s18], [sflag:$0x3] =	stream.indirect_vreg.gather [hbm4b:s4+s2], $0x80, v3, vm0, $0xb8;
	[tilespmem:$0x18100] =	vst v63  }
0x1f7: {  	s19 =	simm.s32 $0x11900  }
0x1f8: {  	[tilespmem:s19], [sflag:$0x3] =	stream.indirect_vreg.gather [hbm4b:s5+s2], $0x80, v3, vm0, $0xb8;
	[tilespmem:$0x18100] =	vst v63  }
0x1f9: {  	v3 =	vld [tilespmem:$0xA0];
	_ =	sdelay $0x4  }
0x1fa: {  	v54 =	vshrl.u32 v3, $0x3  }
0x1fb: {  	v4 =	vmul.u32 $0x30, v54  }
0x1fc: {  	v3 =	vand.u32 $0x7, v3  }
0x1fd: {  	v3 =	vor.u32 v3, v4  }
0x1fe: {  	v4 =	vperm.xlane v3, v0;
	_ =	sdelay $0x1  }
0x1ff: {  	v4 =	vadd.s32 v1, v4;
	_ =	sdelay $0x3  }
0x200: {  	s20 =	simm.s32 $0x12100;
	v3 =	vperm.xlane v3, v2  }
0x201: {  	[tilespmem:s20], [sflag:$0x3] =	stream.indirect_vreg.gather [hbm4b:s3+s2], $0x80, v4, vm0, $0xb8;
	[tilespmem:$0x18100] =	vst v63  }
0x202: {  	s21 =	simm.s32 $0x12900;
	v3 =	vadd.s32 v1, v3  }
0x203: {  	[tilespmem:s21], [sflag:$0x3] =	stream.indirect_vreg.gather [hbm4b:s4+s2], $0x80, v4, vm0, $0xb8;
	[tilespmem:$0x18100] =	vst v63  }
0x204: {  	s25 =	simm.s32 $0x13100  }
0x205: {  	[tilespmem:s25], [sflag:$0x3] =	stream.indirect_vreg.gather [hbm4b:s5+s2], $0x80, v4, vm0, $0xb8;
	[tilespmem:$0x18100] =	vst v63  }
0x206: {  	s26 =	simm.s32 $0x13900  }
0x207: {  	[tilespmem:s26], [sflag:$0x3] =	stream.indirect_vreg.gather [hbm4b:s3+s2], $0x80, v3, vm0, $0xb8;
	[tilespmem:$0x18100] =	vst v63  }
0x208: {  	s28 =	simm.s32 $0x14100  }
0x209: {  	[tilespmem:s28], [sflag:$0x3] =	stream.indirect_vreg.gather [hbm4b:s4+s2], $0x80, v3, vm0, $0xb8;
	[tilespmem:$0x18100] =	vst v63  }
0x20a: {  	s0 =	simm.s32 $0x14900  }
0x20b: {  	[tilespmem:s0], [sflag:$0x3] =	stream.indirect_vreg.gather [hbm4b:s5+s2], $0x80, v3, vm0, $0xb8;
	[tilespmem:$0x18100] =	vst v63  }
0x20c: {  	v3 =	vld [tilespmem:$0xB0];
	_ =	sdelay $0x4  }
0x20d: {  	v55 =	vshrl.u32 v3, $0x3  }
0x20e: {  	v4 =	vmul.u32 $0x30, v55  }
0x20f: {  	v3 =	vand.u32 $0x7, v3  }
0x210: {  	v3 =	vor.u32 v3, v4  }
0x211: {  	v4 =	vperm.xlane v3, v0;
	_ =	sdelay $0x1  }
0x212: {  	v4 =	vadd.s32 v1, v4;
	_ =	sdelay $0x3  }
0x213: {  	s1 =	simm.s32 $0x15100;
	v3 =	vperm.xlane v3, v2  }
0x214: {  	[tilespmem:s1], [sflag:$0x3] =	stream.indirect_vreg.gather [hbm4b:s3+s2], $0x80, v4, vm0, $0xb8;
	[tilespmem:$0x18100] =	vst v63  }
0x215: {  	s19 =	simm.s32 $0x15900;
	v3 =	vadd.s32 v1, v3  }
0x216: {  	[tilespmem:s19], [sflag:$0x3] =	stream.indirect_vreg.gather [hbm4b:s4+s2], $0x80, v4, vm0, $0xb8;
	[tilespmem:$0x18100] =	vst v63  }
0x217: {  	s20 =	simm.s32 $0x16100  }
0x218: {  	[tilespmem:s20], [sflag:$0x3] =	stream.indirect_vreg.gather [hbm4b:s5+s2], $0x80, v4, vm0, $0xb8;
	[tilespmem:$0x18100] =	vst v63  }
0x219: {  	s21 =	simm.s32 $0x16900  }
0x21a: {  	[tilespmem:s21], [sflag:$0x3] =	stream.indirect_vreg.gather [hbm4b:s3+s2], $0x80, v3, vm0, $0xb8;
	[tilespmem:$0x18100] =	vst v63  }
0x21b: {  	s26 =	simm.s32 $0x17100  }
0x21c: {  	[tilespmem:s26], [sflag:$0x3] =	stream.indirect_vreg.gather [hbm4b:s4+s2], $0x80, v3, vm0, $0xb8;
	[tilespmem:$0x18100] =	vst v63  }
0x21d: {  	s0 =	simm.s32 $0x17900  }
0x21e: {  	[tilespmem:s0], [sflag:$0x3] =	stream.indirect_vreg.gather [hbm4b:s5+s2], $0x80, v3, vm0, $0xb8;
	[tilespmem:$0x18100] =	vst v63  }
0x21f: {  	_ =	swait.ge [sflag:s7], $0xC000  }
0x220: {  	[sflag:s7] =	ssyncset.done $0x0  }
0x221: {  	s0 =	simm.s32 $0xC100;
	s1 =	rddreg [dreg:$0xf];
	[sflag:s7] =	ssyncadd.s32 $0xFFFF4000  }
0x222: {  	[hbm4b:s1+s2] =	stream.linear.scatter [tilespmem:s0], [sflag:$0x4], $0xC000, $0x38;
	[tilespmem:$0x18100] =	vst v63  }
0x223: {  	_ =	swait.ge [sflag:s10], $0xC000  }
0x224: {  	[sflag:s10] =	ssyncset.done $0x0  }
0x225: {  	s1 =	simm.s32 $0x80;
	s16 =	rddreg [dreg:$0x10];
	[sflag:s10] =	ssyncadd.s32 $0xFFFF4000  }
0x226: {  	[tilespmem:s1], [sflag:$0x2] =	stream.linear.gather [hbm4b:s16+s2], $0x40, $0x38;
	[tilespmem:$0x18100] =	vst v63  }
0x227: {  	_ =	swait.ge [sflag:s8], $0x40  }
0x228: {  	[sflag:s8] =	ssyncset.done $0x0  }
0x229: {  	[sflag:s8] =	ssyncadd.s32 $0xFFFFFFC0  }
0x22a: {  	v3 =	vld [tilespmem:$0x0];
	_ =	sdelay $0x4  }
0x22b: {  	v56 =	vshrl.u32 v3, $0x3  }
0x22c: {  	v4 =	vmul.u32 $0x30, v56  }
0x22d: {  	v3 =	vand.u32 $0x7, v3  }
0x22e: {  	v3 =	vor.u32 v3, v4  }
0x22f: {  	v4 =	vperm.xlane v3, v0;
	_ =	sdelay $0x1  }
0x230: {  	v4 =	vadd.s32 v1, v4;
	_ =	sdelay $0x3  }
0x231: {  	s12 =	simm.s32 $0x100;
	v3 =	vperm.xlane v3, v2  }
0x232: {  	[tilespmem:s12], [sflag:$0x3] =	stream.indirect_vreg.gather [hbm4b:s3+s2], $0x80, v4, vm0, $0xb8;
	[tilespmem:$0x18100] =	vst v63  }
0x233: {  	s1 =	simm.s32 $0x900;
	v3 =	vadd.s32 v1, v3  }
0x234: {  	[tilespmem:s1], [sflag:$0x3] =	stream.indirect_vreg.gather [hbm4b:s4+s2], $0x80, v4, vm0, $0xb8;
	[tilespmem:$0x18100] =	vst v63  }
0x235: {  	s1 =	simm.s32 $0x1100  }
0x236: {  	[tilespmem:s1], [sflag:$0x3] =	stream.indirect_vreg.gather [hbm4b:s5+s2], $0x80, v4, vm0, $0xb8;
	[tilespmem:$0x18100] =	vst v63  }
0x237: {  	s1 =	simm.s32 $0x1900  }
0x238: {  	[tilespmem:s1], [sflag:$0x3] =	stream.indirect_vreg.gather [hbm4b:s3+s2], $0x80, v3, vm0, $0xb8;
	[tilespmem:$0x18100] =	vst v63  }
0x239: {  	s1 =	simm.s32 $0x2100  }
0x23a: {  	[tilespmem:s1], [sflag:$0x3] =	stream.indirect_vreg.gather [hbm4b:s4+s2], $0x80, v3, vm0, $0xb8;
	[tilespmem:$0x18100] =	vst v63  }
0x23b: {  	s16 =	simm.s32 $0x2900  }
0x23c: {  	[tilespmem:s16], [sflag:$0x3] =	stream.indirect_vreg.gather [hbm4b:s5+s2], $0x80, v3, vm0, $0xb8;
	[tilespmem:$0x18100] =	vst v63  }
0x23d: {  	v3 =	vld [tilespmem:$0x10];
	_ =	sdelay $0x4  }
0x23e: {  	v57 =	vshrl.u32 v3, $0x3  }
0x23f: {  	v4 =	vmul.u32 $0x30, v57  }
0x240: {  	v3 =	vand.u32 $0x7, v3  }
0x241: {  	v3 =	vor.u32 v3, v4  }
0x242: {  	v4 =	vperm.xlane v3, v0;
	_ =	sdelay $0x1  }
0x243: {  	v4 =	vadd.s32 v1, v4;
	_ =	sdelay $0x3  }
0x244: {  	s16 =	simm.s32 $0x3100;
	v3 =	vperm.xlane v3, v2  }
0x245: {  	[tilespmem:s16], [sflag:$0x3] =	stream.indirect_vreg.gather [hbm4b:s3+s2], $0x80, v4, vm0, $0xb8;
	[tilespmem:$0x18100] =	vst v63  }
0x246: {  	s1 =	simm.s32 $0x3900;
	v3 =	vadd.s32 v1, v3  }
0x247: {  	[tilespmem:s1], [sflag:$0x3] =	stream.indirect_vreg.gather [hbm4b:s4+s2], $0x80, v4, vm0, $0xb8;
	[tilespmem:$0x18100] =	vst v63  }
0x248: {  	s1 =	simm.s32 $0x4100  }
0x249: {  	[tilespmem:s1], [sflag:$0x3] =	stream.indirect_vreg.gather [hbm4b:s5+s2], $0x80, v4, vm0, $0xb8;
	[tilespmem:$0x18100] =	vst v63  }
0x24a: {  	s1 =	simm.s32 $0x4900  }
0x24b: {  	[tilespmem:s1], [sflag:$0x3] =	stream.indirect_vreg.gather [hbm4b:s3+s2], $0x80, v3, vm0, $0xb8;
	[tilespmem:$0x18100] =	vst v63  }
0x24c: {  	s1 =	simm.s32 $0x5100  }
0x24d: {  	[tilespmem:s1], [sflag:$0x3] =	stream.indirect_vreg.gather [hbm4b:s4+s2], $0x80, v3, vm0, $0xb8;
	[tilespmem:$0x18100] =	vst v63  }
0x24e: {  	s16 =	simm.s32 $0x5900  }
0x24f: {  	[tilespmem:s16], [sflag:$0x3] =	stream.indirect_vreg.gather [hbm4b:s5+s2], $0x80, v3, vm0, $0xb8;
	[tilespmem:$0x18100] =	vst v63  }
0x250: {  	v3 =	vld [tilespmem:$0x20];
	_ =	sdelay $0x4  }
0x251: {  	v58 =	vshrl.u32 v3, $0x3  }
0x252: {  	v4 =	vmul.u32 $0x30, v58  }
0x253: {  	v3 =	vand.u32 $0x7, v3  }
0x254: {  	v3 =	vor.u32 v3, v4  }
0x255: {  	v4 =	vperm.xlane v3, v0;
	_ =	sdelay $0x1  }
0x256: {  	v4 =	vadd.s32 v1, v4;
	_ =	sdelay $0x3  }
0x257: {  	s16 =	simm.s32 $0x6100;
	v3 =	vperm.xlane v3, v2  }
0x258: {  	[tilespmem:s16], [sflag:$0x3] =	stream.indirect_vreg.gather [hbm4b:s3+s2], $0x80, v4, vm0, $0xb8;
	[tilespmem:$0x18100] =	vst v63  }
0x259: {  	s1 =	simm.s32 $0x6900;
	v3 =	vadd.s32 v1, v3  }
0x25a: {  	[tilespmem:s1], [sflag:$0x3] =	stream.indirect_vreg.gather [hbm4b:s4+s2], $0x80, v4, vm0, $0xb8;
	[tilespmem:$0x18100] =	vst v63  }
0x25b: {  	s1 =	simm.s32 $0x7100  }
0x25c: {  	[tilespmem:s1], [sflag:$0x3] =	stream.indirect_vreg.gather [hbm4b:s5+s2], $0x80, v4, vm0, $0xb8;
	[tilespmem:$0x18100] =	vst v63  }
0x25d: {  	s1 =	simm.s32 $0x7900  }
0x25e: {  	[tilespmem:s1], [sflag:$0x3] =	stream.indirect_vreg.gather [hbm4b:s3+s2], $0x80, v3, vm0, $0xb8;
	[tilespmem:$0x18100] =	vst v63  }
0x25f: {  	s1 =	simm.s32 $0x8100  }
0x260: {  	[tilespmem:s1], [sflag:$0x3] =	stream.indirect_vreg.gather [hbm4b:s4+s2], $0x80, v3, vm0, $0xb8;
	[tilespmem:$0x18100] =	vst v63  }
0x261: {  	s16 =	simm.s32 $0x8900  }
0x262: {  	[tilespmem:s16], [sflag:$0x3] =	stream.indirect_vreg.gather [hbm4b:s5+s2], $0x80, v3, vm0, $0xb8;
	[tilespmem:$0x18100] =	vst v63  }
0x263: {  	v3 =	vld [tilespmem:$0x30];
	_ =	sdelay $0x4  }
0x264: {  	v59 =	vshrl.u32 v3, $0x3  }
0x265: {  	v4 =	vmul.u32 $0x30, v59  }
0x266: {  	v3 =	vand.u32 $0x7, v3  }
0x267: {  	v3 =	vor.u32 v3, v4  }
0x268: {  	v4 =	vperm.xlane v3, v0;
	_ =	sdelay $0x1  }
0x269: {  	v4 =	vadd.s32 v1, v4;
	_ =	sdelay $0x3  }
0x26a: {  	s16 =	simm.s32 $0x9100;
	v3 =	vperm.xlane v3, v2  }
0x26b: {  	[tilespmem:s16], [sflag:$0x3] =	stream.indirect_vreg.gather [hbm4b:s3+s2], $0x80, v4, vm0, $0xb8;
	[tilespmem:$0x18100] =	vst v63  }
0x26c: {  	s1 =	simm.s32 $0x9900;
	v3 =	vadd.s32 v1, v3  }
0x26d: {  	[tilespmem:s1], [sflag:$0x3] =	stream.indirect_vreg.gather [hbm4b:s4+s2], $0x80, v4, vm0, $0xb8;
	[tilespmem:$0x18100] =	vst v63  }
0x26e: {  	s1 =	simm.s32 $0xA100  }
0x26f: {  	[tilespmem:s1], [sflag:$0x3] =	stream.indirect_vreg.gather [hbm4b:s5+s2], $0x80, v4, vm0, $0xb8;
	[tilespmem:$0x18100] =	vst v63  }
0x270: {  	s1 =	simm.s32 $0xA900  }
0x271: {  	[tilespmem:s1], [sflag:$0x3] =	stream.indirect_vreg.gather [hbm4b:s3+s2], $0x80, v3, vm0, $0xb8;
	[tilespmem:$0x18100] =	vst v63  }
0x272: {  	s1 =	simm.s32 $0xB100  }
0x273: {  	[tilespmem:s1], [sflag:$0x3] =	stream.indirect_vreg.gather [hbm4b:s4+s2], $0x80, v3, vm0, $0xb8;
	[tilespmem:$0x18100] =	vst v63  }
0x274: {  	s16 =	simm.s32 $0xB900  }
0x275: {  	[tilespmem:s16], [sflag:$0x3] =	stream.indirect_vreg.gather [hbm4b:s5+s2], $0x80, v3, vm0, $0xb8;
	[tilespmem:$0x18100] =	vst v63  }
0x276: {  	_ =	swait.ge [sflag:s7], $0xC000  }
0x277: {  	[sflag:s7] =	ssyncset.done $0x0  }
0x278: {  	s1 =	rddreg [dreg:$0x11];
	[sflag:s7] =	ssyncadd.s32 $0xFFFF4000  }
0x279: {  	[hbm4b:s1+s2] =	stream.linear.scatter [tilespmem:s12], [sflag:$0x4], $0xC000, $0x38;
	[tilespmem:$0x18100] =	vst v63  }
0x27a: {  	_ =	swait.ge [sflag:s10], $0xC000  }
0x27b: {  	[sflag:s10] =	ssyncset.done $0x0  }
0x27c: {  	[sflag:s10] =	ssyncadd.s32 $0xFFFF4000  }
0x27d: {  	_ =	swait.ge [sflag:s11], $0x40  }
0x27e: {  	[sflag:s11] =	ssyncset.done $0x0  }
0x27f: {  	[sflag:s11] =	ssyncadd.s32 $0xFFFFFFC0  }
0x280: {  	v3 =	vld [tilespmem:$0x80];
	_ =	sdelay $0x4  }
0x281: {  	v60 =	vshrl.u32 v3, $0x3  }
0x282: {  	v4 =	vmul.u32 $0x30, v60  }
0x283: {  	v3 =	vand.u32 $0x7, v3  }
0x284: {  	v3 =	vor.u32 v3, v4  }
0x285: {  	v4 =	vperm.xlane v3, v0;
	_ =	sdelay $0x1  }
0x286: {  	v4 =	vadd.s32 v1, v4;
	_ =	sdelay $0x3  }
0x287: {  	v3 =	vperm.xlane v3, v2  }
0x288: {  	[tilespmem:s0], [sflag:$0x3] =	stream.indirect_vreg.gather [hbm4b:s3+s2], $0x80, v4, vm0, $0xb8;
	[tilespmem:$0x18100] =	vst v63  }
0x289: {  	s17 =	simm.s32 $0xC900;
	v3 =	vadd.s32 v1, v3  }
0x28a: {  	[tilespmem:s17], [sflag:$0x3] =	stream.indirect_vreg.gather [hbm4b:s4+s2], $0x80, v4, vm0, $0xb8;
	[tilespmem:$0x18100] =	vst v63  }
0x28b: {  	s29 =	simm.s32 $0xD100  }
0x28c: {  	[tilespmem:s29], [sflag:$0x3] =	stream.indirect_vreg.gather [hbm4b:s5+s2], $0x80, v4, vm0, $0xb8;
	[tilespmem:$0x18100] =	vst v63  }
0x28d: {  	s30 =	simm.s32 $0xD900  }
0x28e: {  	[tilespmem:s30], [sflag:$0x3] =	stream.indirect_vreg.gather [hbm4b:s3+s2], $0x80, v3, vm0, $0xb8;
	[tilespmem:$0x18100] =	vst v63  }
0x28f: {  	s31 =	simm.s32 $0xE100  }
0x290: {  	[tilespmem:s31], [sflag:$0x3] =	stream.indirect_vreg.gather [hbm4b:s4+s2], $0x80, v3, vm0, $0xb8;
	[tilespmem:$0x18100] =	vst v63  }
0x291: {  	s16 =	simm.s32 $0xE900  }
0x292: {  	[tilespmem:s16], [sflag:$0x3] =	stream.indirect_vreg.gather [hbm4b:s5+s2], $0x80, v3, vm0, $0xb8;
	[tilespmem:$0x18100] =	vst v63  }
0x293: {  	v3 =	vld [tilespmem:$0x90];
	_ =	sdelay $0x4  }
0x294: {  	v61 =	vshrl.u32 v3, $0x3  }
0x295: {  	v4 =	vmul.u32 $0x30, v61  }
0x296: {  	v3 =	vand.u32 $0x7, v3  }
0x297: {  	v3 =	vor.u32 v3, v4  }
0x298: {  	v4 =	vperm.xlane v3, v0;
	_ =	sdelay $0x1  }
0x299: {  	v4 =	vadd.s32 v1, v4;
	_ =	sdelay $0x3  }
0x29a: {  	s22 =	simm.s32 $0xF100;
	v3 =	vperm.xlane v3, v2  }
0x29b: {  	[tilespmem:s22], [sflag:$0x3] =	stream.indirect_vreg.gather [hbm4b:s3+s2], $0x80, v4, vm0, $0xb8;
	[tilespmem:$0x18100] =	vst v63  }
0x29c: {  	s17 =	simm.s32 $0xF900;
	v3 =	vadd.s32 v1, v3  }
0x29d: {  	[tilespmem:s17], [sflag:$0x3] =	stream.indirect_vreg.gather [hbm4b:s4+s2], $0x80, v4, vm0, $0xb8;
	[tilespmem:$0x18100] =	vst v63  }
0x29e: {  	s22 =	simm.s32 $0x10100  }
0x29f: {  	[tilespmem:s22], [sflag:$0x3] =	stream.indirect_vreg.gather [hbm4b:s5+s2], $0x80, v4, vm0, $0xb8;
	[tilespmem:$0x18100] =	vst v63  }
0x2a0: {  	s29 =	simm.s32 $0x10900  }
0x2a1: {  	[tilespmem:s29], [sflag:$0x3] =	stream.indirect_vreg.gather [hbm4b:s3+s2], $0x80, v3, vm0, $0xb8;
	[tilespmem:$0x18100] =	vst v63  }
0x2a2: {  	s9 =	simm.s32 $0x11100  }
0x2a3: {  	[tilespmem:s9], [sflag:$0x3] =	stream.indirect_vreg.gather [hbm4b:s4+s2], $0x80, v3, vm0, $0xb8;
	[tilespmem:$0x18100] =	vst v63  }
0x2a4: {  	s23 =	simm.s32 $0x11900  }
0x2a5: {  	[tilespmem:s23], [sflag:$0x3] =	stream.indirect_vreg.gather [hbm4b:s5+s2], $0x80, v3, vm0, $0xb8;
	[tilespmem:$0x18100] =	vst v63  }
0x2a6: {  	v3 =	vld [tilespmem:$0xA0];
	_ =	sdelay $0x4  }
0x2a7: {  	v62 =	vshrl.u32 v3, $0x3  }
0x2a8: {  	v4 =	vmul.u32 $0x30, v62  }
0x2a9: {  	v3 =	vand.u32 $0x7, v3  }
0x2aa: {  	v3 =	vor.u32 v3, v4  }
0x2ab: {  	v4 =	vperm.xlane v3, v0;
	_ =	sdelay $0x1  }
0x2ac: {  	v4 =	vadd.s32 v1, v4;
	_ =	sdelay $0x3  }
0x2ad: {  	s24 =	simm.s32 $0x12100;
	v3 =	vperm.xlane v3, v2  }
0x2ae: {  	[tilespmem:s24], [sflag:$0x3] =	stream.indirect_vreg.gather [hbm4b:s3+s2], $0x80, v4, vm0, $0xb8;
	[tilespmem:$0x18100] =	vst v63  }
0x2af: {  	s13 =	simm.s32 $0x12900;
	v3 =	vadd.s32 v1, v3  }
0x2b0: {  	[tilespmem:s13], [sflag:$0x3] =	stream.indirect_vreg.gather [hbm4b:s4+s2], $0x80, v4, vm0, $0xb8;
	[tilespmem:$0x18100] =	vst v63  }
0x2b1: {  	s14 =	simm.s32 $0x13100  }
0x2b2: {  	[tilespmem:s14], [sflag:$0x3] =	stream.indirect_vreg.gather [hbm4b:s5+s2], $0x80, v4, vm0, $0xb8;
	[tilespmem:$0x18100] =	vst v63  }
0x2b3: {  	s15 =	simm.s32 $0x13900  }
0x2b4: {  	[tilespmem:s15], [sflag:$0x3] =	stream.indirect_vreg.gather [hbm4b:s3+s2], $0x80, v3, vm0, $0xb8;
	[tilespmem:$0x18100] =	vst v63  }
0x2b5: {  	s18 =	simm.s32 $0x14100  }
0x2b6: {  	[tilespmem:s18], [sflag:$0x3] =	stream.indirect_vreg.gather [hbm4b:s4+s2], $0x80, v3, vm0, $0xb8;
	[tilespmem:$0x18100] =	vst v63  }
0x2b7: {  	s25 =	simm.s32 $0x14900  }
0x2b8: {  	[tilespmem:s25], [sflag:$0x3] =	stream.indirect_vreg.gather [hbm4b:s5+s2], $0x80, v3, vm0, $0xb8;
	[tilespmem:$0x18100] =	vst v63  }
0x2b9: {  	v3 =	vld [tilespmem:$0xB0];
	_ =	sdelay $0x4  }
0x2ba: {  	v63 =	vshrl.u32 v3, $0x3  }
0x2bb: {  	v4 =	vmul.u32 $0x30, v63  }
0x2bc: {  	v3 =	vand.u32 $0x7, v3  }
0x2bd: {  	v3 =	vor.u32 v3, v4  }
0x2be: {  	v4 =	vperm.xlane v3, v0;
	_ =	sdelay $0x1  }
0x2bf: {  	v4 =	vadd.s32 v1, v4;
	_ =	sdelay $0x3  }
0x2c0: {  	s28 =	simm.s32 $0x15100;
	v3 =	vperm.xlane v3, v2  }
0x2c1: {  	[tilespmem:s28], [sflag:$0x3] =	stream.indirect_vreg.gather [hbm4b:s3+s2], $0x80, v4, vm0, $0xb8;
	[tilespmem:$0x18100] =	vst v63  }
0x2c2: {  	s30 =	simm.s32 $0x15900;
	v3 =	vadd.s32 v1, v3  }
0x2c3: {  	[tilespmem:s30], [sflag:$0x3] =	stream.indirect_vreg.gather [hbm4b:s4+s2], $0x80, v4, vm0, $0xb8;
	[tilespmem:$0x18100] =	vst v63  }
0x2c4: {  	s19 =	simm.s32 $0x16100  }
0x2c5: {  	[tilespmem:s19], [sflag:$0x3] =	stream.indirect_vreg.gather [hbm4b:s5+s2], $0x80, v4, vm0, $0xb8;
	[tilespmem:$0x18100] =	vst v63  }
0x2c6: {  	s20 =	simm.s32 $0x16900  }
0x2c7: {  	[tilespmem:s20], [sflag:$0x3] =	stream.indirect_vreg.gather [hbm4b:s3+s2], $0x80, v3, vm0, $0xb8;
	[tilespmem:$0x18100] =	vst v63  }
0x2c8: {  	s21 =	simm.s32 $0x17100  }
0x2c9: {  	[tilespmem:s21], [sflag:$0x3] =	stream.indirect_vreg.gather [hbm4b:s4+s2], $0x80, v3, vm0, $0xb8;
	[tilespmem:$0x18100] =	vst v63  }
0x2ca: {  	s26 =	simm.s32 $0x17900  }
0x2cb: {  	[tilespmem:s26], [sflag:$0x3] =	stream.indirect_vreg.gather [hbm4b:s5+s2], $0x80, v3, vm0, $0xb8;
	[tilespmem:$0x18100] =	vst v63  }
0x2cc: {  	_ =	swait.ge [sflag:s7], $0xC000  }
0x2cd: {  	p0 =	sne.s32 s6, $0x1;
	s12 =	simm.s32 $0xC100;
	[sflag:s7] =	ssyncset.done $0x0  }
.Ltmp0:
0x2ce: {  	s31 =	rddreg [dreg:$0x12];
	[sflag:s7] =	ssyncadd.s32 $0xFFFF4000;
	(pc) =	sbr.rel @p0 .LBB2_1-.Ltmp0, $4  }
0x2cf: {  	[hbm4b:s31+s2] =	stream.linear.scatter [tilespmem:s12], [sflag:$0x4], $0xC000, $0x38;
	[tilespmem:$0x18100] =	vst v63  }
0x2d0: {  	_ =	swait.ge [sflag:s10], $0xC000  }
0x2d1: {  	[sflag:s10] =	ssyncset.done $0x0  }
0x2d2: {  	s6 =	sadd.s32 $0xFFFFFFFF, s6;
	[sflag:s10] =	ssyncadd.s32 $0xFFFF4000  }
0x2d3: {  	_ =	sfence.sel $0x180000  }
0x2d4: {  	[bflag:$0x0] =	sbarrier.arrive $0xFFFF  }
0x2d5: {  	_ =	strace $0x9000004A  }
0x2d6: {  	s0 =	stileid.u32;
	[bflag:$0x2] =	sbarrier.arrive $0xFFFF  }
0x2d7: {  	p0 =	sne.s32 s0, $0x0;
	s0 =	rddreg [dreg:$0x2]  }
0x2d8: {  	s0 =	sadd.s32 @!p0 $0x100000, s0  }
0x2d9: {  	[sflag:s0] =	ssyncadd.tile.s32 @!p0 $0x1;
	_ =	shalt  }
.Lfunc_end2:
_tile_overlayer_lowered:
.L_overlay_start_2:
0x2da: {  	(tag) =	ssettag $0x2  }
0x2db: {  	s0 =	rddreg [dreg:$0x0];
	s2 =	stileid.u32  }
0x2dc: {  	s1 =	rddreg [dreg:$0x1];
	p0 =	sne.s32 s2, $0x0  }
0x2dd: {  	s3 =	rddreg [dreg:$0x2];
	[bflag:$0x3] =	sbarrier.arrive $0xFFFF;
	s2 =	simm.s32 @!p0 $0x1C04  }
0x2de: {  	[timem:s3], [sflag:s2] =	dma.local @!p0 [hbm:s0], s1  }
0x2df: {  	s0 =	simm.s32 @!p0 $0x4  }
0x2e0: {  	_ =	swait.ge @!p0 [sflag:s0], s1  }
0x2e1: {  	s1 =	ssub.s32 @!p0 $0x0, s1;
	[sflag:s0] =	ssyncset.done @!p0 $0x0  }
0x2e2: {  	[sflag:s0] =	ssyncadd.s32 @!p0 s1  }
0x2e3: {  	[bflag:$0x3] =	sbarrier.arrive $0xFFFF  }
0x2e4: {  	_ =	shalt  }

// kernel: kernel.7.cloned.1.call-start
scs
__scs_entry_jumppad:
0x0: {  	(pc) =	sbr.rel $0x88, $3  }
0x1: {  	(tag) =	ssettag $0x0;
	lr =	simm.s32 $0x1  }
0x2: {  	[smem:$0x3F9A] =	sst lr;
	_ =	strace $0xD0000000  }
0x3: {  	_ = 	snop  }
0x4: {  	_ = 	snop  }
0x5: {  	_ = 	snop  }
0x6: {  	_ = 	snop  }
0x7: {  	_ = 	snop  }
__scs_overlays_trampoline_lowered:
0x8: {  	[smem:$0x3FA9] =	sst s0  }
0x9: {  	[smem:$0x3FAA] =	sst s1  }
0xa: {  	[smem:$0x3FAB] =	sst s2  }
0xb: {  	[smem:$0x3FAC] =	sst s3  }
0xc: {  	[smem:$0x3FAD] =	sst s4  }
0xd: {  	[smem:$0x3FAE] =	sst s5  }
0xe: {  	[smem:$0x3FAF] =	sst s6  }
0xf: {  	[smem:$0x3FB0] =	sst s7  }
0x10: {  	[smem:$0x3FB1] =	sst s8  }
0x11: {  	[smem:$0x3FB2] =	sst s9;
	s0 =	simm.s32 @!p0 $0x0  }
0x12: {  	s1 =	sld [smem:$0x3F98];
	s0 =	simm.s32 @p0 $0x1  }
0x13: {  	[smem:$0x3FB3] =	sst s0;
	s0 =	simm.s32 @!p1 $0x0  }
0x14: {  	s2 =	sld [smem:$0x3F97];
	s0 =	simm.s32 @p1 $0x1  }
0x15: {  	[smem:$0x3FB4] =	sst s0;
	s0 =	simm.s32 @!p2 $0x0  }
0x16: {  	s3 =	sld [smem:$0x3FDB];
	s0 =	simm.s32 @p2 $0x1  }
0x17: {  	s4 =	simm.s32 $0x1BF5;
	[smem:$0x3FB6] =	sst s0  }
0x18: {  	s0 =	sld [smem:$0x3F99];
	_ =	swait.ge [sflag:s4], $0x0  }
0x19: {  	s7 =	sld [smem:$0x3F9A]  }
0x1a: {  	s8 =	sadd.s32 $0xFFFFE003, lr  }
0x1b: {  	s9 =	sadd.s32 $0xFFFFFEF7, lr;
	s5 =	simm.s32 $0xFFFFFFFF;
	p2 =	slt.u32 s8, $0xFFFFF086  }
0x1c: {  	p1 =	slt.u32 s9, $0xF7A;
	s5 =	simm.s32 @!p2 $0x0  }
0x1d: {  	s5 =	simm.s32 @p1 $0x1;
	p0 =	seq.s32 s7, s2  }
0x1e: {  	s7 =	smul.u32 @!p0 $0xF7A, s2;
	p2 =	seq.s32 @!p0 s5, $0x0  }
0x1f: {  	s9 =	smul.u32 $0xF7A, s1;
	s8 =	simm.s32 @!p0 $0x1BF5;
	p2 =	por !p2, p0  }
0x20: {  	[sflag:s8] =	ssyncset.s32 @!p0 $0xFFFFF086;
	s6 =	sadd.s32 @!p0 s3, s7;
	s7 =	simm.s32 @!p0 $0x108  }
0x21: {  	s3 =	sadd.s32 s3, s9;
	s6 =	sadd.s32 @!p0 $0x88, s6;
	s7 =	simm.s32 @p2 $0x1082  }
0x22: {  	[simem:s7], [sflag:s8] =	dma.local @!p0 [hbm:s6], $0xF7A  }
0x23: {  	s9 =	sor.u32 $0xD0000000, s2;
	s6 =	simm.s32 $0x108;
	_ =	swait.ge @!p0 [sflag:s8], $0x0  }
0x24: {  	s3 =	sadd.s32 $0x88, s3;
	s6 =	simm.s32 @!p1 $0x1082;
	[sflag:s4] =	ssyncset.s32 $0xFFFFF086  }
0x25: {  	[simem:s6], [sflag:s4] =	dma.local [hbm:s3], $0xF7A  }
0x26: {  	[smem:$0x3F9A] =	sst s1;
	(tag) =	ssettag s2;
	_ =	strace s9  }
0x27: {  	s1 =	sld [smem:$0x3FAA]  }
0x28: {  	s2 =	sld [smem:$0x3FAB]  }
0x29: {  	s4 =	sld [smem:$0x3FAD]  }
0x2a: {  	p0 =	seq.s32 s5, $0x0;
	s5 =	sld [smem:$0x3FAE]  }
0x2b: {  	s6 =	sld [smem:$0x3FAF]  }
0x2c: {  	s7 =	sld [smem:$0x3FB0]  }
0x2d: {  	s3 =	simm.s32 $0x108;
	s8 =	sld [smem:$0x3FB1]  }
0x2e: {  	s3 =	simm.s32 @!p0 $0x1082;
	s9 =	sld [smem:$0x3FB2]  }
0x2f: {  	lr =	sadd.s32 s0, s3;
	s0 =	sld [smem:$0x3FA9]  }
0x30: {  	s3 =	sld [smem:$0x3FAC]  }
0x31: {  	[smem:$0x3FB5] =	sst s10  }
0x32: {  	s10 =	sld [smem:$0x3FB3];
	_ =	sdelay $0x3  }
0x33: {  	p0 =	seq.s32 s10, $0x1;
	s10 =	sld [smem:$0x3FB5];
	_ =	sdelay $0x3  }
0x34: {  	[smem:$0x3FB5] =	sst s10  }
0x35: {  	s10 =	sld [smem:$0x3FB4];
	_ =	sdelay $0x3  }
0x36: {  	p1 =	seq.s32 s10, $0x1;
	s10 =	sld [smem:$0x3FB5];
	_ =	sdelay $0x3  }
0x37: {  	[smem:$0x3FB5] =	sst s10  }
0x38: {  	s10 =	sld [smem:$0x3FB6]  }
0x39: {  	_ = 	snop;
	(pc) =	sbr.ind lr, $3  }
0x3a: {  	_ = 	snop  }
0x3b: {  	_ = 	snop  }
0x3c: {  	p2 =	seq.s32 s10, $0x1;
	s10 =	sld [smem:$0x3FB5]  }
0x3d: {  	_ =	shalt  }
0x3e: {  	_ =	shalt  }
0x3f: {  	_ =	shalt  }
0x40: {  	_ =	shalt  }
0x41: {  	_ =	shalt  }
0x42: {  	_ =	shalt  }
0x43: {  	_ =	shalt  }
0x44: {  	_ =	shalt  }
0x45: {  	_ =	shalt  }
0x46: {  	_ =	shalt  }
0x47: {  	_ =	shalt  }
0x48: {  	_ =	shalt  }
0x49: {  	_ =	shalt  }
0x4a: {  	_ =	shalt  }
0x4b: {  	_ =	shalt  }
0x4c: {  	_ =	shalt  }
0x4d: {  	_ =	shalt  }
0x4e: {  	_ =	shalt  }
0x4f: {  	_ =	shalt  }
0x50: {  	_ =	shalt  }
0x51: {  	_ =	shalt  }
0x52: {  	_ =	shalt  }
0x53: {  	_ =	shalt  }
0x54: {  	_ =	shalt  }
0x55: {  	_ =	shalt  }
0x56: {  	_ =	shalt  }
0x57: {  	_ =	shalt  }
0x58: {  	_ =	shalt  }
0x59: {  	_ =	shalt  }
0x5a: {  	_ =	shalt  }
0x5b: {  	_ =	shalt  }
0x5c: {  	_ =	shalt  }
0x5d: {  	_ =	shalt  }
0x5e: {  	_ =	shalt  }
0x5f: {  	_ =	shalt  }
0x60: {  	_ =	shalt  }
0x61: {  	_ =	shalt  }
0x62: {  	_ =	shalt  }
0x63: {  	_ =	shalt  }
0x64: {  	_ =	shalt  }
0x65: {  	_ =	shalt  }
0x66: {  	_ =	shalt  }
0x67: {  	_ =	shalt  }
0x68: {  	_ =	shalt  }
0x69: {  	_ =	shalt  }
0x6a: {  	_ =	shalt  }
0x6b: {  	_ =	shalt  }
0x6c: {  	_ =	shalt  }
0x6d: {  	_ =	shalt  }
0x6e: {  	_ =	shalt  }
0x6f: {  	_ =	shalt  }
0x70: {  	_ =	shalt  }
0x71: {  	_ =	shalt  }
0x72: {  	_ =	shalt  }
0x73: {  	_ =	shalt  }
0x74: {  	_ =	shalt  }
0x75: {  	_ =	shalt  }
0x76: {  	_ =	shalt  }
0x77: {  	_ =	shalt  }
0x78: {  	_ =	shalt  }
0x79: {  	_ =	shalt  }
0x7a: {  	_ =	shalt  }
0x7b: {  	_ =	shalt  }
0x7c: {  	_ =	shalt  }
0x7d: {  	_ =	shalt  }
0x7e: {  	_ =	shalt  }
0x7f: {  	_ =	shalt  }
0x80: {  	_ =	shalt  }
0x81: {  	_ =	shalt  }
0x82: {  	_ =	shalt  }
0x83: {  	_ =	shalt  }
0x84: {  	_ =	shalt  }
0x85: {  	_ =	shalt  }
0x86: {  	_ =	shalt  }
0x87: {  	_ =	shalt  }
.Lfunc_end0:
.L_simem_size_0:
called_computation_lowered:
.L_overlay_start_0:
0x88: {  	s2 =	sld [smem:$0x3FD9]  }
0x89: {  	s3 =	sld [smem:$0x3FFE];
	_ =	sdelay $0x1  }
0x8a: {  	s1 =	srdreg.scid  }
0x8b: {  	s0 =	sand.u32 $0x1, s1  }
0x8c: {  	s17 =	sshll.u32 s0, $0xA;
	s2 =	sadd.s32 s3, s2  }
0x8d: {  	s2 =	sadd.s32 s2, s17  }
0x8e: {  	[smem:$0x3FC1] =	sst s2  }
0x8f: {  	_ = 	snop  }
0x90: {  	s2 =	sld [smem:$0x3FC9];
	(tm) =	ssettm $0x1  }
0x91: {  	s18 =	sld [smem:$0x3FFB];
	_ =	sdelay $0x3  }
0x92: {  	_ =	strace s18  }
0x93: {  	s3 =	sld [smem:$0x3FFC];
	_ =	sdelay $0x3  }
0x94: {  	_ =	strace s3  }
0x95: {  	s3 =	sld [smem:$0x3FFD];
	_ =	sdelay $0x3  }
0x96: {  	_ =	strace s3  }
0x97: {  	_ =	strace $0x8FFFFFFF  }
0x98: {  	s19 =	sld [smem:$0x3FDB];
	_ =	sdelay $0x1  }
0x99: {  	s4 =	simm.s32 $_scs_section_size  }
0x9a: {  	s5 =	simm.s32 $_size__tile_overlayer_lowered;
	s6 =	simm.s32 $_tile_overlayer_lowered  }
0x9b: {  	s22 =	simm.s32 $0x1BFF;
	s21 =	sshll.u32 s6, $0x1;
	s3 =	sadd.s32 s4, s19  }
0x9c: {  	s7 =	simm.s32 $0x0;
	s20 =	sshll.u32 s5, $0x1;
	s5 =	sadd.s32 s21, s3  }
0x9d: {  	[timem:s7], [sflag:s22] =	dma.local [hbm:s5], s20  }
0x9e: {  	_ =	swait.ge [sflag:s22], s20  }
0x9f: {  	s4 =	ssub.s32 $0x0, s20;
	[sflag:s22] =	ssyncset.done $0x0  }
0xa0: {  	[sflag:s22] =	ssyncadd.s32 s4;
	_ =	sdelay $0x1  }
0xa1: {  	s23 =	simm.s32 $0x1B8B  }
0xa2: {  	_ =	swait.ge [sflag:s23], $0x1  }
0xa3: {  	[sflag:s23] =	ssyncset.done $0x0  }
0xa4: {  	s25 =	simm.s32 $0x1B8E;
	s24 =	sld [smem:$0x3FFE];
	[sflag:s23] =	ssyncadd.s32 $0xFFFFFFFF  }
0xa5: {  	s26 =	simm.s32 $execute0_lowered;
	[smem:$0x3FD2] =	sst s25  }
0xa6: {  	s5 =	sshll.u32 s26, $0x1;
	_ =	strace $0x80000046;
	[dreg:$0x1] =	wrdreg $0xFFFFFFFF  }
0xa7: {  	s28 =	simm.s32 $_size_execute0_lowered;
	s3 =	sadd.s32 s3, s5;
	[dreg:$0x0] =	wrdreg $0x0  }
0xa8: {  	s5 =	sshll.u32 s28, $0x1;
	[dreg:$0x2] =	wrdreg s3  }
0xa9: {  	[dreg:$0x3] =	wrdreg s5  }
0xaa: {  	[dreg:$0x4] =	wrdreg $0xC0  }
0xab: {  	_ =	task [dreg:s7], $0x5FFFF  }
0xac: {  	[dreg:$0x1] =	wrdreg $0xFFFFFFFF  }
0xad: {  	[dreg:$0x0] =	wrdreg $0x60  }
0xae: {  	[dreg:$0x2] =	wrdreg s2  }
0xaf: {  	[dreg:$0x3] =	wrdreg s24  }
0xb0: {  	[dreg:$0x4] =	wrdreg $0x9  }
0xb1: {  	_ =	task.clear_ibuf [dreg:s7], $0x5FFFF;
	_ =	strace $0x90000046  }
0xb2: {  	s29 =	simm.s32 $0x9;
	_ =	strace $0x80000048  }
0xb3: {  	_ =	swait.ge [sflag:s29], $0x1  }
0xb4: {  	[sflag:s29] =	ssyncadd.s32 $0xFFFFFFFF  }
0xb5: {  	_ =	strace $0x90000048  }
0xb6: {  	_ =	sfence  }
0xb7: {  	s30 =	sld [smem:$0x0];
	_ =	sdelay $0x2  }
0xb8: {  	s31 =	sshll.u32 s1, $0xD;
	s1 =	sshrl.u32 s1, $0x2  }
0xb9: {  	s3 =	sand.u32 $0x4000, s31;
	s1 =	sadd.s32 s1, s30  }
0xba: {  	s0 =	sor.u32 s3, s0;
	s1 =	sshll.u32 s1, $0x11  }
0xbb: {  	s0 =	sor.u32 s1, s0  }
0xbc: {  	s0 =	sadd.s32 $0x8F2B, s0  }
0xbd: {  	[sflag:s0] =	ssyncadd.remote.s32 $0x1  }
0xbe: {  	_ =	sfence.sel $0xFFFF  }
0xbf: {  	[dreg:$0x0] =	wrdreg $0xFFFFFFFF;
	(pc) =	sbr.abs _section_cstart, $3  }
0xc0: {  	[dreg:$0x1] =	wrdreg $0xFFFFFFFF  }
0xc1: {  	_ =	task.clear_ibuf [dreg:s7], $0x2FFFF;
	_ =	strace $0x9FFFFFFF  }
0xc2: {  	(tm) =	ssettm $0x7FFFFFFF  }
0xc3: {  	_ =	shalt  }
tec
execute0_lowered:
.L_overlay_start_1:
0x0: {  	(tag) =	ssettag $0x1  }
0x1: {  	s0 =	rddreg [dreg:$0x0]  }
0x2: {  	s1 =	rddreg [dreg:$0x1];
	s2 =	simm.s32 $0x0;
	s3 =	srdreg.scid  }
0x3: {  	s4 =	stileid.u32;
	[smem:$0x7FF] =	sst s2  }
0x4: {  	s3 =	sand.u32 $0x1, s3;
	s4 =	sshll.u32 s4, $0x7;
	s6 =	sadd.s32 $0xE00, s1  }
0x5: {  	_ =	strace $0x80000047;
	s5 =	sshll.u32 s3, $0x6;
	s7 =	ssub.s32 $0x2, s3  }
0x6: {  	s3 =	sadd.s32 $0x80E00, s1;
	s4 =	sor.u32 s5, s4;
	s25 =	sshrl.u32 s7, $0x1  }
0x7: {  	s5 =	sadd.s32 $0x81000, s1;
	s8 =	smul.u32 $0x300, s4;
	s7 =	ssub.s32 s7, s25  }
0x8: {  	s26 =	sadd.s32 s6, s4;
	s9 =	sor.u32 $0x8, s4;
	s31 =	sor.u32 $0x10, s4  }
0x9: {  	s12 =	sor.u32 $0x18, s4;
	[dreg:$0x3] =	wrdreg s26;
	s30 =	sadd.s32 s6, s9  }
0xa: {  	s16 =	sor.u32 $0x20, s4;
	s11 =	sadd.s32 s6, s31;
	[dreg:$0x5] =	wrdreg s30  }
0xb: {  	s20 =	sor.u32 $0x28, s4;
	s15 =	sadd.s32 s6, s12;
	[dreg:$0x7] =	wrdreg s11  }
0xc: {  	s24 =	sor.u32 $0x30, s4;
	s19 =	sadd.s32 s6, s16;
	[dreg:$0x9] =	wrdreg s15  }
0xd: {  	s29 =	smul.u32 $0x300, s9;
	s23 =	sadd.s32 s6, s20;
	[dreg:$0xb] =	wrdreg s19  }
0xe: {  	s10 =	smul.u32 $0x300, s31;
	s28 =	sadd.s32 s0, s8;
	[dreg:$0xd] =	wrdreg s23  }
0xf: {  	s14 =	smul.u32 $0x300, s12;
	[dreg:$0x4] =	wrdreg s28;
	s8 =	sadd.s32 s0, s29  }
0x10: {  	s18 =	smul.u32 $0x300, s16;
	s13 =	sadd.s32 s0, s10;
	[dreg:$0x6] =	wrdreg s8  }
0x11: {  	s22 =	smul.u32 $0x300, s20;
	s17 =	sadd.s32 s0, s14;
	[dreg:$0x8] =	wrdreg s13  }
0x12: {  	s26 =	smul.u32 $0x300, s24;
	s21 =	sadd.s32 s0, s18;
	[dreg:$0xa] =	wrdreg s17  }
0x13: {  	s12 =	simm.s32 $0x2;
	s25 =	sadd.s32 s0, s22;
	[dreg:$0xc] =	wrdreg s21  }
0x14: {  	s28 =	sadd.s32 s6, s24;
	s29 =	sor.u32 $0x38, s4;
	[dreg:$0xe] =	wrdreg s25  }
0x15: {  	s30 =	sadd.s32 s0, s26;
	[dreg:$0xf] =	wrdreg s28;
	s31 =	smul.u32 $0x300, s29  }
0x16: {  	v2 =	vlaneseq.u32;
	s11 =	simm.s32 $0x3;
	[dreg:$0x10] =	wrdreg s30;
	s6 =	sadd.s32 s6, s29  }
0x17: {  	vm0 =	vmmov $0xffff;
	v1 =	vshrl.u32 v2, $0x3;
	s4 =	sadd.s32 $0x80F00, s1;
	[dreg:$0x11] =	wrdreg s6;
	s0 =	sadd.s32 s0, s31  }
0x18: {  	v0 =	vand.u32 $0x7, v2;
	v2 =	vor.u32 $0x8, v2;
	v1 =	vmul.u32 $0x8, v1;
	s10 =	simm.s32 $0x1;
	s6 =	smax.u32 s7, $0x1;
	[dreg:$0x12] =	wrdreg s0  }
.LBB2_1:
0x19: {  	s15 =	rddreg [dreg:$0x3]  }
0x1a: {  	[tilespmem:s2], [sflag:$0x1] =	stream.linear.gather [hbm4b:s15+s2], $0x40, $0x38;
	[tilespmem:$0x18100] =	vst v63  }
0x1b: {  	s16 =	rddreg [dreg:$0x4];
	s9 =	simm.s32 $0x100  }
0x1c: {  	[tilespmem:s9], [sflag:$0x1] =	stream.linear.gather [hbm4b:s16+s2], $0xC000, $0x38;
	[tilespmem:$0x18100] =	vst v63  }
0x1d: {  	s1 =	rddreg [dreg:$0x5];
	s0 =	simm.s32 $0x80  }
0x1e: {  	[tilespmem:s0], [sflag:$0x2] =	stream.linear.gather [hbm4b:s1+s2], $0x40, $0x38;
	[tilespmem:$0x18100] =	vst v63  }
0x1f: {  	s7 =	rddreg [dreg:$0x6];
	s8 =	simm.s32 $0xC100  }
0x20: {  	[tilespmem:s8], [sflag:$0x2] =	stream.linear.gather [hbm4b:s7+s2], $0xC000, $0x38;
	[tilespmem:$0x18100] =	vst v63  }
0x21: {  	_ =	swait.ge [sflag:s10], $0x40  }
0x22: {  	[sflag:s10] =	ssyncset.done $0x0  }
0x23: {  	[sflag:s10] =	ssyncadd.s32 $0xFFFFFFC0  }
0x24: {  	_ =	swait.ge [sflag:s10], $0xC000  }
0x25: {  	[sflag:s10] =	ssyncset.done $0x0  }
0x26: {  	[sflag:s10] =	ssyncadd.s32 $0xFFFF4000  }
0x27: {  	v3 =	vld [tilespmem:$0x0];
	_ =	sdelay $0x4  }
0x28: {  	v4 =	vshrl.u32 v3, $0x3  }
0x29: {  	v4 =	vmul.u32 $0x30, v4  }
0x2a: {  	v3 =	vand.u32 $0x7, v3  }
0x2b: {  	v3 =	vor.u32 v3, v4  }
0x2c: {  	v4 =	vperm.xlane v3, v0;
	_ =	sdelay $0x1  }
0x2d: {  	v4 =	vadd.s32 v1, v4;
	_ =	sdelay $0x3  }
0x2e: {  	v3 =	vperm.xlane v3, v2  }
0x2f: {  	[hbm4b:s3+s2] =	stream.indirect_vreg.scatter [tilespmem:s9], [sflag:$0x3], $0x80, v4, vm0, $0xb8;
	[tilespmem:$0x18100] =	vst v63  }
0x30: {  	s13 =	simm.s32 $0x900;
	v3 =	vadd.s32 v1, v3  }
0x31: {  	[hbm4b:s4+s2] =	stream.indirect_vreg.scatter [tilespmem:s13], [sflag:$0x3], $0x80, v4, vm0, $0xb8;
	[tilespmem:$0x18100] =	vst v63  }
0x32: {  	s14 =	simm.s32 $0x1100  }
0x33: {  	[hbm4b:s5+s2] =	stream.indirect_vreg.scatter [tilespmem:s14], [sflag:$0x3], $0x80, v4, vm0, $0xb8;
	[tilespmem:$0x18100] =	vst v63  }
0x34: {  	s15 =	simm.s32 $0x1900  }
0x35: {  	[hbm4b:s3+s2] =	stream.indirect_vreg.scatter [tilespmem:s15], [sflag:$0x3], $0x80, v3, vm0, $0xb8;
	[tilespmem:$0x18100] =	vst v63  }
0x36: {  	s16 =	simm.s32 $0x2100  }
0x37: {  	[hbm4b:s4+s2] =	stream.indirect_vreg.scatter [tilespmem:s16], [sflag:$0x3], $0x80, v3, vm0, $0xb8;
	[tilespmem:$0x18100] =	vst v63  }
0x38: {  	s17 =	simm.s32 $0x2900  }
0x39: {  	[hbm4b:s5+s2] =	stream.indirect_vreg.scatter [tilespmem:s17], [sflag:$0x3], $0x80, v3, vm0, $0xb8;
	[tilespmem:$0x18100] =	vst v63  }
0x3a: {  	v3 =	vld [tilespmem:$0x10];
	_ =	sdelay $0x4  }
0x3b: {  	v33 =	vshrl.u32 v3, $0x3  }
0x3c: {  	v4 =	vmul.u32 $0x30, v33  }
0x3d: {  	v3 =	vand.u32 $0x7, v3  }
0x3e: {  	v3 =	vor.u32 v3, v4  }
0x3f: {  	v4 =	vperm.xlane v3, v0;
	_ =	sdelay $0x1  }
0x40: {  	v4 =	vadd.s32 v1, v4;
	_ =	sdelay $0x3  }
0x41: {  	s18 =	simm.s32 $0x3100;
	v3 =	vperm.xlane v3, v2  }
0x42: {  	[hbm4b:s3+s2] =	stream.indirect_vreg.scatter [tilespmem:s18], [sflag:$0x3], $0x80, v4, vm0, $0xb8;
	[tilespmem:$0x18100] =	vst v63  }
0x43: {  	s19 =	simm.s32 $0x3900;
	v3 =	vadd.s32 v1, v3  }
0x44: {  	[hbm4b:s4+s2] =	stream.indirect_vreg.scatter [tilespmem:s19], [sflag:$0x3], $0x80, v4, vm0, $0xb8;
	[tilespmem:$0x18100] =	vst v63  }
0x45: {  	s20 =	simm.s32 $0x4100  }
0x46: {  	[hbm4b:s5+s2] =	stream.indirect_vreg.scatter [tilespmem:s20], [sflag:$0x3], $0x80, v4, vm0, $0xb8;
	[tilespmem:$0x18100] =	vst v63  }
0x47: {  	s21 =	simm.s32 $0x4900  }
0x48: {  	[hbm4b:s3+s2] =	stream.indirect_vreg.scatter [tilespmem:s21], [sflag:$0x3], $0x80, v3, vm0, $0xb8;
	[tilespmem:$0x18100] =	vst v63  }
0x49: {  	s22 =	simm.s32 $0x5100  }
0x4a: {  	[hbm4b:s4+s2] =	stream.indirect_vreg.scatter [tilespmem:s22], [sflag:$0x3], $0x80, v3, vm0, $0xb8;
	[tilespmem:$0x18100] =	vst v63  }
0x4b: {  	s23 =	simm.s32 $0x5900  }
0x4c: {  	[hbm4b:s5+s2] =	stream.indirect_vreg.scatter [tilespmem:s23], [sflag:$0x3], $0x80, v3, vm0, $0xb8;
	[tilespmem:$0x18100] =	vst v63  }
0x4d: {  	v3 =	vld [tilespmem:$0x20];
	_ =	sdelay $0x4  }
0x4e: {  	v34 =	vshrl.u32 v3, $0x3  }
0x4f: {  	v4 =	vmul.u32 $0x30, v34  }
0x50: {  	v3 =	vand.u32 $0x7, v3  }
0x51: {  	v3 =	vor.u32 v3, v4  }
0x52: {  	v4 =	vperm.xlane v3, v0;
	_ =	sdelay $0x1  }
0x53: {  	v4 =	vadd.s32 v1, v4;
	_ =	sdelay $0x3  }
0x54: {  	s24 =	simm.s32 $0x6100;
	v3 =	vperm.xlane v3, v2  }
0x55: {  	[hbm4b:s3+s2] =	stream.indirect_vreg.scatter [tilespmem:s24], [sflag:$0x3], $0x80, v4, vm0, $0xb8;
	[tilespmem:$0x18100] =	vst v63  }
0x56: {  	s25 =	simm.s32 $0x6900;
	v3 =	vadd.s32 v1, v3  }
0x57: {  	[hbm4b:s4+s2] =	stream.indirect_vreg.scatter [tilespmem:s25], [sflag:$0x3], $0x80, v4, vm0, $0xb8;
	[tilespmem:$0x18100] =	vst v63  }
0x58: {  	s26 =	simm.s32 $0x7100  }
0x59: {  	[hbm4b:s5+s2] =	stream.indirect_vreg.scatter [tilespmem:s26], [sflag:$0x3], $0x80, v4, vm0, $0xb8;
	[tilespmem:$0x18100] =	vst v63  }
0x5a: {  	s28 =	simm.s32 $0x7900  }
0x5b: {  	[hbm4b:s3+s2] =	stream.indirect_vreg.scatter [tilespmem:s28], [sflag:$0x3], $0x80, v3, vm0, $0xb8;
	[tilespmem:$0x18100] =	vst v63  }
0x5c: {  	s29 =	simm.s32 $0x8100  }
0x5d: {  	[hbm4b:s4+s2] =	stream.indirect_vreg.scatter [tilespmem:s29], [sflag:$0x3], $0x80, v3, vm0, $0xb8;
	[tilespmem:$0x18100] =	vst v63  }
0x5e: {  	s30 =	simm.s32 $0x8900  }
0x5f: {  	[hbm4b:s5+s2] =	stream.indirect_vreg.scatter [tilespmem:s30], [sflag:$0x3], $0x80, v3, vm0, $0xb8;
	[tilespmem:$0x18100] =	vst v63  }
0x60: {  	v3 =	vld [tilespmem:$0x30];
	_ =	sdelay $0x4  }
0x61: {  	v35 =	vshrl.u32 v3, $0x3  }
0x62: {  	v4 =	vmul.u32 $0x30, v35  }
0x63: {  	v3 =	vand.u32 $0x7, v3  }
0x64: {  	v3 =	vor.u32 v3, v4  }
0x65: {  	v4 =	vperm.xlane v3, v0;
	_ =	sdelay $0x1  }
0x66: {  	v4 =	vadd.s32 v1, v4;
	_ =	sdelay $0x3  }
0x67: {  	s31 =	simm.s32 $0x9100;
	v3 =	vperm.xlane v3, v2  }
0x68: {  	[hbm4b:s3+s2] =	stream.indirect_vreg.scatter [tilespmem:s31], [sflag:$0x3], $0x80, v4, vm0, $0xb8;
	[tilespmem:$0x18100] =	vst v63  }
0x69: {  	s8 =	simm.s32 $0x9900;
	v3 =	vadd.s32 v1, v3  }
0x6a: {  	[hbm4b:s4+s2] =	stream.indirect_vreg.scatter [tilespmem:s8], [sflag:$0x3], $0x80, v4, vm0, $0xb8;
	[tilespmem:$0x18100] =	vst v63  }
0x6b: {  	s15 =	simm.s32 $0xA100  }
0x6c: {  	[hbm4b:s5+s2] =	stream.indirect_vreg.scatter [tilespmem:s15], [sflag:$0x3], $0x80, v4, vm0, $0xb8;
	[tilespmem:$0x18100] =	vst v63  }
0x6d: {  	s16 =	simm.s32 $0xA900  }
0x6e: {  	[hbm4b:s3+s2] =	stream.indirect_vreg.scatter [tilespmem:s16], [sflag:$0x3], $0x80, v3, vm0, $0xb8;
	[tilespmem:$0x18100] =	vst v63  }
0x6f: {  	s17 =	simm.s32 $0xB100  }
0x70: {  	[hbm4b:s4+s2] =	stream.indirect_vreg.scatter [tilespmem:s17], [sflag:$0x3], $0x80, v3, vm0, $0xb8;
	[tilespmem:$0x18100] =	vst v63  }
0x71: {  	s18 =	simm.s32 $0xB900  }
0x72: {  	[hbm4b:s5+s2] =	stream.indirect_vreg.scatter [tilespmem:s18], [sflag:$0x3], $0x80, v3, vm0, $0xb8;
	[tilespmem:$0x18100] =	vst v63  }
0x73: {  	_ =	swait.ge [sflag:s11], $0xC000  }
0x74: {  	[sflag:s11] =	ssyncset.done $0x0  }
0x75: {  	s21 =	rddreg [dreg:$0x7];
	[sflag:s11] =	ssyncadd.s32 $0xFFFF4000  }
0x76: {  	[tilespmem:s2], [sflag:$0x1] =	stream.linear.gather [hbm4b:s21+s2], $0x40, $0x38;
	[tilespmem:$0x18100] =	vst v63  }
0x77: {  	s22 =	rddreg [dreg:$0x8]  }
0x78: {  	[tilespmem:s9], [sflag:$0x1] =	stream.linear.gather [hbm4b:s22+s2], $0xC000, $0x38;
	[tilespmem:$0x18100] =	vst v63  }
0x79: {  	_ =	swait.ge [sflag:s12], $0x40  }
0x7a: {  	[sflag:s12] =	ssyncset.done $0x0  }
0x7b: {  	[sflag:s12] =	ssyncadd.s32 $0xFFFFFFC0  }
0x7c: {  	_ =	swait.ge [sflag:s12], $0xC000  }
0x7d: {  	[sflag:s12] =	ssyncset.done $0x0  }
0x7e: {  	[sflag:s12] =	ssyncadd.s32 $0xFFFF4000  }
0x7f: {  	v3 =	vld [tilespmem:$0x80];
	_ =	sdelay $0x4  }
0x80: {  	v36 =	vshrl.u32 v3, $0x3  }
0x81: {  	v4 =	vmul.u32 $0x30, v36  }
0x82: {  	v3 =	vand.u32 $0x7, v3  }
0x83: {  	v3 =	vor.u32 v3, v4  }
0x84: {  	v4 =	vperm.xlane v3, v0;
	_ =	sdelay $0x1  }
0x85: {  	v4 =	vadd.s32 v1, v4;
	_ =	sdelay $0x3  }
0x86: {  	s7 =	simm.s32 $0xC100;
	v3 =	vperm.xlane v3, v2  }
0x87: {  	[hbm4b:s3+s2] =	stream.indirect_vreg.scatter [tilespmem:s7], [sflag:$0x3], $0x80, v4, vm0, $0xb8;
	[tilespmem:$0x18100] =	vst v63  }
0x88: {  	s25 =	simm.s32 $0xC900;
	v3 =	vadd.s32 v1, v3  }
0x89: {  	[hbm4b:s4+s2] =	stream.indirect_vreg.scatter [tilespmem:s25], [sflag:$0x3], $0x80, v4, vm0, $0xb8;
	[tilespmem:$0x18100] =	vst v63  }
0x8a: {  	s26 =	simm.s32 $0xD100  }
0x8b: {  	[hbm4b:s5+s2] =	stream.indirect_vreg.scatter [tilespmem:s26], [sflag:$0x3], $0x80, v4, vm0, $0xb8;
	[tilespmem:$0x18100] =	vst v63  }
0x8c: {  	s28 =	simm.s32 $0xD900  }
0x8d: {  	[hbm4b:s3+s2] =	stream.indirect_vreg.scatter [tilespmem:s28], [sflag:$0x3], $0x80, v3, vm0, $0xb8;
	[tilespmem:$0x18100] =	vst v63  }
0x8e: {  	s30 =	simm.s32 $0xE100  }
0x8f: {  	[hbm4b:s4+s2] =	stream.indirect_vreg.scatter [tilespmem:s30], [sflag:$0x3], $0x80, v3, vm0, $0xb8;
	[tilespmem:$0x18100] =	vst v63  }
0x90: {  	s31 =	simm.s32 $0xE900  }
0x91: {  	[hbm4b:s5+s2] =	stream.indirect_vreg.scatter [tilespmem:s31], [sflag:$0x3], $0x80, v3, vm0, $0xb8;
	[tilespmem:$0x18100] =	vst v63  }
0x92: {  	v3 =	vld [tilespmem:$0x90];
	_ =	sdelay $0x4  }
0x93: {  	v37 =	vshrl.u32 v3, $0x3  }
0x94: {  	v4 =	vmul.u32 $0x30, v37  }
0x95: {  	v3 =	vand.u32 $0x7, v3  }
0x96: {  	v3 =	vor.u32 v3, v4  }
0x97: {  	v4 =	vperm.xlane v3, v0;
	_ =	sdelay $0x1  }
0x98: {  	v4 =	vadd.s32 v1, v4;
	_ =	sdelay $0x3  }
0x99: {  	s8 =	simm.s32 $0xF100;
	v3 =	vperm.xlane v3, v2  }
0x9a: {  	[hbm4b:s3+s2] =	stream.indirect_vreg.scatter [tilespmem:s8], [sflag:$0x3], $0x80, v4, vm0, $0xb8;
	[tilespmem:$0x18100] =	vst v63  }
0x9b: {  	s15 =	simm.s32 $0xF900;
	v3 =	vadd.s32 v1, v3  }
0x9c: {  	[hbm4b:s4+s2] =	stream.indirect_vreg.scatter [tilespmem:s15], [sflag:$0x3], $0x80, v4, vm0, $0xb8;
	[tilespmem:$0x18100] =	vst v63  }
0x9d: {  	s16 =	simm.s32 $0x10100  }
0x9e: {  	[hbm4b:s5+s2] =	stream.indirect_vreg.scatter [tilespmem:s16], [sflag:$0x3], $0x80, v4, vm0, $0xb8;
	[tilespmem:$0x18100] =	vst v63  }
0x9f: {  	s17 =	simm.s32 $0x10900  }
0xa0: {  	[hbm4b:s3+s2] =	stream.indirect_vreg.scatter [tilespmem:s17], [sflag:$0x3], $0x80, v3, vm0, $0xb8;
	[tilespmem:$0x18100] =	vst v63  }
0xa1: {  	s18 =	simm.s32 $0x11100  }
0xa2: {  	[hbm4b:s4+s2] =	stream.indirect_vreg.scatter [tilespmem:s18], [sflag:$0x3], $0x80, v3, vm0, $0xb8;
	[tilespmem:$0x18100] =	vst v63  }
0xa3: {  	s21 =	simm.s32 $0x11900  }
0xa4: {  	[hbm4b:s5+s2] =	stream.indirect_vreg.scatter [tilespmem:s21], [sflag:$0x3], $0x80, v3, vm0, $0xb8;
	[tilespmem:$0x18100] =	vst v63  }
0xa5: {  	v3 =	vld [tilespmem:$0xA0];
	_ =	sdelay $0x4  }
0xa6: {  	v38 =	vshrl.u32 v3, $0x3  }
0xa7: {  	v4 =	vmul.u32 $0x30, v38  }
0xa8: {  	v3 =	vand.u32 $0x7, v3  }
0xa9: {  	v3 =	vor.u32 v3, v4  }
0xaa: {  	v4 =	vperm.xlane v3, v0;
	_ =	sdelay $0x1  }
0xab: {  	v4 =	vadd.s32 v1, v4;
	_ =	sdelay $0x3  }
0xac: {  	s22 =	simm.s32 $0x12100;
	v3 =	vperm.xlane v3, v2  }
0xad: {  	[hbm4b:s3+s2] =	stream.indirect_vreg.scatter [tilespmem:s22], [sflag:$0x3], $0x80, v4, vm0, $0xb8;
	[tilespmem:$0x18100] =	vst v63  }
0xae: {  	s25 =	simm.s32 $0x12900;
	v3 =	vadd.s32 v1, v3  }
0xaf: {  	[hbm4b:s4+s2] =	stream.indirect_vreg.scatter [tilespmem:s25], [sflag:$0x3], $0x80, v4, vm0, $0xb8;
	[tilespmem:$0x18100] =	vst v63  }
0xb0: {  	s26 =	simm.s32 $0x13100  }
0xb1: {  	[hbm4b:s5+s2] =	stream.indirect_vreg.scatter [tilespmem:s26], [sflag:$0x3], $0x80, v4, vm0, $0xb8;
	[tilespmem:$0x18100] =	vst v63  }
0xb2: {  	s28 =	simm.s32 $0x13900  }
0xb3: {  	[hbm4b:s3+s2] =	stream.indirect_vreg.scatter [tilespmem:s28], [sflag:$0x3], $0x80, v3, vm0, $0xb8;
	[tilespmem:$0x18100] =	vst v63  }
0xb4: {  	s30 =	simm.s32 $0x14100  }
0xb5: {  	[hbm4b:s4+s2] =	stream.indirect_vreg.scatter [tilespmem:s30], [sflag:$0x3], $0x80, v3, vm0, $0xb8;
	[tilespmem:$0x18100] =	vst v63  }
0xb6: {  	s31 =	simm.s32 $0x14900  }
0xb7: {  	[hbm4b:s5+s2] =	stream.indirect_vreg.scatter [tilespmem:s31], [sflag:$0x3], $0x80, v3, vm0, $0xb8;
	[tilespmem:$0x18100] =	vst v63  }
0xb8: {  	v3 =	vld [tilespmem:$0xB0];
	_ =	sdelay $0x4  }
0xb9: {  	v39 =	vshrl.u32 v3, $0x3  }
0xba: {  	v4 =	vmul.u32 $0x30, v39  }
0xbb: {  	v3 =	vand.u32 $0x7, v3  }
0xbc: {  	v3 =	vor.u32 v3, v4  }
0xbd: {  	v4 =	vperm.xlane v3, v0;
	_ =	sdelay $0x1  }
0xbe: {  	v4 =	vadd.s32 v1, v4;
	_ =	sdelay $0x3  }
0xbf: {  	s8 =	simm.s32 $0x15100;
	v3 =	vperm.xlane v3, v2  }
0xc0: {  	[hbm4b:s3+s2] =	stream.indirect_vreg.scatter [tilespmem:s8], [sflag:$0x3], $0x80, v4, vm0, $0xb8;
	[tilespmem:$0x18100] =	vst v63  }
0xc1: {  	s15 =	simm.s32 $0x15900;
	v3 =	vadd.s32 v1, v3  }
0xc2: {  	[hbm4b:s4+s2] =	stream.indirect_vreg.scatter [tilespmem:s15], [sflag:$0x3], $0x80, v4, vm0, $0xb8;
	[tilespmem:$0x18100] =	vst v63  }
0xc3: {  	s16 =	simm.s32 $0x16100  }
0xc4: {  	[hbm4b:s5+s2] =	stream.indirect_vreg.scatter [tilespmem:s16], [sflag:$0x3], $0x80, v4, vm0, $0xb8;
	[tilespmem:$0x18100] =	vst v63  }
0xc5: {  	s17 =	simm.s32 $0x16900  }
0xc6: {  	[hbm4b:s3+s2] =	stream.indirect_vreg.scatter [tilespmem:s17], [sflag:$0x3], $0x80, v3, vm0, $0xb8;
	[tilespmem:$0x18100] =	vst v63  }
0xc7: {  	s18 =	simm.s32 $0x17100  }
0xc8: {  	[hbm4b:s4+s2] =	stream.indirect_vreg.scatter [tilespmem:s18], [sflag:$0x3], $0x80, v3, vm0, $0xb8;
	[tilespmem:$0x18100] =	vst v63  }
0xc9: {  	s21 =	simm.s32 $0x17900  }
0xca: {  	[hbm4b:s5+s2] =	stream.indirect_vreg.scatter [tilespmem:s21], [sflag:$0x3], $0x80, v3, vm0, $0xb8;
	[tilespmem:$0x18100] =	vst v63  }
0xcb: {  	_ =	swait.ge [sflag:s11], $0xC000  }
0xcc: {  	[sflag:s11] =	ssyncset.done $0x0  }
0xcd: {  	s1 =	simm.s32 $0x80;
	s22 =	rddreg [dreg:$0x9];
	[sflag:s11] =	ssyncadd.s32 $0xFFFF4000  }
0xce: {  	[tilespmem:s1], [sflag:$0x2] =	stream.linear.gather [hbm4b:s22+s2], $0x40, $0x38;
	[tilespmem:$0x18100] =	vst v63  }
0xcf: {  	s7 =	simm.s32 $0xC100;
	s25 =	rddreg [dreg:$0xa]  }
0xd0: {  	[tilespmem:s7], [sflag:$0x2] =	stream.linear.gather [hbm4b:s25+s2], $0xC000, $0x38;
	[tilespmem:$0x18100] =	vst v63  }
0xd1: {  	_ =	swait.ge [sflag:s10], $0x40  }
0xd2: {  	[sflag:s10] =	ssyncset.done $0x0  }
0xd3: {  	[sflag:s10] =	ssyncadd.s32 $0xFFFFFFC0  }
0xd4: {  	_ =	swait.ge [sflag:s10], $0xC000  }
0xd5: {  	[sflag:s10] =	ssyncset.done $0x0  }
0xd6: {  	[sflag:s10] =	ssyncadd.s32 $0xFFFF4000  }
0xd7: {  	v3 =	vld [tilespmem:$0x0];
	_ =	sdelay $0x4  }
0xd8: {  	v40 =	vshrl.u32 v3, $0x3  }
0xd9: {  	v4 =	vmul.u32 $0x30, v40  }
0xda: {  	v3 =	vand.u32 $0x7, v3  }
0xdb: {  	v3 =	vor.u32 v3, v4  }
0xdc: {  	v4 =	vperm.xlane v3, v0;
	_ =	sdelay $0x1  }
0xdd: {  	v4 =	vadd.s32 v1, v4;
	_ =	sdelay $0x3  }
0xde: {  	v3 =	vperm.xlane v3, v2  }
0xdf: {  	[hbm4b:s3+s2] =	stream.indirect_vreg.scatter [tilespmem:s9], [sflag:$0x3], $0x80, v4, vm0, $0xb8;
	[tilespmem:$0x18100] =	vst v63  }
0xe0: {  	s26 =	simm.s32 $0x900;
	v3 =	vadd.s32 v1, v3  }
0xe1: {  	[hbm4b:s4+s2] =	stream.indirect_vreg.scatter [tilespmem:s26], [sflag:$0x3], $0x80, v4, vm0, $0xb8;
	[tilespmem:$0x18100] =	vst v63  }
0xe2: {  	s28 =	simm.s32 $0x1100  }
0xe3: {  	[hbm4b:s5+s2] =	stream.indirect_vreg.scatter [tilespmem:s28], [sflag:$0x3], $0x80, v4, vm0, $0xb8;
	[tilespmem:$0x18100] =	vst v63  }
0xe4: {  	s7 =	simm.s32 $0x1900  }
0xe5: {  	[hbm4b:s3+s2] =	stream.indirect_vreg.scatter [tilespmem:s7], [sflag:$0x3], $0x80, v3, vm0, $0xb8;
	[tilespmem:$0x18100] =	vst v63  }
0xe6: {  	s8 =	simm.s32 $0x2100  }
0xe7: {  	[hbm4b:s4+s2] =	stream.indirect_vreg.scatter [tilespmem:s8], [sflag:$0x3], $0x80, v3, vm0, $0xb8;
	[tilespmem:$0x18100] =	vst v63  }
0xe8: {  	s13 =	simm.s32 $0x2900  }
0xe9: {  	[hbm4b:s5+s2] =	stream.indirect_vreg.scatter [tilespmem:s13], [sflag:$0x3], $0x80, v3, vm0, $0xb8;
	[tilespmem:$0x18100] =	vst v63  }
0xea: {  	v3 =	vld [tilespmem:$0x10];
	_ =	sdelay $0x4  }
0xeb: {  	v41 =	vshrl.u32 v3, $0x3  }
0xec: {  	v4 =	vmul.u32 $0x30, v41  }
0xed: {  	v3 =	vand.u32 $0x7, v3  }
0xee: {  	v3 =	vor.u32 v3, v4  }
0xef: {  	v4 =	vperm.xlane v3, v0;
	_ =	sdelay $0x1  }
0xf0: {  	v4 =	vadd.s32 v1, v4;
	_ =	sdelay $0x3  }
0xf1: {  	s14 =	simm.s32 $0x3100;
	v3 =	vperm.xlane v3, v2  }
0xf2: {  	[hbm4b:s3+s2] =	stream.indirect_vreg.scatter [tilespmem:s14], [sflag:$0x3], $0x80, v4, vm0, $0xb8;
	[tilespmem:$0x18100] =	vst v63  }
0xf3: {  	s13 =	simm.s32 $0x3900;
	v3 =	vadd.s32 v1, v3  }
0xf4: {  	[hbm4b:s4+s2] =	stream.indirect_vreg.scatter [tilespmem:s13], [sflag:$0x3], $0x80, v4, vm0, $0xb8;
	[tilespmem:$0x18100] =	vst v63  }
0xf5: {  	s14 =	simm.s32 $0x4100  }
0xf6: {  	[hbm4b:s5+s2] =	stream.indirect_vreg.scatter [tilespmem:s14], [sflag:$0x3], $0x80, v4, vm0, $0xb8;
	[tilespmem:$0x18100] =	vst v63  }
0xf7: {  	s17 =	simm.s32 $0x4900  }
0xf8: {  	[hbm4b:s3+s2] =	stream.indirect_vreg.scatter [tilespmem:s17], [sflag:$0x3], $0x80, v3, vm0, $0xb8;
	[tilespmem:$0x18100] =	vst v63  }
0xf9: {  	s18 =	simm.s32 $0x5100  }
0xfa: {  	[hbm4b:s4+s2] =	stream.indirect_vreg.scatter [tilespmem:s18], [sflag:$0x3], $0x80, v3, vm0, $0xb8;
	[tilespmem:$0x18100] =	vst v63  }
0xfb: {  	s19 =	simm.s32 $0x5900  }
0xfc: {  	[hbm4b:s5+s2] =	stream.indirect_vreg.scatter [tilespmem:s19], [sflag:$0x3], $0x80, v3, vm0, $0xb8;
	[tilespmem:$0x18100] =	vst v63  }
0xfd: {  	v3 =	vld [tilespmem:$0x20];
	_ =	sdelay $0x4  }
0xfe: {  	v42 =	vshrl.u32 v3, $0x3  }
0xff: {  	v4 =	vmul.u32 $0x30, v42  }
0x100: {  	v3 =	vand.u32 $0x7, v3  }
0x101: {  	v3 =	vor.u32 v3, v4  }
0x102: {  	v4 =	vperm.xlane v3, v0;
	_ =	sdelay $0x1  }
0x103: {  	v4 =	vadd.s32 v1, v4;
	_ =	sdelay $0x3  }
0x104: {  	s20 =	simm.s32 $0x6100;
	v3 =	vperm.xlane v3, v2  }
0x105: {  	[hbm4b:s3+s2] =	stream.indirect_vreg.scatter [tilespmem:s20], [sflag:$0x3], $0x80, v4, vm0, $0xb8;
	[tilespmem:$0x18100] =	vst v63  }
0x106: {  	s19 =	simm.s32 $0x6900;
	v3 =	vadd.s32 v1, v3  }
0x107: {  	[hbm4b:s4+s2] =	stream.indirect_vreg.scatter [tilespmem:s19], [sflag:$0x3], $0x80, v4, vm0, $0xb8;
	[tilespmem:$0x18100] =	vst v63  }
0x108: {  	s20 =	simm.s32 $0x7100  }
0x109: {  	[hbm4b:s5+s2] =	stream.indirect_vreg.scatter [tilespmem:s20], [sflag:$0x3], $0x80, v4, vm0, $0xb8;
	[tilespmem:$0x18100] =	vst v63  }
0x10a: {  	s21 =	simm.s32 $0x7900  }
0x10b: {  	[hbm4b:s3+s2] =	stream.indirect_vreg.scatter [tilespmem:s21], [sflag:$0x3], $0x80, v3, vm0, $0xb8;
	[tilespmem:$0x18100] =	vst v63  }
0x10c: {  	s22 =	simm.s32 $0x8100  }
0x10d: {  	[hbm4b:s4+s2] =	stream.indirect_vreg.scatter [tilespmem:s22], [sflag:$0x3], $0x80, v3, vm0, $0xb8;
	[tilespmem:$0x18100] =	vst v63  }
0x10e: {  	s23 =	simm.s32 $0x8900  }
0x10f: {  	[hbm4b:s5+s2] =	stream.indirect_vreg.scatter [tilespmem:s23], [sflag:$0x3], $0x80, v3, vm0, $0xb8;
	[tilespmem:$0x18100] =	vst v63  }
0x110: {  	v3 =	vld [tilespmem:$0x30];
	_ =	sdelay $0x4  }
0x111: {  	v43 =	vshrl.u32 v3, $0x3  }
0x112: {  	v4 =	vmul.u32 $0x30, v43  }
0x113: {  	v3 =	vand.u32 $0x7, v3  }
0x114: {  	v3 =	vor.u32 v3, v4  }
0x115: {  	v4 =	vperm.xlane v3, v0;
	_ =	sdelay $0x1  }
0x116: {  	v4 =	vadd.s32 v1, v4;
	_ =	sdelay $0x3  }
0x117: {  	s24 =	simm.s32 $0x9100;
	v3 =	vperm.xlane v3, v2  }
0x118: {  	[hbm4b:s3+s2] =	stream.indirect_vreg.scatter [tilespmem:s24], [sflag:$0x3], $0x80, v4, vm0, $0xb8;
	[tilespmem:$0x18100] =	vst v63  }
0x119: {  	s23 =	simm.s32 $0x9900;
	v3 =	vadd.s32 v1, v3  }
0x11a: {  	[hbm4b:s4+s2] =	stream.indirect_vreg.scatter [tilespmem:s23], [sflag:$0x3], $0x80, v4, vm0, $0xb8;
	[tilespmem:$0x18100] =	vst v63  }
0x11b: {  	s24 =	simm.s32 $0xA100  }
0x11c: {  	[hbm4b:s5+s2] =	stream.indirect_vreg.scatter [tilespmem:s24], [sflag:$0x3], $0x80, v4, vm0, $0xb8;
	[tilespmem:$0x18100] =	vst v63  }
0x11d: {  	s25 =	simm.s32 $0xA900  }
0x11e: {  	[hbm4b:s3+s2] =	stream.indirect_vreg.scatter [tilespmem:s25], [sflag:$0x3], $0x80, v3, vm0, $0xb8;
	[tilespmem:$0x18100] =	vst v63  }
0x11f: {  	s26 =	simm.s32 $0xB100  }
0x120: {  	[hbm4b:s4+s2] =	stream.indirect_vreg.scatter [tilespmem:s26], [sflag:$0x3], $0x80, v3, vm0, $0xb8;
	[tilespmem:$0x18100] =	vst v63  }
0x121: {  	s29 =	simm.s32 $0xB900  }
0x122: {  	[hbm4b:s5+s2] =	stream.indirect_vreg.scatter [tilespmem:s29], [sflag:$0x3], $0x80, v3, vm0, $0xb8;
	[tilespmem:$0x18100] =	vst v63  }
0x123: {  	_ =	swait.ge [sflag:s11], $0xC000  }
0x124: {  	[sflag:s11] =	ssyncset.done $0x0  }
0x125: {  	s30 =	rddreg [dreg:$0xb];
	[sflag:s11] =	ssyncadd.s32 $0xFFFF4000  }
0x126: {  	[tilespmem:s2], [sflag:$0x1] =	stream.linear.gather [hbm4b:s30+s2], $0x40, $0x38;
	[tilespmem:$0x18100] =	vst v63  }
0x127: {  	s31 =	rddreg [dreg:$0xc]  }
0x128: {  	[tilespmem:s9], [sflag:$0x1] =	stream.linear.gather [hbm4b:s31+s2], $0xC000, $0x38;
	[tilespmem:$0x18100] =	vst v63  }
0x129: {  	_ =	swait.ge [sflag:s12], $0x40  }
0x12a: {  	[sflag:s12] =	ssyncset.done $0x0  }
0x12b: {  	[sflag:s12] =	ssyncadd.s32 $0xFFFFFFC0  }
0x12c: {  	_ =	swait.ge [sflag:s12], $0xC000  }
0x12d: {  	[sflag:s12] =	ssyncset.done $0x0  }
0x12e: {  	[sflag:s12] =	ssyncadd.s32 $0xFFFF4000  }
0x12f: {  	v3 =	vld [tilespmem:$0x80];
	_ =	sdelay $0x4  }
0x130: {  	v44 =	vshrl.u32 v3, $0x3  }
0x131: {  	v4 =	vmul.u32 $0x30, v44  }
0x132: {  	v3 =	vand.u32 $0x7, v3  }
0x133: {  	v3 =	vor.u32 v3, v4  }
0x134: {  	v4 =	vperm.xlane v3, v0;
	_ =	sdelay $0x1  }
0x135: {  	v4 =	vadd.s32 v1, v4;
	_ =	sdelay $0x3  }
0x136: {  	s1 =	simm.s32 $0xC100;
	v3 =	vperm.xlane v3, v2  }
0x137: {  	[hbm4b:s3+s2] =	stream.indirect_vreg.scatter [tilespmem:s1], [sflag:$0x3], $0x80, v4, vm0, $0xb8;
	[tilespmem:$0x18100] =	vst v63  }
0x138: {  	s29 =	simm.s32 $0xC900;
	v3 =	vadd.s32 v1, v3  }
0x139: {  	[hbm4b:s4+s2] =	stream.indirect_vreg.scatter [tilespmem:s29], [sflag:$0x3], $0x80, v4, vm0, $0xb8;
	[tilespmem:$0x18100] =	vst v63  }
0x13a: {  	s28 =	simm.s32 $0xD100  }
0x13b: {  	[hbm4b:s5+s2] =	stream.indirect_vreg.scatter [tilespmem:s28], [sflag:$0x3], $0x80, v4, vm0, $0xb8;
	[tilespmem:$0x18100] =	vst v63  }
0x13c: {  	s30 =	simm.s32 $0xD900  }
0x13d: {  	[hbm4b:s3+s2] =	stream.indirect_vreg.scatter [tilespmem:s30], [sflag:$0x3], $0x80, v3, vm0, $0xb8;
	[tilespmem:$0x18100] =	vst v63  }
0x13e: {  	s31 =	simm.s32 $0xE100  }
0x13f: {  	[hbm4b:s4+s2] =	stream.indirect_vreg.scatter [tilespmem:s31], [sflag:$0x3], $0x80, v3, vm0, $0xb8;
	[tilespmem:$0x18100] =	vst v63  }
0x140: {  	s0 =	simm.s32 $0xE900  }
0x141: {  	[hbm4b:s5+s2] =	stream.indirect_vreg.scatter [tilespmem:s0], [sflag:$0x3], $0x80, v3, vm0, $0xb8;
	[tilespmem:$0x18100] =	vst v63  }
0x142: {  	v3 =	vld [tilespmem:$0x90];
	_ =	sdelay $0x4  }
0x143: {  	v45 =	vshrl.u32 v3, $0x3  }
0x144: {  	v4 =	vmul.u32 $0x30, v45  }
0x145: {  	v3 =	vand.u32 $0x7, v3  }
0x146: {  	v3 =	vor.u32 v3, v4  }
0x147: {  	v4 =	vperm.xlane v3, v0;
	_ =	sdelay $0x1  }
0x148: {  	v4 =	vadd.s32 v1, v4;
	_ =	sdelay $0x3  }
0x149: {  	s16 =	simm.s32 $0xF100;
	v3 =	vperm.xlane v3, v2  }
0x14a: {  	[hbm4b:s3+s2] =	stream.indirect_vreg.scatter [tilespmem:s16], [sflag:$0x3], $0x80, v4, vm0, $0xb8;
	[tilespmem:$0x18100] =	vst v63  }
0x14b: {  	s0 =	simm.s32 $0xF900;
	v3 =	vadd.s32 v1, v3  }
0x14c: {  	[hbm4b:s4+s2] =	stream.indirect_vreg.scatter [tilespmem:s0], [sflag:$0x3], $0x80, v4, vm0, $0xb8;
	[tilespmem:$0x18100] =	vst v63  }
0x14d: {  	s15 =	simm.s32 $0x10100  }
0x14e: {  	[hbm4b:s5+s2] =	stream.indirect_vreg.scatter [tilespmem:s15], [sflag:$0x3], $0x80, v4, vm0, $0xb8;
	[tilespmem:$0x18100] =	vst v63  }
0x14f: {  	s16 =	simm.s32 $0x10900  }
0x150: {  	[hbm4b:s3+s2] =	stream.indirect_vreg.scatter [tilespmem:s16], [sflag:$0x3], $0x80, v3, vm0, $0xb8;
	[tilespmem:$0x18100] =	vst v63  }
0x151: {  	s15 =	simm.s32 $0x11100  }
0x152: {  	[hbm4b:s4+s2] =	stream.indirect_vreg.scatter [tilespmem:s15], [sflag:$0x3], $0x80, v3, vm0, $0xb8;
	[tilespmem:$0x18100] =	vst v63  }
0x153: {  	s16 =	simm.s32 $0x11900  }
0x154: {  	[hbm4b:s5+s2] =	stream.indirect_vreg.scatter [tilespmem:s16], [sflag:$0x3], $0x80, v3, vm0, $0xb8;
	[tilespmem:$0x18100] =	vst v63  }
0x155: {  	v3 =	vld [tilespmem:$0xA0];
	_ =	sdelay $0x4  }
0x156: {  	v46 =	vshrl.u32 v3, $0x3  }
0x157: {  	v4 =	vmul.u32 $0x30, v46  }
0x158: {  	v3 =	vand.u32 $0x7, v3  }
0x159: {  	v3 =	vor.u32 v3, v4  }
0x15a: {  	v4 =	vperm.xlane v3, v0;
	_ =	sdelay $0x1  }
0x15b: {  	v4 =	vadd.s32 v1, v4;
	_ =	sdelay $0x3  }
0x15c: {  	s15 =	simm.s32 $0x12100;
	v3 =	vperm.xlane v3, v2  }
0x15d: {  	[hbm4b:s3+s2] =	stream.indirect_vreg.scatter [tilespmem:s15], [sflag:$0x3], $0x80, v4, vm0, $0xb8;
	[tilespmem:$0x18100] =	vst v63  }
0x15e: {  	s16 =	simm.s32 $0x12900;
	v3 =	vadd.s32 v1, v3  }
0x15f: {  	[hbm4b:s4+s2] =	stream.indirect_vreg.scatter [tilespmem:s16], [sflag:$0x3], $0x80, v4, vm0, $0xb8;
	[tilespmem:$0x18100] =	vst v63  }
0x160: {  	s15 =	simm.s32 $0x13100  }
0x161: {  	[hbm4b:s5+s2] =	stream.indirect_vreg.scatter [tilespmem:s15], [sflag:$0x3], $0x80, v4, vm0, $0xb8;
	[tilespmem:$0x18100] =	vst v63  }
0x162: {  	s16 =	simm.s32 $0x13900  }
0x163: {  	[hbm4b:s3+s2] =	stream.indirect_vreg.scatter [tilespmem:s16], [sflag:$0x3], $0x80, v3, vm0, $0xb8;
	[tilespmem:$0x18100] =	vst v63  }
0x164: {  	s15 =	simm.s32 $0x14100  }
0x165: {  	[hbm4b:s4+s2] =	stream.indirect_vreg.scatter [tilespmem:s15], [sflag:$0x3], $0x80, v3, vm0, $0xb8;
	[tilespmem:$0x18100] =	vst v63  }
0x166: {  	s16 =	simm.s32 $0x14900  }
0x167: {  	[hbm4b:s5+s2] =	stream.indirect_vreg.scatter [tilespmem:s16], [sflag:$0x3], $0x80, v3, vm0, $0xb8;
	[tilespmem:$0x18100] =	vst v63  }
0x168: {  	v3 =	vld [tilespmem:$0xB0];
	_ =	sdelay $0x4  }
0x169: {  	v47 =	vshrl.u32 v3, $0x3  }
0x16a: {  	v4 =	vmul.u32 $0x30, v47  }
0x16b: {  	v3 =	vand.u32 $0x7, v3  }
0x16c: {  	v3 =	vor.u32 v3, v4  }
0x16d: {  	v4 =	vperm.xlane v3, v0;
	_ =	sdelay $0x1  }
0x16e: {  	v4 =	vadd.s32 v1, v4;
	_ =	sdelay $0x3  }
0x16f: {  	s15 =	simm.s32 $0x15100;
	v3 =	vperm.xlane v3, v2  }
0x170: {  	[hbm4b:s3+s2] =	stream.indirect_vreg.scatter [tilespmem:s15], [sflag:$0x3], $0x80, v4, vm0, $0xb8;
	[tilespmem:$0x18100] =	vst v63  }
0x171: {  	s16 =	simm.s32 $0x15900;
	v3 =	vadd.s32 v1, v3  }
0x172: {  	[hbm4b:s4+s2] =	stream.indirect_vreg.scatter [tilespmem:s16], [sflag:$0x3], $0x80, v4, vm0, $0xb8;
	[tilespmem:$0x18100] =	vst v63  }
0x173: {  	s15 =	simm.s32 $0x16100  }
0x174: {  	[hbm4b:s5+s2] =	stream.indirect_vreg.scatter [tilespmem:s15], [sflag:$0x3], $0x80, v4, vm0, $0xb8;
	[tilespmem:$0x18100] =	vst v63  }
0x175: {  	s16 =	simm.s32 $0x16900  }
0x176: {  	[hbm4b:s3+s2] =	stream.indirect_vreg.scatter [tilespmem:s16], [sflag:$0x3], $0x80, v3, vm0, $0xb8;
	[tilespmem:$0x18100] =	vst v63  }
0x177: {  	s15 =	simm.s32 $0x17100  }
0x178: {  	[hbm4b:s4+s2] =	stream.indirect_vreg.scatter [tilespmem:s15], [sflag:$0x3], $0x80, v3, vm0, $0xb8;
	[tilespmem:$0x18100] =	vst v63  }
0x179: {  	s16 =	simm.s32 $0x17900  }
0x17a: {  	[hbm4b:s5+s2] =	stream.indirect_vreg.scatter [tilespmem:s16], [sflag:$0x3], $0x80, v3, vm0, $0xb8;
	[tilespmem:$0x18100] =	vst v63  }
0x17b: {  	_ =	swait.ge [sflag:s11], $0xC000  }
0x17c: {  	[sflag:s11] =	ssyncset.done $0x0  }
0x17d: {  	s0 =	simm.s32 $0x80;
	s15 =	rddreg [dreg:$0xd];
	[sflag:s11] =	ssyncadd.s32 $0xFFFF4000  }
0x17e: {  	[tilespmem:s0], [sflag:$0x2] =	stream.linear.gather [hbm4b:s15+s2], $0x40, $0x38;
	[tilespmem:$0x18100] =	vst v63  }
0x17f: {  	s1 =	simm.s32 $0xC100;
	s16 =	rddreg [dreg:$0xe]  }
0x180: {  	[tilespmem:s1], [sflag:$0x2] =	stream.linear.gather [hbm4b:s16+s2], $0xC000, $0x38;
	[tilespmem:$0x18100] =	vst v63  }
0x181: {  	_ =	swait.ge [sflag:s10], $0x40  }
0x182: {  	[sflag:s10] =	ssyncset.done $0x0  }
0x183: {  	[sflag:s10] =	ssyncadd.s32 $0xFFFFFFC0  }
0x184: {  	_ =	swait.ge [sflag:s10], $0xC000  }
0x185: {  	[sflag:s10] =	ssyncset.done $0x0  }
0x186: {  	[sflag:s10] =	ssyncadd.s32 $0xFFFF4000  }
0x187: {  	v3 =	vld [tilespmem:$0x0];
	_ =	sdelay $0x4  }
0x188: {  	v48 =	vshrl.u32 v3, $0x3  }
0x189: {  	v4 =	vmul.u32 $0x30, v48  }
0x18a: {  	v3 =	vand.u32 $0x7, v3  }
0x18b: {  	v3 =	vor.u32 v3, v4  }
0x18c: {  	v4 =	vperm.xlane v3, v0;
	_ =	sdelay $0x1  }
0x18d: {  	v4 =	vadd.s32 v1, v4;
	_ =	sdelay $0x3  }
0x18e: {  	v3 =	vperm.xlane v3, v2  }
0x18f: {  	[hbm4b:s3+s2] =	stream.indirect_vreg.scatter [tilespmem:s9], [sflag:$0x3], $0x80, v4, vm0, $0xb8;
	[tilespmem:$0x18100] =	vst v63  }
0x190: {  	s15 =	simm.s32 $0x900;
	v3 =	vadd.s32 v1, v3  }
0x191: {  	[hbm4b:s4+s2] =	stream.indirect_vreg.scatter [tilespmem:s15], [sflag:$0x3], $0x80, v4, vm0, $0xb8;
	[tilespmem:$0x18100] =	vst v63  }
0x192: {  	s16 =	simm.s32 $0x1100  }
0x193: {  	[hbm4b:s5+s2] =	stream.indirect_vreg.scatter [tilespmem:s16], [sflag:$0x3], $0x80, v4, vm0, $0xb8;
	[tilespmem:$0x18100] =	vst v63  }
0x194: {  	_ = 	snop  }
0x195: {  	[hbm4b:s3+s2] =	stream.indirect_vreg.scatter [tilespmem:s7], [sflag:$0x3], $0x80, v3, vm0, $0xb8;
	[tilespmem:$0x18100] =	vst v63  }
0x196: {  	_ = 	snop  }
0x197: {  	[hbm4b:s4+s2] =	stream.indirect_vreg.scatter [tilespmem:s8], [sflag:$0x3], $0x80, v3, vm0, $0xb8;
	[tilespmem:$0x18100] =	vst v63  }
0x198: {  	s15 =	simm.s32 $0x2900  }
0x199: {  	[hbm4b:s5+s2] =	stream.indirect_vreg.scatter [tilespmem:s15], [sflag:$0x3], $0x80, v3, vm0, $0xb8;
	[tilespmem:$0x18100] =	vst v63  }
0x19a: {  	v3 =	vld [tilespmem:$0x10];
	_ =	sdelay $0x4  }
0x19b: {  	v49 =	vshrl.u32 v3, $0x3  }
0x19c: {  	v4 =	vmul.u32 $0x30, v49  }
0x19d: {  	v3 =	vand.u32 $0x7, v3  }
0x19e: {  	v3 =	vor.u32 v3, v4  }
0x19f: {  	v4 =	vperm.xlane v3, v0;
	_ =	sdelay $0x1  }
0x1a0: {  	v4 =	vadd.s32 v1, v4;
	_ =	sdelay $0x3  }
0x1a1: {  	s16 =	simm.s32 $0x3100;
	v3 =	vperm.xlane v3, v2  }
0x1a2: {  	[hbm4b:s3+s2] =	stream.indirect_vreg.scatter [tilespmem:s16], [sflag:$0x3], $0x80, v4, vm0, $0xb8;
	[tilespmem:$0x18100] =	vst v63  }
0x1a3: {  	v3 =	vadd.s32 v1, v3  }
0x1a4: {  	[hbm4b:s4+s2] =	stream.indirect_vreg.scatter [tilespmem:s13], [sflag:$0x3], $0x80, v4, vm0, $0xb8;
	[tilespmem:$0x18100] =	vst v63  }
0x1a5: {  	_ = 	snop  }
0x1a6: {  	[hbm4b:s5+s2] =	stream.indirect_vreg.scatter [tilespmem:s14], [sflag:$0x3], $0x80, v4, vm0, $0xb8;
	[tilespmem:$0x18100] =	vst v63  }
0x1a7: {  	_ = 	snop  }
0x1a8: {  	[hbm4b:s3+s2] =	stream.indirect_vreg.scatter [tilespmem:s17], [sflag:$0x3], $0x80, v3, vm0, $0xb8;
	[tilespmem:$0x18100] =	vst v63  }
0x1a9: {  	_ = 	snop  }
0x1aa: {  	[hbm4b:s4+s2] =	stream.indirect_vreg.scatter [tilespmem:s18], [sflag:$0x3], $0x80, v3, vm0, $0xb8;
	[tilespmem:$0x18100] =	vst v63  }
0x1ab: {  	s17 =	simm.s32 $0x5900  }
0x1ac: {  	[hbm4b:s5+s2] =	stream.indirect_vreg.scatter [tilespmem:s17], [sflag:$0x3], $0x80, v3, vm0, $0xb8;
	[tilespmem:$0x18100] =	vst v63  }
0x1ad: {  	v3 =	vld [tilespmem:$0x20];
	_ =	sdelay $0x4  }
0x1ae: {  	v50 =	vshrl.u32 v3, $0x3  }
0x1af: {  	v4 =	vmul.u32 $0x30, v50  }
0x1b0: {  	v3 =	vand.u32 $0x7, v3  }
0x1b1: {  	v3 =	vor.u32 v3, v4  }
0x1b2: {  	v4 =	vperm.xlane v3, v0;
	_ =	sdelay $0x1  }
0x1b3: {  	v4 =	vadd.s32 v1, v4;
	_ =	sdelay $0x3  }
0x1b4: {  	s18 =	simm.s32 $0x6100;
	v3 =	vperm.xlane v3, v2  }
0x1b5: {  	[hbm4b:s3+s2] =	stream.indirect_vreg.scatter [tilespmem:s18], [sflag:$0x3], $0x80, v4, vm0, $0xb8;
	[tilespmem:$0x18100] =	vst v63  }
0x1b6: {  	v3 =	vadd.s32 v1, v3  }
0x1b7: {  	[hbm4b:s4+s2] =	stream.indirect_vreg.scatter [tilespmem:s19], [sflag:$0x3], $0x80, v4, vm0, $0xb8;
	[tilespmem:$0x18100] =	vst v63  }
0x1b8: {  	_ = 	snop  }
0x1b9: {  	[hbm4b:s5+s2] =	stream.indirect_vreg.scatter [tilespmem:s20], [sflag:$0x3], $0x80, v4, vm0, $0xb8;
	[tilespmem:$0x18100] =	vst v63  }
0x1ba: {  	_ = 	snop  }
0x1bb: {  	[hbm4b:s3+s2] =	stream.indirect_vreg.scatter [tilespmem:s21], [sflag:$0x3], $0x80, v3, vm0, $0xb8;
	[tilespmem:$0x18100] =	vst v63  }
0x1bc: {  	_ = 	snop  }
0x1bd: {  	[hbm4b:s4+s2] =	stream.indirect_vreg.scatter [tilespmem:s22], [sflag:$0x3], $0x80, v3, vm0, $0xb8;
	[tilespmem:$0x18100] =	vst v63  }
0x1be: {  	s22 =	simm.s32 $0x8900  }
0x1bf: {  	[hbm4b:s5+s2] =	stream.indirect_vreg.scatter [tilespmem:s22], [sflag:$0x3], $0x80, v3, vm0, $0xb8;
	[tilespmem:$0x18100] =	vst v63  }
0x1c0: {  	v3 =	vld [tilespmem:$0x30];
	_ =	sdelay $0x4  }
0x1c1: {  	v51 =	vshrl.u32 v3, $0x3  }
0x1c2: {  	v4 =	vmul.u32 $0x30, v51  }
0x1c3: {  	v3 =	vand.u32 $0x7, v3  }
0x1c4: {  	v3 =	vor.u32 v3, v4  }
0x1c5: {  	v4 =	vperm.xlane v3, v0;
	_ =	sdelay $0x1  }
0x1c6: {  	v4 =	vadd.s32 v1, v4;
	_ =	sdelay $0x3  }
0x1c7: {  	s7 =	simm.s32 $0x9100;
	v3 =	vperm.xlane v3, v2  }
0x1c8: {  	[hbm4b:s3+s2] =	stream.indirect_vreg.scatter [tilespmem:s7], [sflag:$0x3], $0x80, v4, vm0, $0xb8;
	[tilespmem:$0x18100] =	vst v63  }
0x1c9: {  	v3 =	vadd.s32 v1, v3  }
0x1ca: {  	[hbm4b:s4+s2] =	stream.indirect_vreg.scatter [tilespmem:s23], [sflag:$0x3], $0x80, v4, vm0, $0xb8;
	[tilespmem:$0x18100] =	vst v63  }
0x1cb: {  	_ = 	snop  }
0x1cc: {  	[hbm4b:s5+s2] =	stream.indirect_vreg.scatter [tilespmem:s24], [sflag:$0x3], $0x80, v4, vm0, $0xb8;
	[tilespmem:$0x18100] =	vst v63  }
0x1cd: {  	_ = 	snop  }
0x1ce: {  	[hbm4b:s3+s2] =	stream.indirect_vreg.scatter [tilespmem:s25], [sflag:$0x3], $0x80, v3, vm0, $0xb8;
	[tilespmem:$0x18100] =	vst v63  }
0x1cf: {  	_ = 	snop  }
0x1d0: {  	[hbm4b:s4+s2] =	stream.indirect_vreg.scatter [tilespmem:s26], [sflag:$0x3], $0x80, v3, vm0, $0xb8;
	[tilespmem:$0x18100] =	vst v63  }
0x1d1: {  	s8 =	simm.s32 $0xB900  }
0x1d2: {  	[hbm4b:s5+s2] =	stream.indirect_vreg.scatter [tilespmem:s8], [sflag:$0x3], $0x80, v3, vm0, $0xb8;
	[tilespmem:$0x18100] =	vst v63  }
0x1d3: {  	_ =	swait.ge [sflag:s11], $0xC000  }
0x1d4: {  	[sflag:s11] =	ssyncset.done $0x0  }
0x1d5: {  	s13 =	rddreg [dreg:$0xf];
	[sflag:s11] =	ssyncadd.s32 $0xFFFF4000  }
0x1d6: {  	[tilespmem:s2], [sflag:$0x1] =	stream.linear.gather [hbm4b:s13+s2], $0x40, $0x38;
	[tilespmem:$0x18100] =	vst v63  }
0x1d7: {  	s14 =	rddreg [dreg:$0x10]  }
0x1d8: {  	[tilespmem:s9], [sflag:$0x1] =	stream.linear.gather [hbm4b:s14+s2], $0xC000, $0x38;
	[tilespmem:$0x18100] =	vst v63  }
0x1d9: {  	_ =	swait.ge [sflag:s12], $0x40  }
0x1da: {  	[sflag:s12] =	ssyncset.done $0x0  }
0x1db: {  	[sflag:s12] =	ssyncadd.s32 $0xFFFFFFC0  }
0x1dc: {  	_ =	swait.ge [sflag:s12], $0xC000  }
0x1dd: {  	[sflag:s12] =	ssyncset.done $0x0  }
0x1de: {  	[sflag:s12] =	ssyncadd.s32 $0xFFFF4000  }
0x1df: {  	v3 =	vld [tilespmem:$0x80];
	_ =	sdelay $0x4  }
0x1e0: {  	v52 =	vshrl.u32 v3, $0x3  }
0x1e1: {  	v4 =	vmul.u32 $0x30, v52  }
0x1e2: {  	v3 =	vand.u32 $0x7, v3  }
0x1e3: {  	v3 =	vor.u32 v3, v4  }
0x1e4: {  	v4 =	vperm.xlane v3, v0;
	_ =	sdelay $0x1  }
0x1e5: {  	v4 =	vadd.s32 v1, v4;
	_ =	sdelay $0x3  }
0x1e6: {  	v3 =	vperm.xlane v3, v2  }
0x1e7: {  	[hbm4b:s3+s2] =	stream.indirect_vreg.scatter [tilespmem:s1], [sflag:$0x3], $0x80, v4, vm0, $0xb8;
	[tilespmem:$0x18100] =	vst v63  }
0x1e8: {  	v3 =	vadd.s32 v1, v3  }
0x1e9: {  	[hbm4b:s4+s2] =	stream.indirect_vreg.scatter [tilespmem:s29], [sflag:$0x3], $0x80, v4, vm0, $0xb8;
	[tilespmem:$0x18100] =	vst v63  }
0x1ea: {  	_ = 	snop  }
0x1eb: {  	[hbm4b:s5+s2] =	stream.indirect_vreg.scatter [tilespmem:s28], [sflag:$0x3], $0x80, v4, vm0, $0xb8;
	[tilespmem:$0x18100] =	vst v63  }
0x1ec: {  	_ = 	snop  }
0x1ed: {  	[hbm4b:s3+s2] =	stream.indirect_vreg.scatter [tilespmem:s30], [sflag:$0x3], $0x80, v3, vm0, $0xb8;
	[tilespmem:$0x18100] =	vst v63  }
0x1ee: {  	_ = 	snop  }
0x1ef: {  	[hbm4b:s4+s2] =	stream.indirect_vreg.scatter [tilespmem:s31], [sflag:$0x3], $0x80, v3, vm0, $0xb8;
	[tilespmem:$0x18100] =	vst v63  }
0x1f0: {  	s15 =	simm.s32 $0xE900  }
0x1f1: {  	[hbm4b:s5+s2] =	stream.indirect_vreg.scatter [tilespmem:s15], [sflag:$0x3], $0x80, v3, vm0, $0xb8;
	[tilespmem:$0x18100] =	vst v63  }
0x1f2: {  	v3 =	vld [tilespmem:$0x90];
	_ =	sdelay $0x4  }
0x1f3: {  	v53 =	vshrl.u32 v3, $0x3  }
0x1f4: {  	v4 =	vmul.u32 $0x30, v53  }
0x1f5: {  	v3 =	vand.u32 $0x7, v3  }
0x1f6: {  	v3 =	vor.u32 v3, v4  }
0x1f7: {  	v4 =	vperm.xlane v3, v0;
	_ =	sdelay $0x1  }
0x1f8: {  	v4 =	vadd.s32 v1, v4;
	_ =	sdelay $0x3  }
0x1f9: {  	s16 =	simm.s32 $0xF100;
	v3 =	vperm.xlane v3, v2  }
0x1fa: {  	[hbm4b:s3+s2] =	stream.indirect_vreg.scatter [tilespmem:s16], [sflag:$0x3], $0x80, v4, vm0, $0xb8;
	[tilespmem:$0x18100] =	vst v63  }
0x1fb: {  	s17 =	simm.s32 $0xF900;
	v3 =	vadd.s32 v1, v3  }
0x1fc: {  	[hbm4b:s4+s2] =	stream.indirect_vreg.scatter [tilespmem:s17], [sflag:$0x3], $0x80, v4, vm0, $0xb8;
	[tilespmem:$0x18100] =	vst v63  }
0x1fd: {  	s0 =	simm.s32 $0x10100  }
0x1fe: {  	[hbm4b:s5+s2] =	stream.indirect_vreg.scatter [tilespmem:s0], [sflag:$0x3], $0x80, v4, vm0, $0xb8;
	[tilespmem:$0x18100] =	vst v63  }
0x1ff: {  	s18 =	simm.s32 $0x10900  }
0x200: {  	[hbm4b:s3+s2] =	stream.indirect_vreg.scatter [tilespmem:s18], [sflag:$0x3], $0x80, v3, vm0, $0xb8;
	[tilespmem:$0x18100] =	vst v63  }
0x201: {  	s1 =	simm.s32 $0x11100  }
0x202: {  	[hbm4b:s4+s2] =	stream.indirect_vreg.scatter [tilespmem:s1], [sflag:$0x3], $0x80, v3, vm0, $0xb8;
	[tilespmem:$0x18100] =	vst v63  }
0x203: {  	s19 =	simm.s32 $0x11900  }
0x204: {  	[hbm4b:s5+s2] =	stream.indirect_vreg.scatter [tilespmem:s19], [sflag:$0x3], $0x80, v3, vm0, $0xb8;
	[tilespmem:$0x18100] =	vst v63  }
0x205: {  	v3 =	vld [tilespmem:$0xA0];
	_ =	sdelay $0x4  }
0x206: {  	v54 =	vshrl.u32 v3, $0x3  }
0x207: {  	v4 =	vmul.u32 $0x30, v54  }
0x208: {  	v3 =	vand.u32 $0x7, v3  }
0x209: {  	v3 =	vor.u32 v3, v4  }
0x20a: {  	v4 =	vperm.xlane v3, v0;
	_ =	sdelay $0x1  }
0x20b: {  	v4 =	vadd.s32 v1, v4;
	_ =	sdelay $0x3  }
0x20c: {  	s20 =	simm.s32 $0x12100;
	v3 =	vperm.xlane v3, v2  }
0x20d: {  	[hbm4b:s3+s2] =	stream.indirect_vreg.scatter [tilespmem:s20], [sflag:$0x3], $0x80, v4, vm0, $0xb8;
	[tilespmem:$0x18100] =	vst v63  }
0x20e: {  	s7 =	simm.s32 $0x12900;
	v3 =	vadd.s32 v1, v3  }
0x20f: {  	[hbm4b:s4+s2] =	stream.indirect_vreg.scatter [tilespmem:s7], [sflag:$0x3], $0x80, v4, vm0, $0xb8;
	[tilespmem:$0x18100] =	vst v63  }
0x210: {  	s8 =	simm.s32 $0x13100  }
0x211: {  	[hbm4b:s5+s2] =	stream.indirect_vreg.scatter [tilespmem:s8], [sflag:$0x3], $0x80, v4, vm0, $0xb8;
	[tilespmem:$0x18100] =	vst v63  }
0x212: {  	s21 =	simm.s32 $0x13900  }
0x213: {  	[hbm4b:s3+s2] =	stream.indirect_vreg.scatter [tilespmem:s21], [sflag:$0x3], $0x80, v3, vm0, $0xb8;
	[tilespmem:$0x18100] =	vst v63  }
0x214: {  	s22 =	simm.s32 $0x14100  }
0x215: {  	[hbm4b:s4+s2] =	stream.indirect_vreg.scatter [tilespmem:s22], [sflag:$0x3], $0x80, v3, vm0, $0xb8;
	[tilespmem:$0x18100] =	vst v63  }
0x216: {  	s26 =	simm.s32 $0x14900  }
0x217: {  	[hbm4b:s5+s2] =	stream.indirect_vreg.scatter [tilespmem:s26], [sflag:$0x3], $0x80, v3, vm0, $0xb8;
	[tilespmem:$0x18100] =	vst v63  }
0x218: {  	v3 =	vld [tilespmem:$0xB0];
	_ =	sdelay $0x4  }
0x219: {  	v55 =	vshrl.u32 v3, $0x3  }
0x21a: {  	v4 =	vmul.u32 $0x30, v55  }
0x21b: {  	v3 =	vand.u32 $0x7, v3  }
0x21c: {  	v3 =	vor.u32 v3, v4  }
0x21d: {  	v4 =	vperm.xlane v3, v0;
	_ =	sdelay $0x1  }
0x21e: {  	v4 =	vadd.s32 v1, v4;
	_ =	sdelay $0x3  }
0x21f: {  	s13 =	simm.s32 $0x15100;
	v3 =	vperm.xlane v3, v2  }
0x220: {  	[hbm4b:s3+s2] =	stream.indirect_vreg.scatter [tilespmem:s13], [sflag:$0x3], $0x80, v4, vm0, $0xb8;
	[tilespmem:$0x18100] =	vst v63  }
0x221: {  	s16 =	simm.s32 $0x15900;
	v3 =	vadd.s32 v1, v3  }
0x222: {  	[hbm4b:s4+s2] =	stream.indirect_vreg.scatter [tilespmem:s16], [sflag:$0x3], $0x80, v4, vm0, $0xb8;
	[tilespmem:$0x18100] =	vst v63  }
0x223: {  	s20 =	simm.s32 $0x16100  }
0x224: {  	[hbm4b:s5+s2] =	stream.indirect_vreg.scatter [tilespmem:s20], [sflag:$0x3], $0x80, v4, vm0, $0xb8;
	[tilespmem:$0x18100] =	vst v63  }
0x225: {  	s21 =	simm.s32 $0x16900  }
0x226: {  	[hbm4b:s3+s2] =	stream.indirect_vreg.scatter [tilespmem:s21], [sflag:$0x3], $0x80, v3, vm0, $0xb8;
	[tilespmem:$0x18100] =	vst v63  }
0x227: {  	s22 =	simm.s32 $0x17100  }
0x228: {  	[hbm4b:s4+s2] =	stream.indirect_vreg.scatter [tilespmem:s22], [sflag:$0x3], $0x80, v3, vm0, $0xb8;
	[tilespmem:$0x18100] =	vst v63  }
0x229: {  	s13 =	simm.s32 $0x17900  }
0x22a: {  	[hbm4b:s5+s2] =	stream.indirect_vreg.scatter [tilespmem:s13], [sflag:$0x3], $0x80, v3, vm0, $0xb8;
	[tilespmem:$0x18100] =	vst v63  }
0x22b: {  	_ =	swait.ge [sflag:s11], $0xC000  }
0x22c: {  	[sflag:s11] =	ssyncset.done $0x0  }
0x22d: {  	s13 =	simm.s32 $0x80;
	s15 =	rddreg [dreg:$0x11];
	[sflag:s11] =	ssyncadd.s32 $0xFFFF4000  }
0x22e: {  	[tilespmem:s13], [sflag:$0x2] =	stream.linear.gather [hbm4b:s15+s2], $0x40, $0x38;
	[tilespmem:$0x18100] =	vst v63  }
0x22f: {  	s16 =	rddreg [dreg:$0x12];
	s15 =	simm.s32 $0xC100  }
0x230: {  	[tilespmem:s15], [sflag:$0x2] =	stream.linear.gather [hbm4b:s16+s2], $0xC000, $0x38;
	[tilespmem:$0x18100] =	vst v63  }
0x231: {  	_ =	swait.ge [sflag:s10], $0x40  }
0x232: {  	[sflag:s10] =	ssyncset.done $0x0  }
0x233: {  	[sflag:s10] =	ssyncadd.s32 $0xFFFFFFC0  }
0x234: {  	_ =	swait.ge [sflag:s10], $0xC000  }
0x235: {  	[sflag:s10] =	ssyncset.done $0x0  }
0x236: {  	[sflag:s10] =	ssyncadd.s32 $0xFFFF4000  }
0x237: {  	v3 =	vld [tilespmem:$0x0];
	_ =	sdelay $0x4  }
0x238: {  	v56 =	vshrl.u32 v3, $0x3  }
0x239: {  	v4 =	vmul.u32 $0x30, v56  }
0x23a: {  	v3 =	vand.u32 $0x7, v3  }
0x23b: {  	v3 =	vor.u32 v3, v4  }
0x23c: {  	v4 =	vperm.xlane v3, v0;
	_ =	sdelay $0x1  }
0x23d: {  	v4 =	vadd.s32 v1, v4;
	_ =	sdelay $0x3  }
0x23e: {  	v3 =	vperm.xlane v3, v2  }
0x23f: {  	[hbm4b:s3+s2] =	stream.indirect_vreg.scatter [tilespmem:s9], [sflag:$0x3], $0x80, v4, vm0, $0xb8;
	[tilespmem:$0x18100] =	vst v63  }
0x240: {  	s16 =	simm.s32 $0x900;
	v3 =	vadd.s32 v1, v3  }
0x241: {  	[hbm4b:s4+s2] =	stream.indirect_vreg.scatter [tilespmem:s16], [sflag:$0x3], $0x80, v4, vm0, $0xb8;
	[tilespmem:$0x18100] =	vst v63  }
0x242: {  	s13 =	simm.s32 $0x1100  }
0x243: {  	[hbm4b:s5+s2] =	stream.indirect_vreg.scatter [tilespmem:s13], [sflag:$0x3], $0x80, v4, vm0, $0xb8;
	[tilespmem:$0x18100] =	vst v63  }
0x244: {  	s16 =	simm.s32 $0x1900  }
0x245: {  	[hbm4b:s3+s2] =	stream.indirect_vreg.scatter [tilespmem:s16], [sflag:$0x3], $0x80, v3, vm0, $0xb8;
	[tilespmem:$0x18100] =	vst v63  }
0x246: {  	s13 =	simm.s32 $0x2100  }
0x247: {  	[hbm4b:s4+s2] =	stream.indirect_vreg.scatter [tilespmem:s13], [sflag:$0x3], $0x80, v3, vm0, $0xb8;
	[tilespmem:$0x18100] =	vst v63  }
0x248: {  	s16 =	simm.s32 $0x2900  }
0x249: {  	[hbm4b:s5+s2] =	stream.indirect_vreg.scatter [tilespmem:s16], [sflag:$0x3], $0x80, v3, vm0, $0xb8;
	[tilespmem:$0x18100] =	vst v63  }
0x24a: {  	v3 =	vld [tilespmem:$0x10];
	_ =	sdelay $0x4  }
0x24b: {  	v57 =	vshrl.u32 v3, $0x3  }
0x24c: {  	v4 =	vmul.u32 $0x30, v57  }
0x24d: {  	v3 =	vand.u32 $0x7, v3  }
0x24e: {  	v3 =	vor.u32 v3, v4  }
0x24f: {  	v4 =	vperm.xlane v3, v0;
	_ =	sdelay $0x1  }
0x250: {  	v4 =	vadd.s32 v1, v4;
	_ =	sdelay $0x3  }
0x251: {  	s13 =	simm.s32 $0x3100;
	v3 =	vperm.xlane v3, v2  }
0x252: {  	[hbm4b:s3+s2] =	stream.indirect_vreg.scatter [tilespmem:s13], [sflag:$0x3], $0x80, v4, vm0, $0xb8;
	[tilespmem:$0x18100] =	vst v63  }
0x253: {  	s16 =	simm.s32 $0x3900;
	v3 =	vadd.s32 v1, v3  }
0x254: {  	[hbm4b:s4+s2] =	stream.indirect_vreg.scatter [tilespmem:s16], [sflag:$0x3], $0x80, v4, vm0, $0xb8;
	[tilespmem:$0x18100] =	vst v63  }
0x255: {  	s13 =	simm.s32 $0x4100  }
0x256: {  	[hbm4b:s5+s2] =	stream.indirect_vreg.scatter [tilespmem:s13], [sflag:$0x3], $0x80, v4, vm0, $0xb8;
	[tilespmem:$0x18100] =	vst v63  }
0x257: {  	s16 =	simm.s32 $0x4900  }
0x258: {  	[hbm4b:s3+s2] =	stream.indirect_vreg.scatter [tilespmem:s16], [sflag:$0x3], $0x80, v3, vm0, $0xb8;
	[tilespmem:$0x18100] =	vst v63  }
0x259: {  	s13 =	simm.s32 $0x5100  }
0x25a: {  	[hbm4b:s4+s2] =	stream.indirect_vreg.scatter [tilespmem:s13], [sflag:$0x3], $0x80, v3, vm0, $0xb8;
	[tilespmem:$0x18100] =	vst v63  }
0x25b: {  	s16 =	simm.s32 $0x5900  }
0x25c: {  	[hbm4b:s5+s2] =	stream.indirect_vreg.scatter [tilespmem:s16], [sflag:$0x3], $0x80, v3, vm0, $0xb8;
	[tilespmem:$0x18100] =	vst v63  }
0x25d: {  	v3 =	vld [tilespmem:$0x20];
	_ =	sdelay $0x4  }
0x25e: {  	v58 =	vshrl.u32 v3, $0x3  }
0x25f: {  	v4 =	vmul.u32 $0x30, v58  }
0x260: {  	v3 =	vand.u32 $0x7, v3  }
0x261: {  	v3 =	vor.u32 v3, v4  }
0x262: {  	v4 =	vperm.xlane v3, v0;
	_ =	sdelay $0x1  }
0x263: {  	v4 =	vadd.s32 v1, v4;
	_ =	sdelay $0x3  }
0x264: {  	s13 =	simm.s32 $0x6100;
	v3 =	vperm.xlane v3, v2  }
0x265: {  	[hbm4b:s3+s2] =	stream.indirect_vreg.scatter [tilespmem:s13], [sflag:$0x3], $0x80, v4, vm0, $0xb8;
	[tilespmem:$0x18100] =	vst v63  }
0x266: {  	s16 =	simm.s32 $0x6900;
	v3 =	vadd.s32 v1, v3  }
0x267: {  	[hbm4b:s4+s2] =	stream.indirect_vreg.scatter [tilespmem:s16], [sflag:$0x3], $0x80, v4, vm0, $0xb8;
	[tilespmem:$0x18100] =	vst v63  }
0x268: {  	s13 =	simm.s32 $0x7100  }
0x269: {  	[hbm4b:s5+s2] =	stream.indirect_vreg.scatter [tilespmem:s13], [sflag:$0x3], $0x80, v4, vm0, $0xb8;
	[tilespmem:$0x18100] =	vst v63  }
0x26a: {  	s16 =	simm.s32 $0x7900  }
0x26b: {  	[hbm4b:s3+s2] =	stream.indirect_vreg.scatter [tilespmem:s16], [sflag:$0x3], $0x80, v3, vm0, $0xb8;
	[tilespmem:$0x18100] =	vst v63  }
0x26c: {  	s13 =	simm.s32 $0x8100  }
0x26d: {  	[hbm4b:s4+s2] =	stream.indirect_vreg.scatter [tilespmem:s13], [sflag:$0x3], $0x80, v3, vm0, $0xb8;
	[tilespmem:$0x18100] =	vst v63  }
0x26e: {  	s16 =	simm.s32 $0x8900  }
0x26f: {  	[hbm4b:s5+s2] =	stream.indirect_vreg.scatter [tilespmem:s16], [sflag:$0x3], $0x80, v3, vm0, $0xb8;
	[tilespmem:$0x18100] =	vst v63  }
0x270: {  	v3 =	vld [tilespmem:$0x30];
	_ =	sdelay $0x4  }
0x271: {  	v59 =	vshrl.u32 v3, $0x3  }
0x272: {  	v4 =	vmul.u32 $0x30, v59  }
0x273: {  	v3 =	vand.u32 $0x7, v3  }
0x274: {  	v3 =	vor.u32 v3, v4  }
0x275: {  	v4 =	vperm.xlane v3, v0;
	_ =	sdelay $0x1  }
0x276: {  	v4 =	vadd.s32 v1, v4;
	_ =	sdelay $0x3  }
0x277: {  	s13 =	simm.s32 $0x9100;
	v3 =	vperm.xlane v3, v2  }
0x278: {  	[hbm4b:s3+s2] =	stream.indirect_vreg.scatter [tilespmem:s13], [sflag:$0x3], $0x80, v4, vm0, $0xb8;
	[tilespmem:$0x18100] =	vst v63  }
0x279: {  	s16 =	simm.s32 $0x9900;
	v3 =	vadd.s32 v1, v3  }
0x27a: {  	[hbm4b:s4+s2] =	stream.indirect_vreg.scatter [tilespmem:s16], [sflag:$0x3], $0x80, v4, vm0, $0xb8;
	[tilespmem:$0x18100] =	vst v63  }
0x27b: {  	s13 =	simm.s32 $0xA100  }
0x27c: {  	[hbm4b:s5+s2] =	stream.indirect_vreg.scatter [tilespmem:s13], [sflag:$0x3], $0x80, v4, vm0, $0xb8;
	[tilespmem:$0x18100] =	vst v63  }
0x27d: {  	s16 =	simm.s32 $0xA900  }
0x27e: {  	[hbm4b:s3+s2] =	stream.indirect_vreg.scatter [tilespmem:s16], [sflag:$0x3], $0x80, v3, vm0, $0xb8;
	[tilespmem:$0x18100] =	vst v63  }
0x27f: {  	s13 =	simm.s32 $0xB100  }
0x280: {  	[hbm4b:s4+s2] =	stream.indirect_vreg.scatter [tilespmem:s13], [sflag:$0x3], $0x80, v3, vm0, $0xb8;
	[tilespmem:$0x18100] =	vst v63  }
0x281: {  	s16 =	simm.s32 $0xB900  }
0x282: {  	[hbm4b:s5+s2] =	stream.indirect_vreg.scatter [tilespmem:s16], [sflag:$0x3], $0x80, v3, vm0, $0xb8;
	[tilespmem:$0x18100] =	vst v63  }
0x283: {  	_ =	swait.ge [sflag:s11], $0xC000  }
0x284: {  	[sflag:s11] =	ssyncset.done $0x0  }
0x285: {  	[sflag:s11] =	ssyncadd.s32 $0xFFFF4000  }
0x286: {  	_ =	swait.ge [sflag:s12], $0x40  }
0x287: {  	[sflag:s12] =	ssyncset.done $0x0  }
0x288: {  	[sflag:s12] =	ssyncadd.s32 $0xFFFFFFC0  }
0x289: {  	_ =	swait.ge [sflag:s12], $0xC000  }
0x28a: {  	[sflag:s12] =	ssyncset.done $0x0  }
0x28b: {  	[sflag:s12] =	ssyncadd.s32 $0xFFFF4000  }
0x28c: {  	v3 =	vld [tilespmem:$0x80];
	_ =	sdelay $0x4  }
0x28d: {  	v60 =	vshrl.u32 v3, $0x3  }
0x28e: {  	v4 =	vmul.u32 $0x30, v60  }
0x28f: {  	v3 =	vand.u32 $0x7, v3  }
0x290: {  	v3 =	vor.u32 v3, v4  }
0x291: {  	v4 =	vperm.xlane v3, v0;
	_ =	sdelay $0x1  }
0x292: {  	v4 =	vadd.s32 v1, v4;
	_ =	sdelay $0x3  }
0x293: {  	v3 =	vperm.xlane v3, v2  }
0x294: {  	[hbm4b:s3+s2] =	stream.indirect_vreg.scatter [tilespmem:s15], [sflag:$0x3], $0x80, v4, vm0, $0xb8;
	[tilespmem:$0x18100] =	vst v63  }
0x295: {  	s29 =	simm.s32 $0xC900;
	v3 =	vadd.s32 v1, v3  }
0x296: {  	[hbm4b:s4+s2] =	stream.indirect_vreg.scatter [tilespmem:s29], [sflag:$0x3], $0x80, v4, vm0, $0xb8;
	[tilespmem:$0x18100] =	vst v63  }
0x297: {  	s28 =	simm.s32 $0xD100  }
0x298: {  	[hbm4b:s5+s2] =	stream.indirect_vreg.scatter [tilespmem:s28], [sflag:$0x3], $0x80, v4, vm0, $0xb8;
	[tilespmem:$0x18100] =	vst v63  }
0x299: {  	s30 =	simm.s32 $0xD900  }
0x29a: {  	[hbm4b:s3+s2] =	stream.indirect_vreg.scatter [tilespmem:s30], [sflag:$0x3], $0x80, v3, vm0, $0xb8;
	[tilespmem:$0x18100] =	vst v63  }
0x29b: {  	s31 =	simm.s32 $0xE100  }
0x29c: {  	[hbm4b:s4+s2] =	stream.indirect_vreg.scatter [tilespmem:s31], [sflag:$0x3], $0x80, v3, vm0, $0xb8;
	[tilespmem:$0x18100] =	vst v63  }
0x29d: {  	s14 =	simm.s32 $0xE900  }
0x29e: {  	[hbm4b:s5+s2] =	stream.indirect_vreg.scatter [tilespmem:s14], [sflag:$0x3], $0x80, v3, vm0, $0xb8;
	[tilespmem:$0x18100] =	vst v63  }
0x29f: {  	v3 =	vld [tilespmem:$0x90];
	_ =	sdelay $0x4  }
0x2a0: {  	v61 =	vshrl.u32 v3, $0x3  }
0x2a1: {  	v4 =	vmul.u32 $0x30, v61  }
0x2a2: {  	v3 =	vand.u32 $0x7, v3  }
0x2a3: {  	v3 =	vor.u32 v3, v4  }
0x2a4: {  	v4 =	vperm.xlane v3, v0;
	_ =	sdelay $0x1  }
0x2a5: {  	v4 =	vadd.s32 v1, v4;
	_ =	sdelay $0x3  }
0x2a6: {  	s23 =	simm.s32 $0xF100;
	v3 =	vperm.xlane v3, v2  }
0x2a7: {  	[hbm4b:s3+s2] =	stream.indirect_vreg.scatter [tilespmem:s23], [sflag:$0x3], $0x80, v4, vm0, $0xb8;
	[tilespmem:$0x18100] =	vst v63  }
0x2a8: {  	s28 =	simm.s32 $0xF900;
	v3 =	vadd.s32 v1, v3  }
0x2a9: {  	[hbm4b:s4+s2] =	stream.indirect_vreg.scatter [tilespmem:s28], [sflag:$0x3], $0x80, v4, vm0, $0xb8;
	[tilespmem:$0x18100] =	vst v63  }
0x2aa: {  	_ = 	snop  }
0x2ab: {  	[hbm4b:s5+s2] =	stream.indirect_vreg.scatter [tilespmem:s0], [sflag:$0x3], $0x80, v4, vm0, $0xb8;
	[tilespmem:$0x18100] =	vst v63  }
0x2ac: {  	s17 =	simm.s32 $0x10900  }
0x2ad: {  	[hbm4b:s3+s2] =	stream.indirect_vreg.scatter [tilespmem:s17], [sflag:$0x3], $0x80, v3, vm0, $0xb8;
	[tilespmem:$0x18100] =	vst v63  }
0x2ae: {  	_ = 	snop  }
0x2af: {  	[hbm4b:s4+s2] =	stream.indirect_vreg.scatter [tilespmem:s1], [sflag:$0x3], $0x80, v3, vm0, $0xb8;
	[tilespmem:$0x18100] =	vst v63  }
0x2b0: {  	s24 =	simm.s32 $0x11900  }
0x2b1: {  	[hbm4b:s5+s2] =	stream.indirect_vreg.scatter [tilespmem:s24], [sflag:$0x3], $0x80, v3, vm0, $0xb8;
	[tilespmem:$0x18100] =	vst v63  }
0x2b2: {  	v3 =	vld [tilespmem:$0xA0];
	_ =	sdelay $0x4  }
0x2b3: {  	v62 =	vshrl.u32 v3, $0x3  }
0x2b4: {  	v4 =	vmul.u32 $0x30, v62  }
0x2b5: {  	v3 =	vand.u32 $0x7, v3  }
0x2b6: {  	v3 =	vor.u32 v3, v4  }
0x2b7: {  	v4 =	vperm.xlane v3, v0;
	_ =	sdelay $0x1  }
0x2b8: {  	v4 =	vadd.s32 v1, v4;
	_ =	sdelay $0x3  }
0x2b9: {  	s25 =	simm.s32 $0x12100;
	v3 =	vperm.xlane v3, v2  }
0x2ba: {  	[hbm4b:s3+s2] =	stream.indirect_vreg.scatter [tilespmem:s25], [sflag:$0x3], $0x80, v4, vm0, $0xb8;
	[tilespmem:$0x18100] =	vst v63  }
0x2bb: {  	v3 =	vadd.s32 v1, v3  }
0x2bc: {  	[hbm4b:s4+s2] =	stream.indirect_vreg.scatter [tilespmem:s7], [sflag:$0x3], $0x80, v4, vm0, $0xb8;
	[tilespmem:$0x18100] =	vst v63  }
0x2bd: {  	_ = 	snop  }
0x2be: {  	[hbm4b:s5+s2] =	stream.indirect_vreg.scatter [tilespmem:s8], [sflag:$0x3], $0x80, v4, vm0, $0xb8;
	[tilespmem:$0x18100] =	vst v63  }
0x2bf: {  	s18 =	simm.s32 $0x13900  }
0x2c0: {  	[hbm4b:s3+s2] =	stream.indirect_vreg.scatter [tilespmem:s18], [sflag:$0x3], $0x80, v3, vm0, $0xb8;
	[tilespmem:$0x18100] =	vst v63  }
0x2c1: {  	s19 =	simm.s32 $0x14100  }
0x2c2: {  	[hbm4b:s4+s2] =	stream.indirect_vreg.scatter [tilespmem:s19], [sflag:$0x3], $0x80, v3, vm0, $0xb8;
	[tilespmem:$0x18100] =	vst v63  }
0x2c3: {  	s26 =	simm.s32 $0x14900  }
0x2c4: {  	[hbm4b:s5+s2] =	stream.indirect_vreg.scatter [tilespmem:s26], [sflag:$0x3], $0x80, v3, vm0, $0xb8;
	[tilespmem:$0x18100] =	vst v63  }
0x2c5: {  	v3 =	vld [tilespmem:$0xB0];
	_ =	sdelay $0x4  }
0x2c6: {  	v63 =	vshrl.u32 v3, $0x3  }
0x2c7: {  	v4 =	vmul.u32 $0x30, v63  }
0x2c8: {  	v3 =	vand.u32 $0x7, v3  }
0x2c9: {  	v3 =	vor.u32 v3, v4  }
0x2ca: {  	v4 =	vperm.xlane v3, v0;
	_ =	sdelay $0x1  }
0x2cb: {  	v4 =	vadd.s32 v1, v4;
	_ =	sdelay $0x3  }
0x2cc: {  	s29 =	simm.s32 $0x15100;
	v3 =	vperm.xlane v3, v2  }
0x2cd: {  	[hbm4b:s3+s2] =	stream.indirect_vreg.scatter [tilespmem:s29], [sflag:$0x3], $0x80, v4, vm0, $0xb8;
	[tilespmem:$0x18100] =	vst v63  }
0x2ce: {  	s30 =	simm.s32 $0x15900;
	v3 =	vadd.s32 v1, v3  }
0x2cf: {  	[hbm4b:s4+s2] =	stream.indirect_vreg.scatter [tilespmem:s30], [sflag:$0x3], $0x80, v4, vm0, $0xb8;
	[tilespmem:$0x18100] =	vst v63  }
0x2d0: {  	s20 =	simm.s32 $0x16100  }
0x2d1: {  	[hbm4b:s5+s2] =	stream.indirect_vreg.scatter [tilespmem:s20], [sflag:$0x3], $0x80, v4, vm0, $0xb8;
	[tilespmem:$0x18100] =	vst v63  }
0x2d2: {  	s21 =	simm.s32 $0x16900  }
0x2d3: {  	[hbm4b:s3+s2] =	stream.indirect_vreg.scatter [tilespmem:s21], [sflag:$0x3], $0x80, v3, vm0, $0xb8;
	[tilespmem:$0x18100] =	vst v63  }
0x2d4: {  	p0 =	sne.s32 s6, $0x1;
	s22 =	simm.s32 $0x17100  }
0x2d5: {  	[hbm4b:s4+s2] =	stream.indirect_vreg.scatter [tilespmem:s22], [sflag:$0x3], $0x80, v3, vm0, $0xb8;
	[tilespmem:$0x18100] =	vst v63  }
.Ltmp0:
0x2d6: {  	s31 =	simm.s32 $0x17900;
	(pc) =	sbr.rel @p0 .LBB2_1-.Ltmp0, $4  }
0x2d7: {  	[hbm4b:s5+s2] =	stream.indirect_vreg.scatter [tilespmem:s31], [sflag:$0x3], $0x80, v3, vm0, $0xb8;
	[tilespmem:$0x18100] =	vst v63  }
0x2d8: {  	_ =	swait.ge [sflag:s11], $0xC000  }
0x2d9: {  	[sflag:s11] =	ssyncset.done $0x0  }
0x2da: {  	s6 =	sadd.s32 $0xFFFFFFFF, s6;
	[sflag:s11] =	ssyncadd.s32 $0xFFFF4000  }
0x2db: {  	_ =	sfence.sel $0x180000  }
0x2dc: {  	[bflag:$0x0] =	sbarrier.arrive $0xFFFF  }
0x2dd: {  	_ =	strace $0x90000047  }
0x2de: {  	s0 =	stileid.u32;
	[bflag:$0x2] =	sbarrier.arrive $0xFFFF  }
0x2df: {  	p0 =	sne.s32 s0, $0x0;
	s0 =	rddreg [dreg:$0x2]  }
0x2e0: {  	s0 =	sadd.s32 @!p0 $0x100000, s0  }
0x2e1: {  	[sflag:s0] =	ssyncadd.tile.s32 @!p0 $0x1;
	_ =	shalt  }
.Lfunc_end2:
_tile_overlayer_lowered:
.L_overlay_start_2:
0x2e2: {  	(tag) =	ssettag $0x2  }
0x2e3: {  	s0 =	rddreg [dreg:$0x0];
	s2 =	stileid.u32  }
0x2e4: {  	s1 =	rddreg [dreg:$0x1];
	p0 =	sne.s32 s2, $0x0  }
0x2e5: {  	s3 =	rddreg [dreg:$0x2];
	[bflag:$0x3] =	sbarrier.arrive $0xFFFF;
	s2 =	simm.s32 @!p0 $0x1C04  }
0x2e6: {  	[timem:s3], [sflag:s2] =	dma.local @!p0 [hbm:s0], s1  }
0x2e7: {  	s0 =	simm.s32 @!p0 $0x4  }
0x2e8: {  	_ =	swait.ge @!p0 [sflag:s0], s1  }
0x2e9: {  	s1 =	ssub.s32 @!p0 $0x0, s1;
	[sflag:s0] =	ssyncset.done @!p0 $0x0  }
0x2ea: {  	[sflag:s0] =	ssyncadd.s32 @!p0 s1  }
0x2eb: {  	[bflag:$0x3] =	sbarrier.arrive $0xFFFF  }
0x2ec: {  	_ =	shalt  }

</sc_bundles>
